<compile_context>
chip_gen: v7x
topology: tpu7x:2x2x1
jax: 0.10.2.dev20260603
libtpu: 0.0.44.dev20260713+nightly
codegen_flags: <defaults>
</compile_context>

<pallas_src>
import jax
import jax.numpy as jnp
from jax import lax
from jax.experimental import pallas as pl
from jax.experimental.pallas import tpu as pltpu
from jax.experimental.pallas import tpu_sc as plsc

N = 10000
D = 128
NC, NS, L = 2, 16, 16
NGRP_DEG = 2
CHUNK = 128
CPTT = 160
GRP = 40
NG_C0 = 2
NG_C1 = 2
EPAD = NS * CPTT * CHUNK
NPAD = 10016
NACC = 10240
RPT = NACC // NS


def _sc_mesh():
    return plsc.VectorSubcoreMesh(
        core_axis_name="c", subcore_axis_name="s",
        num_cores=NC, num_subcores=NS)


def _deg_body(dstm, outd, hist, dst_v):
    c = lax.axis_index("c")
    s = lax.axis_index("s")
    zv = jnp.zeros((L,), jnp.float32)

    def zero_step(i, carry):
        hist[pl.ds(i * L, L)] = zv
        return carry

    lax.fori_loop(0, NACC // L, zero_step, 0)

    def group(g, carry):
        pltpu.sync_copy(
            dstm.at[s, pl.ds((c * NGRP_DEG + g) * GRP, GRP)], dst_v)

        def step(i, inner):
            row = i // (CHUNK // L)
            col = (i % (CHUNK // L)) * L
            idx = dst_v[row, pl.ds(col, L)]
            cnt, last = plsc.scan_count(idx)
            plsc.addupdate_scatter(hist, [idx], cnt.astype(jnp.float32),
                                   mask=last)
            return inner

        lax.fori_loop(0, GRP * CHUNK // L, step, 0)
        return carry

    lax.fori_loop(0, NGRP_DEG, group, 0)
    pltpu.sync_copy(hist, outd.at[c, s])


def _make_deg_call():
    return pl.kernel(
        _deg_body,
        out_type=jax.ShapeDtypeStruct((NC, NS, NACC), jnp.float32),
        mesh=_sc_mesh(),
        scratch_types=[
            pltpu.VMEM((NACC,), jnp.float32),
            pltpu.VMEM((GRP, CHUNK), jnp.int32),
        ],
        compiler_params=pltpu.CompilerParams(needs_layout_passes=False),
    )


NSPLIT = 1
SROWS = CHUNK // NSPLIT


def _agg_body(y, srcm, dstm, zrows_hbm, out, acc,
              src_v, dst_v, rows_v, *sems):
    c = lax.axis_index("c")
    s = lax.axis_index("s")
    row0 = s * RPT
    pltpu.sync_copy(zrows_hbm, acc.at[pl.ds(row0, RPT)])
    plsc.subcore_barrier()

    def start_gather(ch, b):
        for k in range(NSPLIT):
            pltpu.async_copy(
                y.at[src_v.at[pl.ds(ch * CHUNK + k * SROWS, SROWS)]],
                rows_v.at[b, pl.ds(k * SROWS, SROWS)],
                sems[b * NSPLIT + k])

    def wait_gather(ch, b):
        for k in range(NSPLIT):
            pltpu.make_async_copy(
                y.at[src_v.at[pl.ds(ch * CHUNK + k * SROWS, SROWS)]],
                rows_v.at[b, pl.ds(k * SROWS, SROWS)],
                sems[b * NSPLIT + k]).wait()

    goff = lax.select(c == 0, 0, NG_C0)
    ngrp = lax.select(c == 0, NG_C0, NG_C1)

    def group(g, carry):
        gg = goff + g
        pltpu.sync_copy(srcm.at[s, gg], src_v)
        pltpu.sync_copy(dstm.at[s, pl.ds(gg * GRP, GRP)], dst_v)
        start_gather(0, 0)

        def step(j, inner):
            for b in range(2):
                ch = j * 2 + b
                nxt = ch + 1
                nb = (b + 1) % 2

                @pl.when(nxt < GRP)
                def _():
                    start_gather(nxt, nb)

                wait_gather(ch, b)
                pltpu.sync_copy(rows_v.at[b], acc.at[dst_v.at[ch]], add=True)
            return inner

        lax.fori_loop(0, GRP // 2, step, 0)
        return carry

    lax.fori_loop(0, ngrp, group, 0)
    plsc.subcore_barrier()
    pltpu.sync_copy(acc.at[pl.ds(row0, RPT)], out.at[c, pl.ds(row0, RPT)])


def _make_agg_call():
    return pl.kernel(
        _agg_body,
        out_type=jax.ShapeDtypeStruct((NC, NACC, D), jnp.float32),
        mesh=_sc_mesh(),
        scratch_types=[
            pltpu.MemorySpace.VMEM_SHARED((NACC, D), jnp.float32),
            pltpu.VMEM((GRP * CHUNK,), jnp.int32),
            pltpu.VMEM((GRP, CHUNK), jnp.int32),
            pltpu.VMEM((2, CHUNK, D), jnp.float32),
        ] + [pltpu.SemaphoreType.DMA] * (2 * NSPLIT),
    )


def _tc1_body(x_ref, w_ref, degp_ref, onev_ref, y_ref, dinv_ref):
    deg = lax.dot_general(
        degp_ref[...], onev_ref[...], (((0,), (0,)), ((), ())),
        preferred_element_type=jnp.float32)
    dinv = lax.rsqrt(1.0 + deg[0:NPAD, :])
    xw = jnp.dot(x_ref[...], w_ref[...], preferred_element_type=jnp.float32)
    y_ref[...] = xw * dinv
    dinv_ref[...] = dinv


def _bn_relu(p_ref, yprev_ref, dinv_ref, b_ref, g_ref, bt_ref):
    agg = p_ref[0, 0:NPAD, :] + p_ref[1, 0:NPAD, :] + yprev_ref[0:NPAD, :]
    dinv = dinv_ref[...]
    z = agg * dinv + b_ref[...]
    rows = lax.broadcasted_iota(jnp.int32, (NPAD, 1), 0)
    m = (rows < N).astype(jnp.float32)
    zm = z * m
    mean = jnp.sum(zm, axis=0, keepdims=True) * (1.0 / N)
    d = (z - mean) * m
    var = jnp.sum(d * d, axis=0, keepdims=True) * (1.0 / N)
    hn = (z - mean) * lax.rsqrt(var + 1e-5) * g_ref[...] + bt_ref[...]
    return jnp.maximum(hn, 0.0) * m, dinv


def _tc_mid_body(p_ref, yprev_ref, dinv_ref, b_ref, g_ref, bt_ref, w_ref,
                 yout_ref):
    h, dinv = _bn_relu(p_ref, yprev_ref, dinv_ref, b_ref, g_ref, bt_ref)
    yout_ref[...] = jnp.dot(
        h, w_ref[...], preferred_element_type=jnp.float32) * dinv


def _tc_fin_body(p_ref, yprev_ref, dinv_ref, b_ref, g_ref, bt_ref, wf_ref,
                 bf_ref, out_ref):
    h, _ = _bn_relu(p_ref, yprev_ref, dinv_ref, b_ref, g_ref, bt_ref)
    o = jnp.dot(h, wf_ref[...], preferred_element_type=jnp.float32)
    o = o + bf_ref[...]
    mx = jnp.max(o, axis=1, keepdims=True)
    sh = o - mx
    lse = jnp.log(jnp.sum(jnp.exp(sh), axis=1, keepdims=True))
    out_ref[...] = (sh - lse)[0:N, :]


def _tc1_call(x_p, W1, degp, onev):
    return pl.pallas_call(
        _tc1_body,
        out_shape=(jax.ShapeDtypeStruct((NPAD, D), jnp.float32),
                   jax.ShapeDtypeStruct((NPAD, 1), jnp.float32)),
    )(x_p, W1, degp, onev)


def _tc_mid_call(p, yprev, dinv, b, g, bt, Wn):
    return pl.pallas_call(
        _tc_mid_body,
        out_shape=jax.ShapeDtypeStruct((NPAD, D), jnp.float32),
    )(p, yprev, dinv, b, g, bt, Wn)


def _tc_fin_call(p, yprev, dinv, b, g, bt, Wf, bf):
    return pl.pallas_call(
        _tc_fin_body,
        out_shape=jax.ShapeDtypeStruct((N, 16), jnp.float32),
    )(p, yprev, dinv, b, g, bt, Wf, bf)


def kernel(x, edge_index, W1, b1, g1, bt1, W2, b2, g2, bt2,
           W3, b3, g3, bt3, Wf, bf):
    src = edge_index[0]
    dst = edge_index[1]
    e = src.shape[0]
    npad_e = EPAD - e
    pad_src = (jnp.arange(npad_e, dtype=jnp.int32) * 977) % N
    pad_dst = N + (jnp.arange(npad_e, dtype=jnp.int32) % (NACC - N))
    src_p = jnp.concatenate([src, pad_src]).reshape(
        NS, CPTT // GRP, GRP * CHUNK)
    dst_p = jnp.concatenate([dst, pad_dst]).reshape(NS, CPTT, CHUNK)
    x_p = jnp.zeros((NPAD, D), jnp.float32).at[0:N].set(x)

    onev = jnp.ones((NC * NS, 1), jnp.float32)
    zrows = jnp.zeros((RPT, D), jnp.float32)

    b1r, g1r, bt1r = b1.reshape(1, D), g1.reshape(1, D), bt1.reshape(1, D)
    b2r, g2r, bt2r = b2.reshape(1, D), g2.reshape(1, D), bt2.reshape(1, D)
    b3r, g3r, bt3r = b3.reshape(1, D), g3.reshape(1, D), bt3.reshape(1, D)
    bfr = bf.reshape(1, 16)

    deg_call = _make_deg_call()
    agg_call = _make_agg_call()

    degp = deg_call(dst_p).reshape(NC * NS, NACC)
    y1, dinv = _tc1_call(x_p, W1, degp, onev)
    p1 = agg_call(y1, src_p, dst_p, zrows)
    y2 = _tc_mid_call(p1, y1, dinv, b1r, g1r, bt1r, W2)
    p2 = agg_call(y2, src_p, dst_p, zrows)
    y3 = _tc_mid_call(p2, y2, dinv, b2r, g2r, bt2r, W3)
    p3 = agg_call(y3, src_p, dst_p, zrows)
    return _tc_fin_call(p3, y3, dinv, b3r, g3r, bt3r, Wf, bfr)

# --- scband reference (transcript-rebuilt; emitter-appended) ---
"""Pipeline reference for scband-gcn-12773232738827 (READ-ONLY COPY).

The authoritative reference and input builder live on the scoring server;
editing this copy changes nothing except your own understanding.
"""

import jax, jax.numpy as jnp
import numpy as np

N = 10000; E = 320000; D = 128; H = 128; C = 16

def setup_inputs(seed: int = 0):
    key = jax.random.key(seed)
    ks = jax.random.split(key, 16)
    inp = {}
    inp["x"] = jax.random.normal(ks[0], (N, D), dtype=jnp.float32)
    inp["edge_index"] = jax.random.randint(ks[1], (2, E), 0, N, dtype=jnp.int32)
    dims = [(D, H), (H, H), (H, H)]
    for i, (fi, fo) in enumerate(dims, start=1):
        inp[f"W{i}"] = jax.random.normal(ks[1 + i], (fi, fo), dtype=jnp.float32) / np.sqrt(fi)
        inp[f"b{i}"] = jnp.zeros((fo,), dtype=jnp.float32)
        inp[f"g{i}"] = jnp.ones((fo,), dtype=jnp.float32)
        inp[f"bt{i}"] = jnp.zeros((fo,), dtype=jnp.float32)
    inp["Wf"] = jax.random.normal(ks[10], (H, C), dtype=jnp.float32) / np.sqrt(H)
    inp["bf"] = jnp.zeros((C,), dtype=jnp.float32)
    return inp

def gcn_conv(x, edge_index, W, b):
    # PyG GCNConv: linear transform, add self-loops, symmetric degree normalization,
    # scatter-add aggregation over destination nodes, then bias.
    n = x.shape[0]
    loop = jnp.arange(n, dtype=edge_index.dtype)
    src = jnp.concatenate([edge_index[0], loop])
    dst = jnp.concatenate([edge_index[1], loop])
    xw = x @ W
    deg = jnp.zeros((n,), dtype=x.dtype).at[dst].add(1.0)
    dinv = jnp.where(deg > 0, deg ** -0.5, 0.0)
    norm = dinv[src] * dinv[dst]
    msg = xw[src] * norm[:, None]
    out = jnp.zeros_like(xw).at[dst].add(msg)
    return out + b

def batch_norm(x, gamma, beta, eps=1e-5):
    # BatchNorm1d in training mode: per-batch statistics (biased variance)
    mean = jnp.mean(x, axis=0)
    var = jnp.mean((x - mean) ** 2, axis=0)
    return (x - mean) / jnp.sqrt(var + eps) * gamma + beta

def reference(x, edge_index, W1, b1, g1, bt1, W2, b2, g2, bt2, W3, b3, g3, bt3, Wf, bf):
    h = x
    for (W, b, g, bt) in [(W1, b1, g1, bt1), (W2, b2, g2, bt2), (W3, b3, g3, bt3)]:
        h = gcn_conv(h, edge_index, W, b)
        h = batch_norm(h, g, bt)
        h = jax.nn.relu(h)
        # dropout p=0 -> identity
    out = h @ Wf + bf
    return jax.nn.log_softmax(out, axis=1)

if __name__ == "__main__":
    import jax
    _d = setup_inputs()
    print(jax.jit(kernel)(*tuple(_d.values())))

</pallas_src>

<mosaic_0001>
#map = affine_map<(d0, d1) -> (0, 0)>
#map1 = affine_map<(d0, d1) -> (0, 0, 0)>
module attributes {stable_mosaic.version = 14 : i64} {
  func.func @_agg_body(%arg0: i32, %arg1: i32, %arg2: memref<10016x128xf32, #tpu.memory_space<hbm>>, %arg3: memref<16x4x5120xi32, #tpu.memory_space<hbm>>, %arg4: memref<16x160x128xi32, #tpu.memory_space<hbm>>, %arg5: memref<640x128xf32, #tpu.memory_space<hbm>>, %arg6: memref<2x10240x128xf32, #tpu.memory_space<hbm>>, %arg7: memref<10240x128xf32, #tpu.memory_space<vmem_shared>>, %arg8: memref<5120xi32, #tpu.memory_space<vmem>>, %arg9: memref<40x128xi32, #tpu.memory_space<vmem>>, %arg10: memref<2x128x128xf32, #tpu.memory_space<vmem>>, %arg11: memref<!tpu.dma_semaphore, #tpu.memory_space<semaphore_mem>>, %arg12: memref<!tpu.dma_semaphore, #tpu.memory_space<semaphore_mem>>) attributes {dimension_semantics = [#tpu.dimension_semantics<core_parallel>, #tpu.dimension_semantics<subcore_parallel>], iteration_bounds = array<i64: 2, 16>, scalar_prefetch = 0 : i64, scratch_operands = 6 : i64, tpu.core_type = #tpu.core_type<sc_vector_subcore>, window_params = [{transform_indices = #map}, {transform_indices = #map1}, {transform_indices = #map1}, {transform_indices = #map}, {transform_indices = #map1}]} {
    %mul3A = arith.constant 640 : i32
    %mul3A_0 = arith.muli %arg1, %mul3A : i32
    "tpu.region"() ({
      %run_scoped3A = tpu.sem_alloc : memref<!tpu.dma_semaphore, #tpu.memory_space<semaphore_mem>>
      %dma_start3A = arith.constant 0 : i32
      %dma_start3A_19 = tpu.memref_slice %arg7[%mul3A_0, %dma_start3A] : memref<10240x128xf32, #tpu.memory_space<vmem_shared>> -> memref<640x128xf32, #tpu.memory_space<vmem_shared>>
      tpu.enqueue_dma source(%arg5 : memref<640x128xf32, #tpu.memory_space<hbm>>) target(%dma_start3A_19 : memref<640x128xf32, #tpu.memory_space<vmem_shared>>) target_semaphore(%run_scoped3A : memref<!tpu.dma_semaphore, #tpu.memory_space<semaphore_mem>>)
      %dma_wait3A = arith.constant 0 : i32
      %dma_wait3A_20 = tpu.memref_slice %arg7[%mul3A_0, %dma_wait3A] : memref<10240x128xf32, #tpu.memory_space<vmem_shared>> -> memref<640x128xf32, #tpu.memory_space<vmem_shared>>
      tpu.wait_dma2 semaphore(%run_scoped3A : memref<!tpu.dma_semaphore, #tpu.memory_space<semaphore_mem>>) src(%arg5 : memref<640x128xf32, #tpu.memory_space<hbm>>) dst(%dma_wait3A_20 : memref<640x128xf32, #tpu.memory_space<vmem_shared>>)
      tpu.yield
    }) : () -> ()
    %barrier3A = arith.constant 0 : index
    tpu.barrier barrier_id(%barrier3A)
    %eq3A = arith.constant 0 : i32
    %eq3A_1 = arith.cmpi eq, %arg0, %eq3A : i32
    %select_n3A = arith.constant 2 : i32
    %select_n3A_2 = arith.constant 0 : i32
    %select_n3A_3 = arith.select %eq3A_1, %select_n3A_2, %select_n3A : i32
    %eq3A_4 = arith.constant 0 : i32
    %eq3A_5 = arith.cmpi eq, %arg0, %eq3A_4 : i32
    %select_n3A_6 = arith.constant 2 : i32
    %select_n3A_7 = arith.constant 2 : i32
    %select_n3A_8 = arith.select %eq3A_5, %select_n3A_7, %select_n3A_6 : i32
    %while3A = arith.constant 0 : i32
    %while3A_9 = arith.constant 0 : i32
    %while3A_10 = arith.subi %select_n3A_8, %while3A_9 : i32
    %while3A_11 = arith.addi %while3A_9, %while3A_10 : i32
    %while3A_12 = arith.constant 1 : i32
    %while3A_13 = arith.divsi %while3A_10, %while3A_12 : i32
    %while3A_14 = arith.muli %while3A_13, %while3A_12 : i32
    %while3A_15 = arith.addi %while3A_9, %while3A_14 : i32
    %while3A_16 = arith.constant 1 : i32
    scf.for %while3A_19 = %while3A_9 to %while3A_15 step %while3A_16  : i32 {
      %add3A = arith.addi %select_n3A_3, %while3A_19 : i32
      "tpu.region"() ({
        %run_scoped3A = tpu.sem_alloc : memref<!tpu.dma_semaphore, #tpu.memory_space<semaphore_mem>>
        %dma_start3A_36 = arith.constant 0 : i32
        %dma_start3A_37 = tpu.memref_slice %arg3[%arg1, %add3A, %dma_start3A_36] : memref<16x4x5120xi32, #tpu.memory_space<hbm>> -> memref<1x1x5120xi32, #tpu.memory_space<hbm>>
        %dma_start3A_38 = tpu.memref_squeeze %dma_start3A_37 : memref<1x1x5120xi32, #tpu.memory_space<hbm>> -> memref<5120xi32, #tpu.memory_space<hbm>>
        %dma_start3A_39 = arith.constant 0 : i32
        %dma_start3A_40 = tpu.memref_slice %arg3[%arg1, %add3A, %dma_start3A_39] : memref<16x4x5120xi32, #tpu.memory_space<hbm>> -> memref<1x1x5120xi32, #tpu.memory_space<hbm>>
        %dma_start3A_41 = tpu.memref_squeeze %dma_start3A_40 : memref<1x1x5120xi32, #tpu.memory_space<hbm>> -> memref<5120xi32, #tpu.memory_space<hbm>>
        tpu.enqueue_dma source(%dma_start3A_41 : memref<5120xi32, #tpu.memory_space<hbm>>) target(%arg8 : memref<5120xi32, #tpu.memory_space<vmem>>) target_semaphore(%run_scoped3A : memref<!tpu.dma_semaphore, #tpu.memory_space<semaphore_mem>>)
        %dma_wait3A = arith.constant 0 : i32
        %dma_wait3A_42 = tpu.memref_slice %arg3[%arg1, %add3A, %dma_wait3A] : memref<16x4x5120xi32, #tpu.memory_space<hbm>> -> memref<1x1x5120xi32, #tpu.memory_space<hbm>>
        %dma_wait3A_43 = tpu.memref_squeeze %dma_wait3A_42 : memref<1x1x5120xi32, #tpu.memory_space<hbm>> -> memref<5120xi32, #tpu.memory_space<hbm>>
        %dma_wait3A_44 = arith.constant 0 : i32
        %dma_wait3A_45 = tpu.memref_slice %arg3[%arg1, %add3A, %dma_wait3A_44] : memref<16x4x5120xi32, #tpu.memory_space<hbm>> -> memref<1x1x5120xi32, #tpu.memory_space<hbm>>
        %dma_wait3A_46 = tpu.memref_squeeze %dma_wait3A_45 : memref<1x1x5120xi32, #tpu.memory_space<hbm>> -> memref<5120xi32, #tpu.memory_space<hbm>>
        tpu.wait_dma2 semaphore(%run_scoped3A : memref<!tpu.dma_semaphore, #tpu.memory_space<semaphore_mem>>) src(%dma_wait3A_46 : memref<5120xi32, #tpu.memory_space<hbm>>) dst(%arg8 : memref<5120xi32, #tpu.memory_space<vmem>>)
        tpu.yield
      }) : () -> ()
      %mul3A_20 = arith.constant 40 : i32
      %mul3A_21 = arith.muli %add3A, %mul3A_20 : i32
      "tpu.region"() ({
        %run_scoped3A = tpu.sem_alloc : memref<!tpu.dma_semaphore, #tpu.memory_space<semaphore_mem>>
        %dma_start3A_36 = arith.constant 0 : i32
        %dma_start3A_37 = tpu.memref_slice %arg4[%arg1, %mul3A_21, %dma_start3A_36] : memref<16x160x128xi32, #tpu.memory_space<hbm>> -> memref<1x40x128xi32, #tpu.memory_space<hbm>>
        %dma_start3A_38 = tpu.memref_squeeze %dma_start3A_37 : memref<1x40x128xi32, #tpu.memory_space<hbm>> -> memref<40x128xi32, #tpu.memory_space<hbm>>
        %dma_start3A_39 = arith.constant 0 : i32
        %dma_start3A_40 = tpu.memref_slice %arg4[%arg1, %mul3A_21, %dma_start3A_39] : memref<16x160x128xi32, #tpu.memory_space<hbm>> -> memref<1x40x128xi32, #tpu.memory_space<hbm>>
        %dma_start3A_41 = tpu.memref_squeeze %dma_start3A_40 : memref<1x40x128xi32, #tpu.memory_space<hbm>> -> memref<40x128xi32, #tpu.memory_space<hbm>>
        tpu.enqueue_dma source(%dma_start3A_41 : memref<40x128xi32, #tpu.memory_space<hbm>>) target(%arg9 : memref<40x128xi32, #tpu.memory_space<vmem>>) target_semaphore(%run_scoped3A : memref<!tpu.dma_semaphore, #tpu.memory_space<semaphore_mem>>)
        %dma_wait3A = arith.constant 0 : i32
        %dma_wait3A_42 = tpu.memref_slice %arg4[%arg1, %mul3A_21, %dma_wait3A] : memref<16x160x128xi32, #tpu.memory_space<hbm>> -> memref<1x40x128xi32, #tpu.memory_space<hbm>>
        %dma_wait3A_43 = tpu.memref_squeeze %dma_wait3A_42 : memref<1x40x128xi32, #tpu.memory_space<hbm>> -> memref<40x128xi32, #tpu.memory_space<hbm>>
        %dma_wait3A_44 = arith.constant 0 : i32
        %dma_wait3A_45 = tpu.memref_slice %arg4[%arg1, %mul3A_21, %dma_wait3A_44] : memref<16x160x128xi32, #tpu.memory_space<hbm>> -> memref<1x40x128xi32, #tpu.memory_space<hbm>>
        %dma_wait3A_46 = tpu.memref_squeeze %dma_wait3A_45 : memref<1x40x128xi32, #tpu.memory_space<hbm>> -> memref<40x128xi32, #tpu.memory_space<hbm>>
        tpu.wait_dma2 semaphore(%run_scoped3A : memref<!tpu.dma_semaphore, #tpu.memory_space<semaphore_mem>>) src(%dma_wait3A_46 : memref<40x128xi32, #tpu.memory_space<hbm>>) dst(%arg9 : memref<40x128xi32, #tpu.memory_space<vmem>>)
        tpu.yield
      }) : () -> ()
      %dma_start3A = arith.constant 0 : i32
      %dma_start3A_22 = arith.constant 0 : i32
      %dma_start3A_23 = arith.constant 0 : i32
      %dma_start3A_24 = tpu.memref_slice %arg10[%dma_start3A, %dma_start3A_22, %dma_start3A_23] : memref<2x128x128xf32, #tpu.memory_space<vmem>> -> memref<1x128x128xf32, #tpu.memory_space<vmem>>
      %dma_start3A_25 = tpu.memref_squeeze %dma_start3A_24 : memref<1x128x128xf32, #tpu.memory_space<vmem>> -> memref<128x128xf32, #tpu.memory_space<vmem>>
      %dma_start3A_26 = arith.constant 0 : i32
      %dma_start3A_27 = tpu.memref_slice %arg8[%dma_start3A_26] : memref<5120xi32, #tpu.memory_space<vmem>> -> memref<128xi32, #tpu.memory_space<vmem>>
      %dma_start3A_28 = arith.constant 0 : i32
      %dma_start3A_29 = arith.constant 0 : i32
      %dma_start3A_30 = tpu.memref_slice %arg2[%dma_start3A_28, %dma_start3A_29] : memref<10016x128xf32, #tpu.memory_space<hbm>> -> memref<10016x128xf32, #tpu.memory_space<hbm>>
      tpu.enqueue_indirect_dma source(%dma_start3A_30 : memref<10016x128xf32, #tpu.memory_space<hbm>>) target(%dma_start3A_25 : memref<128x128xf32, #tpu.memory_space<vmem>>) offsets(%dma_start3A_27 : memref<128xi32, #tpu.memory_space<vmem>>) semaphore(%arg11 : memref<!tpu.dma_semaphore, #tpu.memory_space<semaphore_mem>>)
      %scan3A = arith.constant 0 : i32
      %scan3A_31 = arith.constant 0 : i32
      %scan3A_32 = arith.constant 20 : i32
      %scan3A_33 = arith.addi %scan3A_31, %scan3A_32 : i32
      %scan3A_34 = arith.constant 1 : i32
      scf.for %scan3A_36 = %scan3A_31 to %scan3A_33 step %scan3A_34  : i32 {
        %mul3A_37 = arith.constant 2 : i32
        %mul3A_38 = arith.muli %scan3A_36, %mul3A_37 : i32
        %add3A_39 = arith.constant 0 : i32
        %add3A_40 = arith.addi %mul3A_38, %add3A_39 : i32
        %add3A_41 = arith.constant 1 : i32
        %add3A_42 = arith.addi %add3A_40, %add3A_41 : i32
        %lt3A = arith.constant 40 : i32
        %lt3A_43 = arith.cmpi slt, %add3A_42, %lt3A : i32
        %convert_element_type3A = arith.extui %lt3A_43 : i1 to i32
        %cond3A = arith.constant 0 : i32
        %cond3A_44 = arith.cmpi ne, %convert_element_type3A, %cond3A : i32
        scf.if %cond3A_44 {
          %mul3A_82 = arith.constant 128 : i32
          %mul3A_83 = arith.muli %add3A_42, %mul3A_82 : i32
          %add3A_84 = arith.constant 0 : i32
          %add3A_85 = arith.addi %mul3A_83, %add3A_84 : i32
          %dma_start3A_86 = arith.constant 1 : i32
          %dma_start3A_87 = arith.constant 0 : i32
          %dma_start3A_88 = arith.constant 0 : i32
          %dma_start3A_89 = tpu.memref_slice %arg10[%dma_start3A_86, %dma_start3A_87, %dma_start3A_88] : memref<2x128x128xf32, #tpu.memory_space<vmem>> -> memref<1x128x128xf32, #tpu.memory_space<vmem>>
          %dma_start3A_90 = tpu.memref_squeeze %dma_start3A_89 : memref<1x128x128xf32, #tpu.memory_space<vmem>> -> memref<128x128xf32, #tpu.memory_space<vmem>>
          %dma_start3A_91 = tpu.memref_slice %arg8[%add3A_85] : memref<5120xi32, #tpu.memory_space<vmem>> -> memref<128xi32, #tpu.memory_space<vmem>>
          %dma_start3A_92 = arith.constant 0 : i32
          %dma_start3A_93 = arith.constant 0 : i32
          %dma_start3A_94 = tpu.memref_slice %arg2[%dma_start3A_92, %dma_start3A_93] : memref<10016x128xf32, #tpu.memory_space<hbm>> -> memref<10016x128xf32, #tpu.memory_space<hbm>>
          tpu.enqueue_indirect_dma source(%dma_start3A_94 : memref<10016x128xf32, #tpu.memory_space<hbm>>) target(%dma_start3A_90 : memref<128x128xf32, #tpu.memory_space<vmem>>) offsets(%dma_start3A_91 : memref<128xi32, #tpu.memory_space<vmem>>) semaphore(%arg12 : memref<!tpu.dma_semaphore, #tpu.memory_space<semaphore_mem>>)
        } else {
        }
        %mul3A_45 = arith.constant 128 : i32
        %mul3A_46 = arith.muli %add3A_40, %mul3A_45 : i32
        %add3A_47 = arith.constant 0 : i32
        %add3A_48 = arith.addi %mul3A_46, %add3A_47 : i32
        %dma_wait3A = arith.constant 0 : i32
        %dma_wait3A_49 = arith.constant 0 : i32
        %dma_wait3A_50 = arith.constant 0 : i32
        %dma_wait3A_51 = tpu.memref_slice %arg10[%dma_wait3A, %dma_wait3A_49, %dma_wait3A_50] : memref<2x128x128xf32, #tpu.memory_space<vmem>> -> memref<1x128x128xf32, #tpu.memory_space<vmem>>
        %dma_wait3A_52 = tpu.memref_squeeze %dma_wait3A_51 : memref<1x128x128xf32, #tpu.memory_space<vmem>> -> memref<128x128xf32, #tpu.memory_space<vmem>>
        %dma_wait3A_53 = tpu.memref_slice %arg8[%add3A_48] : memref<5120xi32, #tpu.memory_space<vmem>> -> memref<128xi32, #tpu.memory_space<vmem>>
        %dma_wait3A_54 = arith.constant 0 : i32
        %dma_wait3A_55 = arith.constant 0 : i32
        %dma_wait3A_56 = tpu.memref_slice %arg2[%dma_wait3A_54, %dma_wait3A_55] : memref<10016x128xf32, #tpu.memory_space<hbm>> -> memref<10016x128xf32, #tpu.memory_space<hbm>>
        tpu.wait_indirect_dma semaphore(%arg11 : memref<!tpu.dma_semaphore, #tpu.memory_space<semaphore_mem>>) src(%dma_wait3A_56 : memref<10016x128xf32, #tpu.memory_space<hbm>>) dst(%dma_wait3A_52 : memref<128x128xf32, #tpu.memory_space<vmem>>)
        %run_scoped3A = arith.constant 0 : i32
        "tpu.region"() ({
          %run_scoped3A_82 = tpu.sem_alloc : memref<!tpu.dma_semaphore, #tpu.memory_space<semaphore_mem>>
          %dma_start3A_83 = arith.constant 0 : i32
          %dma_start3A_84 = arith.constant 0 : i32
          %dma_start3A_85 = tpu.memref_slice %arg10[%run_scoped3A, %dma_start3A_83, %dma_start3A_84] : memref<2x128x128xf32, #tpu.memory_space<vmem>> -> memref<1x128x128xf32, #tpu.memory_space<vmem>>
          %dma_start3A_86 = tpu.memref_squeeze %dma_start3A_85 : memref<1x128x128xf32, #tpu.memory_space<vmem>> -> memref<128x128xf32, #tpu.memory_space<vmem>>
          %dma_start3A_87 = arith.constant 0 : i32
          %dma_start3A_88 = tpu.memref_slice %arg9[%add3A_40, %dma_start3A_87] : memref<40x128xi32, #tpu.memory_space<vmem>> -> memref<1x128xi32, #tpu.memory_space<vmem>>
          %dma_start3A_89 = tpu.memref_squeeze %dma_start3A_88 : memref<1x128xi32, #tpu.memory_space<vmem>> -> memref<128xi32, #tpu.memory_space<vmem>>
          %dma_start3A_90 = arith.constant 0 : i32
          %dma_start3A_91 = arith.constant 0 : i32
          %dma_start3A_92 = tpu.memref_slice %arg7[%dma_start3A_90, %dma_start3A_91] : memref<10240x128xf32, #tpu.memory_space<vmem_shared>> -> memref<10240x128xf32, #tpu.memory_space<vmem_shared>>
          tpu.enqueue_indirect_dma source(%dma_start3A_86 : memref<128x128xf32, #tpu.memory_space<vmem>>) target(%dma_start3A_92 : memref<10240x128xf32, #tpu.memory_space<vmem_shared>>) offsets(%dma_start3A_89 : memref<128xi32, #tpu.memory_space<vmem>>) semaphore(%run_scoped3A_82 : memref<!tpu.dma_semaphore, #tpu.memory_space<semaphore_mem>>) {add = true}
          %dma_wait3A_93 = arith.constant 0 : i32
          %dma_wait3A_94 = arith.constant 0 : i32
          %dma_wait3A_95 = tpu.memref_slice %arg10[%run_scoped3A, %dma_wait3A_93, %dma_wait3A_94] : memref<2x128x128xf32, #tpu.memory_space<vmem>> -> memref<1x128x128xf32, #tpu.memory_space<vmem>>
          %dma_wait3A_96 = tpu.memref_squeeze %dma_wait3A_95 : memref<1x128x128xf32, #tpu.memory_space<vmem>> -> memref<128x128xf32, #tpu.memory_space<vmem>>
          %dma_wait3A_97 = arith.constant 0 : i32
          %dma_wait3A_98 = tpu.memref_slice %arg9[%add3A_40, %dma_wait3A_97] : memref<40x128xi32, #tpu.memory_space<vmem>> -> memref<1x128xi32, #tpu.memory_space<vmem>>
          %dma_wait3A_99 = tpu.memref_squeeze %dma_wait3A_98 : memref<1x128xi32, #tpu.memory_space<vmem>> -> memref<128xi32, #tpu.memory_space<vmem>>
          %dma_wait3A_100 = arith.constant 0 : i32
          %dma_wait3A_101 = arith.constant 0 : i32
          %dma_wait3A_102 = tpu.memref_slice %arg7[%dma_wait3A_100, %dma_wait3A_101] : memref<10240x128xf32, #tpu.memory_space<vmem_shared>> -> memref<10240x128xf32, #tpu.memory_space<vmem_shared>>
          tpu.wait_indirect_dma semaphore(%run_scoped3A_82 : memref<!tpu.dma_semaphore, #tpu.memory_space<semaphore_mem>>) src(%dma_wait3A_96 : memref<128x128xf32, #tpu.memory_space<vmem>>) dst(%dma_wait3A_102 : memref<10240x128xf32, #tpu.memory_space<vmem_shared>>)
          tpu.yield
        }) : () -> ()
        %mul3A_57 = arith.constant 2 : i32
        %mul3A_58 = arith.muli %scan3A_36, %mul3A_57 : i32
        %add3A_59 = arith.constant 1 : i32
        %add3A_60 = arith.addi %mul3A_58, %add3A_59 : i32
        %add3A_61 = arith.constant 1 : i32
        %add3A_62 = arith.addi %add3A_60, %add3A_61 : i32
        %lt3A_63 = arith.constant 40 : i32
        %lt3A_64 = arith.cmpi slt, %add3A_62, %lt3A_63 : i32
        %convert_element_type3A_65 = arith.extui %lt3A_64 : i1 to i32
        %cond3A_66 = arith.constant 0 : i32
        %cond3A_67 = arith.cmpi ne, %convert_element_type3A_65, %cond3A_66 : i32
        scf.if %cond3A_67 {
          %mul3A_82 = arith.constant 128 : i32
          %mul3A_83 = arith.muli %add3A_62, %mul3A_82 : i32
          %add3A_84 = arith.constant 0 : i32
          %add3A_85 = arith.addi %mul3A_83, %add3A_84 : i32
          %dma_start3A_86 = arith.constant 0 : i32
          %dma_start3A_87 = arith.constant 0 : i32
          %dma_start3A_88 = arith.constant 0 : i32
          %dma_start3A_89 = tpu.memref_slice %arg10[%dma_start3A_86, %dma_start3A_87, %dma_start3A_88] : memref<2x128x128xf32, #tpu.memory_space<vmem>> -> memref<1x128x128xf32, #tpu.memory_space<vmem>>
          %dma_start3A_90 = tpu.memref_squeeze %dma_start3A_89 : memref<1x128x128xf32, #tpu.memory_space<vmem>> -> memref<128x128xf32, #tpu.memory_space<vmem>>
          %dma_start3A_91 = tpu.memref_slice %arg8[%add3A_85] : memref<5120xi32, #tpu.memory_space<vmem>> -> memref<128xi32, #tpu.memory_space<vmem>>
          %dma_start3A_92 = arith.constant 0 : i32
          %dma_start3A_93 = arith.constant 0 : i32
          %dma_start3A_94 = tpu.memref_slice %arg2[%dma_start3A_92, %dma_start3A_93] : memref<10016x128xf32, #tpu.memory_space<hbm>> -> memref<10016x128xf32, #tpu.memory_space<hbm>>
          tpu.enqueue_indirect_dma source(%dma_start3A_94 : memref<10016x128xf32, #tpu.memory_space<hbm>>) target(%dma_start3A_90 : memref<128x128xf32, #tpu.memory_space<vmem>>) offsets(%dma_start3A_91 : memref<128xi32, #tpu.memory_space<vmem>>) semaphore(%arg11 : memref<!tpu.dma_semaphore, #tpu.memory_space<semaphore_mem>>)
        } else {
        }
        %mul3A_68 = arith.constant 128 : i32
        %mul3A_69 = arith.muli %add3A_60, %mul3A_68 : i32
        %add3A_70 = arith.constant 0 : i32
        %add3A_71 = arith.addi %mul3A_69, %add3A_70 : i32
        %dma_wait3A_72 = arith.constant 1 : i32
        %dma_wait3A_73 = arith.constant 0 : i32
        %dma_wait3A_74 = arith.constant 0 : i32
        %dma_wait3A_75 = tpu.memref_slice %arg10[%dma_wait3A_72, %dma_wait3A_73, %dma_wait3A_74] : memref<2x128x128xf32, #tpu.memory_space<vmem>> -> memref<1x128x128xf32, #tpu.memory_space<vmem>>
        %dma_wait3A_76 = tpu.memref_squeeze %dma_wait3A_75 : memref<1x128x128xf32, #tpu.memory_space<vmem>> -> memref<128x128xf32, #tpu.memory_space<vmem>>
        %dma_wait3A_77 = tpu.memref_slice %arg8[%add3A_71] : memref<5120xi32, #tpu.memory_space<vmem>> -> memref<128xi32, #tpu.memory_space<vmem>>
        %dma_wait3A_78 = arith.constant 0 : i32
        %dma_wait3A_79 = arith.constant 0 : i32
        %dma_wait3A_80 = tpu.memref_slice %arg2[%dma_wait3A_78, %dma_wait3A_79] : memref<10016x128xf32, #tpu.memory_space<hbm>> -> memref<10016x128xf32, #tpu.memory_space<hbm>>
        tpu.wait_indirect_dma semaphore(%arg12 : memref<!tpu.dma_semaphore, #tpu.memory_space<semaphore_mem>>) src(%dma_wait3A_80 : memref<10016x128xf32, #tpu.memory_space<hbm>>) dst(%dma_wait3A_76 : memref<128x128xf32, #tpu.memory_space<vmem>>)
        %run_scoped3A_81 = arith.constant 1 : i32
        "tpu.region"() ({
          %run_scoped3A_82 = tpu.sem_alloc : memref<!tpu.dma_semaphore, #tpu.memory_space<semaphore_mem>>
          %dma_start3A_83 = arith.constant 0 : i32
          %dma_start3A_84 = arith.constant 0 : i32
          %dma_start3A_85 = tpu.memref_slice %arg10[%run_scoped3A_81, %dma_start3A_83, %dma_start3A_84] : memref<2x128x128xf32, #tpu.memory_space<vmem>> -> memref<1x128x128xf32, #tpu.memory_space<vmem>>
          %dma_start3A_86 = tpu.memref_squeeze %dma_start3A_85 : memref<1x128x128xf32, #tpu.memory_space<vmem>> -> memref<128x128xf32, #tpu.memory_space<vmem>>
          %dma_start3A_87 = arith.constant 0 : i32
          %dma_start3A_88 = tpu.memref_slice %arg9[%add3A_60, %dma_start3A_87] : memref<40x128xi32, #tpu.memory_space<vmem>> -> memref<1x128xi32, #tpu.memory_space<vmem>>
          %dma_start3A_89 = tpu.memref_squeeze %dma_start3A_88 : memref<1x128xi32, #tpu.memory_space<vmem>> -> memref<128xi32, #tpu.memory_space<vmem>>
          %dma_start3A_90 = arith.constant 0 : i32
          %dma_start3A_91 = arith.constant 0 : i32
          %dma_start3A_92 = tpu.memref_slice %arg7[%dma_start3A_90, %dma_start3A_91] : memref<10240x128xf32, #tpu.memory_space<vmem_shared>> -> memref<10240x128xf32, #tpu.memory_space<vmem_shared>>
          tpu.enqueue_indirect_dma source(%dma_start3A_86 : memref<128x128xf32, #tpu.memory_space<vmem>>) target(%dma_start3A_92 : memref<10240x128xf32, #tpu.memory_space<vmem_shared>>) offsets(%dma_start3A_89 : memref<128xi32, #tpu.memory_space<vmem>>) semaphore(%run_scoped3A_82 : memref<!tpu.dma_semaphore, #tpu.memory_space<semaphore_mem>>) {add = true}
          %dma_wait3A_93 = arith.constant 0 : i32
          %dma_wait3A_94 = arith.constant 0 : i32
          %dma_wait3A_95 = tpu.memref_slice %arg10[%run_scoped3A_81, %dma_wait3A_93, %dma_wait3A_94] : memref<2x128x128xf32, #tpu.memory_space<vmem>> -> memref<1x128x128xf32, #tpu.memory_space<vmem>>
          %dma_wait3A_96 = tpu.memref_squeeze %dma_wait3A_95 : memref<1x128x128xf32, #tpu.memory_space<vmem>> -> memref<128x128xf32, #tpu.memory_space<vmem>>
          %dma_wait3A_97 = arith.constant 0 : i32
          %dma_wait3A_98 = tpu.memref_slice %arg9[%add3A_60, %dma_wait3A_97] : memref<40x128xi32, #tpu.memory_space<vmem>> -> memref<1x128xi32, #tpu.memory_space<vmem>>
          %dma_wait3A_99 = tpu.memref_squeeze %dma_wait3A_98 : memref<1x128xi32, #tpu.memory_space<vmem>> -> memref<128xi32, #tpu.memory_space<vmem>>
          %dma_wait3A_100 = arith.constant 0 : i32
          %dma_wait3A_101 = arith.constant 0 : i32
          %dma_wait3A_102 = tpu.memref_slice %arg7[%dma_wait3A_100, %dma_wait3A_101] : memref<10240x128xf32, #tpu.memory_space<vmem_shared>> -> memref<10240x128xf32, #tpu.memory_space<vmem_shared>>
          tpu.wait_indirect_dma semaphore(%run_scoped3A_82 : memref<!tpu.dma_semaphore, #tpu.memory_space<semaphore_mem>>) src(%dma_wait3A_96 : memref<128x128xf32, #tpu.memory_space<vmem>>) dst(%dma_wait3A_102 : memref<10240x128xf32, #tpu.memory_space<vmem_shared>>)
          tpu.yield
        }) : () -> ()
      }
      %scan3A_35 = arith.constant 20 : i32
    }
    %while3A_17 = arith.constant 1 : i32
    scf.for %while3A_19 = %while3A_15 to %while3A_11 step %while3A_17  : i32 {
      %add3A = arith.addi %select_n3A_3, %while3A_19 : i32
      "tpu.region"() ({
        %run_scoped3A = tpu.sem_alloc : memref<!tpu.dma_semaphore, #tpu.memory_space<semaphore_mem>>
        %dma_start3A_36 = arith.constant 0 : i32
        %dma_start3A_37 = tpu.memref_slice %arg3[%arg1, %add3A, %dma_start3A_36] : memref<16x4x5120xi32, #tpu.memory_space<hbm>> -> memref<1x1x5120xi32, #tpu.memory_space<hbm>>
        %dma_start3A_38 = tpu.memref_squeeze %dma_start3A_37 : memref<1x1x5120xi32, #tpu.memory_space<hbm>> -> memref<5120xi32, #tpu.memory_space<hbm>>
        %dma_start3A_39 = arith.constant 0 : i32
        %dma_start3A_40 = tpu.memref_slice %arg3[%arg1, %add3A, %dma_start3A_39] : memref<16x4x5120xi32, #tpu.memory_space<hbm>> -> memref<1x1x5120xi32, #tpu.memory_space<hbm>>
        %dma_start3A_41 = tpu.memref_squeeze %dma_start3A_40 : memref<1x1x5120xi32, #tpu.memory_space<hbm>> -> memref<5120xi32, #tpu.memory_space<hbm>>
        tpu.enqueue_dma source(%dma_start3A_41 : memref<5120xi32, #tpu.memory_space<hbm>>) target(%arg8 : memref<5120xi32, #tpu.memory_space<vmem>>) target_semaphore(%run_scoped3A : memref<!tpu.dma_semaphore, #tpu.memory_space<semaphore_mem>>)
        %dma_wait3A = arith.constant 0 : i32
        %dma_wait3A_42 = tpu.memref_slice %arg3[%arg1, %add3A, %dma_wait3A] : memref<16x4x5120xi32, #tpu.memory_space<hbm>> -> memref<1x1x5120xi32, #tpu.memory_space<hbm>>
        %dma_wait3A_43 = tpu.memref_squeeze %dma_wait3A_42 : memref<1x1x5120xi32, #tpu.memory_space<hbm>> -> memref<5120xi32, #tpu.memory_space<hbm>>
        %dma_wait3A_44 = arith.constant 0 : i32
        %dma_wait3A_45 = tpu.memref_slice %arg3[%arg1, %add3A, %dma_wait3A_44] : memref<16x4x5120xi32, #tpu.memory_space<hbm>> -> memref<1x1x5120xi32, #tpu.memory_space<hbm>>
        %dma_wait3A_46 = tpu.memref_squeeze %dma_wait3A_45 : memref<1x1x5120xi32, #tpu.memory_space<hbm>> -> memref<5120xi32, #tpu.memory_space<hbm>>
        tpu.wait_dma2 semaphore(%run_scoped3A : memref<!tpu.dma_semaphore, #tpu.memory_space<semaphore_mem>>) src(%dma_wait3A_46 : memref<5120xi32, #tpu.memory_space<hbm>>) dst(%arg8 : memref<5120xi32, #tpu.memory_space<vmem>>)
        tpu.yield
      }) : () -> ()
      %mul3A_20 = arith.constant 40 : i32
      %mul3A_21 = arith.muli %add3A, %mul3A_20 : i32
      "tpu.region"() ({
        %run_scoped3A = tpu.sem_alloc : memref<!tpu.dma_semaphore, #tpu.memory_space<semaphore_mem>>
        %dma_start3A_36 = arith.constant 0 : i32
        %dma_start3A_37 = tpu.memref_slice %arg4[%arg1, %mul3A_21, %dma_start3A_36] : memref<16x160x128xi32, #tpu.memory_space<hbm>> -> memref<1x40x128xi32, #tpu.memory_space<hbm>>
        %dma_start3A_38 = tpu.memref_squeeze %dma_start3A_37 : memref<1x40x128xi32, #tpu.memory_space<hbm>> -> memref<40x128xi32, #tpu.memory_space<hbm>>
        %dma_start3A_39 = arith.constant 0 : i32
        %dma_start3A_40 = tpu.memref_slice %arg4[%arg1, %mul3A_21, %dma_start3A_39] : memref<16x160x128xi32, #tpu.memory_space<hbm>> -> memref<1x40x128xi32, #tpu.memory_space<hbm>>
        %dma_start3A_41 = tpu.memref_squeeze %dma_start3A_40 : memref<1x40x128xi32, #tpu.memory_space<hbm>> -> memref<40x128xi32, #tpu.memory_space<hbm>>
        tpu.enqueue_dma source(%dma_start3A_41 : memref<40x128xi32, #tpu.memory_space<hbm>>) target(%arg9 : memref<40x128xi32, #tpu.memory_space<vmem>>) target_semaphore(%run_scoped3A : memref<!tpu.dma_semaphore, #tpu.memory_space<semaphore_mem>>)
        %dma_wait3A = arith.constant 0 : i32
        %dma_wait3A_42 = tpu.memref_slice %arg4[%arg1, %mul3A_21, %dma_wait3A] : memref<16x160x128xi32, #tpu.memory_space<hbm>> -> memref<1x40x128xi32, #tpu.memory_space<hbm>>
        %dma_wait3A_43 = tpu.memref_squeeze %dma_wait3A_42 : memref<1x40x128xi32, #tpu.memory_space<hbm>> -> memref<40x128xi32, #tpu.memory_space<hbm>>
        %dma_wait3A_44 = arith.constant 0 : i32
        %dma_wait3A_45 = tpu.memref_slice %arg4[%arg1, %mul3A_21, %dma_wait3A_44] : memref<16x160x128xi32, #tpu.memory_space<hbm>> -> memref<1x40x128xi32, #tpu.memory_space<hbm>>
        %dma_wait3A_46 = tpu.memref_squeeze %dma_wait3A_45 : memref<1x40x128xi32, #tpu.memory_space<hbm>> -> memref<40x128xi32, #tpu.memory_space<hbm>>
        tpu.wait_dma2 semaphore(%run_scoped3A : memref<!tpu.dma_semaphore, #tpu.memory_space<semaphore_mem>>) src(%dma_wait3A_46 : memref<40x128xi32, #tpu.memory_space<hbm>>) dst(%arg9 : memref<40x128xi32, #tpu.memory_space<vmem>>)
        tpu.yield
      }) : () -> ()
      %dma_start3A = arith.constant 0 : i32
      %dma_start3A_22 = arith.constant 0 : i32
      %dma_start3A_23 = arith.constant 0 : i32
      %dma_start3A_24 = tpu.memref_slice %arg10[%dma_start3A, %dma_start3A_22, %dma_start3A_23] : memref<2x128x128xf32, #tpu.memory_space<vmem>> -> memref<1x128x128xf32, #tpu.memory_space<vmem>>
      %dma_start3A_25 = tpu.memref_squeeze %dma_start3A_24 : memref<1x128x128xf32, #tpu.memory_space<vmem>> -> memref<128x128xf32, #tpu.memory_space<vmem>>
      %dma_start3A_26 = arith.constant 0 : i32
      %dma_start3A_27 = tpu.memref_slice %arg8[%dma_start3A_26] : memref<5120xi32, #tpu.memory_space<vmem>> -> memref<128xi32, #tpu.memory_space<vmem>>
      %dma_start3A_28 = arith.constant 0 : i32
      %dma_start3A_29 = arith.constant 0 : i32
      %dma_start3A_30 = tpu.memref_slice %arg2[%dma_start3A_28, %dma_start3A_29] : memref<10016x128xf32, #tpu.memory_space<hbm>> -> memref<10016x128xf32, #tpu.memory_space<hbm>>
      tpu.enqueue_indirect_dma source(%dma_start3A_30 : memref<10016x128xf32, #tpu.memory_space<hbm>>) target(%dma_start3A_25 : memref<128x128xf32, #tpu.memory_space<vmem>>) offsets(%dma_start3A_27 : memref<128xi32, #tpu.memory_space<vmem>>) semaphore(%arg11 : memref<!tpu.dma_semaphore, #tpu.memory_space<semaphore_mem>>)
      %scan3A = arith.constant 0 : i32
      %scan3A_31 = arith.constant 0 : i32
      %scan3A_32 = arith.constant 20 : i32
      %scan3A_33 = arith.addi %scan3A_31, %scan3A_32 : i32
      %scan3A_34 = arith.constant 1 : i32
      scf.for %scan3A_36 = %scan3A_31 to %scan3A_33 step %scan3A_34  : i32 {
        %mul3A_37 = arith.constant 2 : i32
        %mul3A_38 = arith.muli %scan3A_36, %mul3A_37 : i32
        %add3A_39 = arith.constant 0 : i32
        %add3A_40 = arith.addi %mul3A_38, %add3A_39 : i32
        %add3A_41 = arith.constant 1 : i32
        %add3A_42 = arith.addi %add3A_40, %add3A_41 : i32
        %lt3A = arith.constant 40 : i32
        %lt3A_43 = arith.cmpi slt, %add3A_42, %lt3A : i32
        %convert_element_type3A = arith.extui %lt3A_43 : i1 to i32
        %cond3A = arith.constant 0 : i32
        %cond3A_44 = arith.cmpi ne, %convert_element_type3A, %cond3A : i32
        scf.if %cond3A_44 {
          %mul3A_82 = arith.constant 128 : i32
          %mul3A_83 = arith.muli %add3A_42, %mul3A_82 : i32
          %add3A_84 = arith.constant 0 : i32
          %add3A_85 = arith.addi %mul3A_83, %add3A_84 : i32
          %dma_start3A_86 = arith.constant 1 : i32
          %dma_start3A_87 = arith.constant 0 : i32
          %dma_start3A_88 = arith.constant 0 : i32
          %dma_start3A_89 = tpu.memref_slice %arg10[%dma_start3A_86, %dma_start3A_87, %dma_start3A_88] : memref<2x128x128xf32, #tpu.memory_space<vmem>> -> memref<1x128x128xf32, #tpu.memory_space<vmem>>
          %dma_start3A_90 = tpu.memref_squeeze %dma_start3A_89 : memref<1x128x128xf32, #tpu.memory_space<vmem>> -> memref<128x128xf32, #tpu.memory_space<vmem>>
          %dma_start3A_91 = tpu.memref_slice %arg8[%add3A_85] : memref<5120xi32, #tpu.memory_space<vmem>> -> memref<128xi32, #tpu.memory_space<vmem>>
          %dma_start3A_92 = arith.constant 0 : i32
          %dma_start3A_93 = arith.constant 0 : i32
          %dma_start3A_94 = tpu.memref_slice %arg2[%dma_start3A_92, %dma_start3A_93] : memref<10016x128xf32, #tpu.memory_space<hbm>> -> memref<10016x128xf32, #tpu.memory_space<hbm>>
          tpu.enqueue_indirect_dma source(%dma_start3A_94 : memref<10016x128xf32, #tpu.memory_space<hbm>>) target(%dma_start3A_90 : memref<128x128xf32, #tpu.memory_space<vmem>>) offsets(%dma_start3A_91 : memref<128xi32, #tpu.memory_space<vmem>>) semaphore(%arg12 : memref<!tpu.dma_semaphore, #tpu.memory_space<semaphore_mem>>)
        } else {
        }
        %mul3A_45 = arith.constant 128 : i32
        %mul3A_46 = arith.muli %add3A_40, %mul3A_45 : i32
        %add3A_47 = arith.constant 0 : i32
        %add3A_48 = arith.addi %mul3A_46, %add3A_47 : i32
        %dma_wait3A = arith.constant 0 : i32
        %dma_wait3A_49 = arith.constant 0 : i32
        %dma_wait3A_50 = arith.constant 0 : i32
        %dma_wait3A_51 = tpu.memref_slice %arg10[%dma_wait3A, %dma_wait3A_49, %dma_wait3A_50] : memref<2x128x128xf32, #tpu.memory_space<vmem>> -> memref<1x128x128xf32, #tpu.memory_space<vmem>>
        %dma_wait3A_52 = tpu.memref_squeeze %dma_wait3A_51 : memref<1x128x128xf32, #tpu.memory_space<vmem>> -> memref<128x128xf32, #tpu.memory_space<vmem>>
        %dma_wait3A_53 = tpu.memref_slice %arg8[%add3A_48] : memref<5120xi32, #tpu.memory_space<vmem>> -> memref<128xi32, #tpu.memory_space<vmem>>
        %dma_wait3A_54 = arith.constant 0 : i32
        %dma_wait3A_55 = arith.constant 0 : i32
        %dma_wait3A_56 = tpu.memref_slice %arg2[%dma_wait3A_54, %dma_wait3A_55] : memref<10016x128xf32, #tpu.memory_space<hbm>> -> memref<10016x128xf32, #tpu.memory_space<hbm>>
        tpu.wait_indirect_dma semaphore(%arg11 : memref<!tpu.dma_semaphore, #tpu.memory_space<semaphore_mem>>) src(%dma_wait3A_56 : memref<10016x128xf32, #tpu.memory_space<hbm>>) dst(%dma_wait3A_52 : memref<128x128xf32, #tpu.memory_space<vmem>>)
        %run_scoped3A = arith.constant 0 : i32
        "tpu.region"() ({
          %run_scoped3A_82 = tpu.sem_alloc : memref<!tpu.dma_semaphore, #tpu.memory_space<semaphore_mem>>
          %dma_start3A_83 = arith.constant 0 : i32
          %dma_start3A_84 = arith.constant 0 : i32
          %dma_start3A_85 = tpu.memref_slice %arg10[%run_scoped3A, %dma_start3A_83, %dma_start3A_84] : memref<2x128x128xf32, #tpu.memory_space<vmem>> -> memref<1x128x128xf32, #tpu.memory_space<vmem>>
          %dma_start3A_86 = tpu.memref_squeeze %dma_start3A_85 : memref<1x128x128xf32, #tpu.memory_space<vmem>> -> memref<128x128xf32, #tpu.memory_space<vmem>>
          %dma_start3A_87 = arith.constant 0 : i32
          %dma_start3A_88 = tpu.memref_slice %arg9[%add3A_40, %dma_start3A_87] : memref<40x128xi32, #tpu.memory_space<vmem>> -> memref<1x128xi32, #tpu.memory_space<vmem>>
          %dma_start3A_89 = tpu.memref_squeeze %dma_start3A_88 : memref<1x128xi32, #tpu.memory_space<vmem>> -> memref<128xi32, #tpu.memory_space<vmem>>
          %dma_start3A_90 = arith.constant 0 : i32
          %dma_start3A_91 = arith.constant 0 : i32
          %dma_start3A_92 = tpu.memref_slice %arg7[%dma_start3A_90, %dma_start3A_91] : memref<10240x128xf32, #tpu.memory_space<vmem_shared>> -> memref<10240x128xf32, #tpu.memory_space<vmem_shared>>
          tpu.enqueue_indirect_dma source(%dma_start3A_86 : memref<128x128xf32, #tpu.memory_space<vmem>>) target(%dma_start3A_92 : memref<10240x128xf32, #tpu.memory_space<vmem_shared>>) offsets(%dma_start3A_89 : memref<128xi32, #tpu.memory_space<vmem>>) semaphore(%run_scoped3A_82 : memref<!tpu.dma_semaphore, #tpu.memory_space<semaphore_mem>>) {add = true}
          %dma_wait3A_93 = arith.constant 0 : i32
          %dma_wait3A_94 = arith.constant 0 : i32
          %dma_wait3A_95 = tpu.memref_slice %arg10[%run_scoped3A, %dma_wait3A_93, %dma_wait3A_94] : memref<2x128x128xf32, #tpu.memory_space<vmem>> -> memref<1x128x128xf32, #tpu.memory_space<vmem>>
          %dma_wait3A_96 = tpu.memref_squeeze %dma_wait3A_95 : memref<1x128x128xf32, #tpu.memory_space<vmem>> -> memref<128x128xf32, #tpu.memory_space<vmem>>
          %dma_wait3A_97 = arith.constant 0 : i32
          %dma_wait3A_98 = tpu.memref_slice %arg9[%add3A_40, %dma_wait3A_97] : memref<40x128xi32, #tpu.memory_space<vmem>> -> memref<1x128xi32, #tpu.memory_space<vmem>>
          %dma_wait3A_99 = tpu.memref_squeeze %dma_wait3A_98 : memref<1x128xi32, #tpu.memory_space<vmem>> -> memref<128xi32, #tpu.memory_space<vmem>>
          %dma_wait3A_100 = arith.constant 0 : i32
          %dma_wait3A_101 = arith.constant 0 : i32
          %dma_wait3A_102 = tpu.memref_slice %arg7[%dma_wait3A_100, %dma_wait3A_101] : memref<10240x128xf32, #tpu.memory_space<vmem_shared>> -> memref<10240x128xf32, #tpu.memory_space<vmem_shared>>
          tpu.wait_indirect_dma semaphore(%run_scoped3A_82 : memref<!tpu.dma_semaphore, #tpu.memory_space<semaphore_mem>>) src(%dma_wait3A_96 : memref<128x128xf32, #tpu.memory_space<vmem>>) dst(%dma_wait3A_102 : memref<10240x128xf32, #tpu.memory_space<vmem_shared>>)
          tpu.yield
        }) : () -> ()
        %mul3A_57 = arith.constant 2 : i32
        %mul3A_58 = arith.muli %scan3A_36, %mul3A_57 : i32
        %add3A_59 = arith.constant 1 : i32
        %add3A_60 = arith.addi %mul3A_58, %add3A_59 : i32
        %add3A_61 = arith.constant 1 : i32
        %add3A_62 = arith.addi %add3A_60, %add3A_61 : i32
        %lt3A_63 = arith.constant 40 : i32
        %lt3A_64 = arith.cmpi slt, %add3A_62, %lt3A_63 : i32
        %convert_element_type3A_65 = arith.extui %lt3A_64 : i1 to i32
        %cond3A_66 = arith.constant 0 : i32
        %cond3A_67 = arith.cmpi ne, %convert_element_type3A_65, %cond3A_66 : i32
        scf.if %cond3A_67 {
          %mul3A_82 = arith.constant 128 : i32
          %mul3A_83 = arith.muli %add3A_62, %mul3A_82 : i32
          %add3A_84 = arith.constant 0 : i32
          %add3A_85 = arith.addi %mul3A_83, %add3A_84 : i32
          %dma_start3A_86 = arith.constant 0 : i32
          %dma_start3A_87 = arith.constant 0 : i32
          %dma_start3A_88 = arith.constant 0 : i32
          %dma_start3A_89 = tpu.memref_slice %arg10[%dma_start3A_86, %dma_start3A_87, %dma_start3A_88] : memref<2x128x128xf32, #tpu.memory_space<vmem>> -> memref<1x128x128xf32, #tpu.memory_space<vmem>>
          %dma_start3A_90 = tpu.memref_squeeze %dma_start3A_89 : memref<1x128x128xf32, #tpu.memory_space<vmem>> -> memref<128x128xf32, #tpu.memory_space<vmem>>
          %dma_start3A_91 = tpu.memref_slice %arg8[%add3A_85] : memref<5120xi32, #tpu.memory_space<vmem>> -> memref<128xi32, #tpu.memory_space<vmem>>
          %dma_start3A_92 = arith.constant 0 : i32
          %dma_start3A_93 = arith.constant 0 : i32
          %dma_start3A_94 = tpu.memref_slice %arg2[%dma_start3A_92, %dma_start3A_93] : memref<10016x128xf32, #tpu.memory_space<hbm>> -> memref<10016x128xf32, #tpu.memory_space<hbm>>
          tpu.enqueue_indirect_dma source(%dma_start3A_94 : memref<10016x128xf32, #tpu.memory_space<hbm>>) target(%dma_start3A_90 : memref<128x128xf32, #tpu.memory_space<vmem>>) offsets(%dma_start3A_91 : memref<128xi32, #tpu.memory_space<vmem>>) semaphore(%arg11 : memref<!tpu.dma_semaphore, #tpu.memory_space<semaphore_mem>>)
        } else {
        }
        %mul3A_68 = arith.constant 128 : i32
        %mul3A_69 = arith.muli %add3A_60, %mul3A_68 : i32
        %add3A_70 = arith.constant 0 : i32
        %add3A_71 = arith.addi %mul3A_69, %add3A_70 : i32
        %dma_wait3A_72 = arith.constant 1 : i32
        %dma_wait3A_73 = arith.constant 0 : i32
        %dma_wait3A_74 = arith.constant 0 : i32
        %dma_wait3A_75 = tpu.memref_slice %arg10[%dma_wait3A_72, %dma_wait3A_73, %dma_wait3A_74] : memref<2x128x128xf32, #tpu.memory_space<vmem>> -> memref<1x128x128xf32, #tpu.memory_space<vmem>>
        %dma_wait3A_76 = tpu.memref_squeeze %dma_wait3A_75 : memref<1x128x128xf32, #tpu.memory_space<vmem>> -> memref<128x128xf32, #tpu.memory_space<vmem>>
        %dma_wait3A_77 = tpu.memref_slice %arg8[%add3A_71] : memref<5120xi32, #tpu.memory_space<vmem>> -> memref<128xi32, #tpu.memory_space<vmem>>
        %dma_wait3A_78 = arith.constant 0 : i32
        %dma_wait3A_79 = arith.constant 0 : i32
        %dma_wait3A_80 = tpu.memref_slice %arg2[%dma_wait3A_78, %dma_wait3A_79] : memref<10016x128xf32, #tpu.memory_space<hbm>> -> memref<10016x128xf32, #tpu.memory_space<hbm>>
        tpu.wait_indirect_dma semaphore(%arg12 : memref<!tpu.dma_semaphore, #tpu.memory_space<semaphore_mem>>) src(%dma_wait3A_80 : memref<10016x128xf32, #tpu.memory_space<hbm>>) dst(%dma_wait3A_76 : memref<128x128xf32, #tpu.memory_space<vmem>>)
        %run_scoped3A_81 = arith.constant 1 : i32
        "tpu.region"() ({
          %run_scoped3A_82 = tpu.sem_alloc : memref<!tpu.dma_semaphore, #tpu.memory_space<semaphore_mem>>
          %dma_start3A_83 = arith.constant 0 : i32
          %dma_start3A_84 = arith.constant 0 : i32
          %dma_start3A_85 = tpu.memref_slice %arg10[%run_scoped3A_81, %dma_start3A_83, %dma_start3A_84] : memref<2x128x128xf32, #tpu.memory_space<vmem>> -> memref<1x128x128xf32, #tpu.memory_space<vmem>>
          %dma_start3A_86 = tpu.memref_squeeze %dma_start3A_85 : memref<1x128x128xf32, #tpu.memory_space<vmem>> -> memref<128x128xf32, #tpu.memory_space<vmem>>
          %dma_start3A_87 = arith.constant 0 : i32
          %dma_start3A_88 = tpu.memref_slice %arg9[%add3A_60, %dma_start3A_87] : memref<40x128xi32, #tpu.memory_space<vmem>> -> memref<1x128xi32, #tpu.memory_space<vmem>>
          %dma_start3A_89 = tpu.memref_squeeze %dma_start3A_88 : memref<1x128xi32, #tpu.memory_space<vmem>> -> memref<128xi32, #tpu.memory_space<vmem>>
          %dma_start3A_90 = arith.constant 0 : i32
          %dma_start3A_91 = arith.constant 0 : i32
          %dma_start3A_92 = tpu.memref_slice %arg7[%dma_start3A_90, %dma_start3A_91] : memref<10240x128xf32, #tpu.memory_space<vmem_shared>> -> memref<10240x128xf32, #tpu.memory_space<vmem_shared>>
          tpu.enqueue_indirect_dma source(%dma_start3A_86 : memref<128x128xf32, #tpu.memory_space<vmem>>) target(%dma_start3A_92 : memref<10240x128xf32, #tpu.memory_space<vmem_shared>>) offsets(%dma_start3A_89 : memref<128xi32, #tpu.memory_space<vmem>>) semaphore(%run_scoped3A_82 : memref<!tpu.dma_semaphore, #tpu.memory_space<semaphore_mem>>) {add = true}
          %dma_wait3A_93 = arith.constant 0 : i32
          %dma_wait3A_94 = arith.constant 0 : i32
          %dma_wait3A_95 = tpu.memref_slice %arg10[%run_scoped3A_81, %dma_wait3A_93, %dma_wait3A_94] : memref<2x128x128xf32, #tpu.memory_space<vmem>> -> memref<1x128x128xf32, #tpu.memory_space<vmem>>
          %dma_wait3A_96 = tpu.memref_squeeze %dma_wait3A_95 : memref<1x128x128xf32, #tpu.memory_space<vmem>> -> memref<128x128xf32, #tpu.memory_space<vmem>>
          %dma_wait3A_97 = arith.constant 0 : i32
          %dma_wait3A_98 = tpu.memref_slice %arg9[%add3A_60, %dma_wait3A_97] : memref<40x128xi32, #tpu.memory_space<vmem>> -> memref<1x128xi32, #tpu.memory_space<vmem>>
          %dma_wait3A_99 = tpu.memref_squeeze %dma_wait3A_98 : memref<1x128xi32, #tpu.memory_space<vmem>> -> memref<128xi32, #tpu.memory_space<vmem>>
          %dma_wait3A_100 = arith.constant 0 : i32
          %dma_wait3A_101 = arith.constant 0 : i32
          %dma_wait3A_102 = tpu.memref_slice %arg7[%dma_wait3A_100, %dma_wait3A_101] : memref<10240x128xf32, #tpu.memory_space<vmem_shared>> -> memref<10240x128xf32, #tpu.memory_space<vmem_shared>>
          tpu.wait_indirect_dma semaphore(%run_scoped3A_82 : memref<!tpu.dma_semaphore, #tpu.memory_space<semaphore_mem>>) src(%dma_wait3A_96 : memref<128x128xf32, #tpu.memory_space<vmem>>) dst(%dma_wait3A_102 : memref<10240x128xf32, #tpu.memory_space<vmem_shared>>)
          tpu.yield
        }) : () -> ()
      }
      %scan3A_35 = arith.constant 20 : i32
    }
    %barrier3A_18 = arith.constant 0 : index
    tpu.barrier barrier_id(%barrier3A_18)
    "tpu.region"() ({
      %run_scoped3A = tpu.sem_alloc : memref<!tpu.dma_semaphore, #tpu.memory_space<semaphore_mem>>
      %dma_start3A = arith.constant 0 : i32
      %dma_start3A_19 = tpu.memref_slice %arg6[%arg0, %mul3A_0, %dma_start3A] : memref<2x10240x128xf32, #tpu.memory_space<hbm>> -> memref<1x640x128xf32, #tpu.memory_space<hbm>>
      %dma_start3A_20 = tpu.memref_squeeze %dma_start3A_19 : memref<1x640x128xf32, #tpu.memory_space<hbm>> -> memref<640x128xf32, #tpu.memory_space<hbm>>
      %dma_start3A_21 = arith.constant 0 : i32
      %dma_start3A_22 = tpu.memref_slice %arg7[%mul3A_0, %dma_start3A_21] : memref<10240x128xf32, #tpu.memory_space<vmem_shared>> -> memref<640x128xf32, #tpu.memory_space<vmem_shared>>
      tpu.enqueue_dma source(%dma_start3A_22 : memref<640x128xf32, #tpu.memory_space<vmem_shared>>) target(%dma_start3A_20 : memref<640x128xf32, #tpu.memory_space<hbm>>) target_semaphore(%run_scoped3A : memref<!tpu.dma_semaphore, #tpu.memory_space<semaphore_mem>>)
      %dma_wait3A = arith.constant 0 : i32
      %dma_wait3A_23 = tpu.memref_slice %arg6[%arg0, %mul3A_0, %dma_wait3A] : memref<2x10240x128xf32, #tpu.memory_space<hbm>> -> memref<1x640x128xf32, #tpu.memory_space<hbm>>
      %dma_wait3A_24 = tpu.memref_squeeze %dma_wait3A_23 : memref<1x640x128xf32, #tpu.memory_space<hbm>> -> memref<640x128xf32, #tpu.memory_space<hbm>>
      %dma_wait3A_25 = arith.constant 0 : i32
      %dma_wait3A_26 = tpu.memref_slice %arg7[%mul3A_0, %dma_wait3A_25] : memref<10240x128xf32, #tpu.memory_space<vmem_shared>> -> memref<640x128xf32, #tpu.memory_space<vmem_shared>>
      tpu.wait_dma2 semaphore(%run_scoped3A : memref<!tpu.dma_semaphore, #tpu.memory_space<semaphore_mem>>) src(%dma_wait3A_26 : memref<640x128xf32, #tpu.memory_space<vmem_shared>>) dst(%dma_wait3A_24 : memref<640x128xf32, #tpu.memory_space<hbm>>)
      tpu.yield
    }) : () -> ()
    return
  }
}

#map = affine_map<(d0, d1) -> (0, 0)>
#map1 = affine_map<(d0, d1) -> (0, 0, 0)>
module attributes {stable_mosaic.version = 14 : i64} {
  func.func @_agg_body(%arg0: i32, %arg1: i32, %arg2: memref<10016x128xf32, #tpu.memory_space<hbm>>, %arg3: memref<16x4x5120xi32, #tpu.memory_space<hbm>>, %arg4: memref<16x160x128xi32, #tpu.memory_space<hbm>>, %arg5: memref<640x128xf32, #tpu.memory_space<hbm>>, %arg6: memref<2x10240x128xf32, #tpu.memory_space<hbm>>, %arg7: memref<10240x128xf32, #tpu.memory_space<vmem_shared>>, %arg8: memref<5120xi32, #tpu.memory_space<vmem>>, %arg9: memref<40x128xi32, #tpu.memory_space<vmem>>, %arg10: memref<2x128x128xf32, #tpu.memory_space<vmem>>, %arg11: memref<!tpu.dma_semaphore, #tpu.memory_space<semaphore_mem>>, %arg12: memref<!tpu.dma_semaphore, #tpu.memory_space<semaphore_mem>>) attributes {dimension_semantics = [#tpu.dimension_semantics<core_parallel>, #tpu.dimension_semantics<subcore_parallel>], iteration_bounds = array<i64: 2, 16>, scalar_prefetch = 0 : i64, scratch_operands = 6 : i64, tpu.core_type = #tpu.core_type<sc_vector_subcore>, window_params = [{transform_indices = #map}, {transform_indices = #map1}, {transform_indices = #map1}, {transform_indices = #map}, {transform_indices = #map1}]} {
    %mul3A = arith.constant 640 : i32
    %mul3A_0 = arith.muli %arg1, %mul3A : i32
    "tpu.region"() ({
      %run_scoped3A = tpu.sem_alloc : memref<!tpu.dma_semaphore, #tpu.memory_space<semaphore_mem>>
      %dma_start3A = arith.constant 0 : i32
      %dma_start3A_19 = tpu.memref_slice %arg7[%mul3A_0, %dma_start3A] : memref<10240x128xf32, #tpu.memory_space<vmem_shared>> -> memref<640x128xf32, #tpu.memory_space<vmem_shared>>
      tpu.enqueue_dma source(%arg5 : memref<640x128xf32, #tpu.memory_space<hbm>>) target(%dma_start3A_19 : memref<640x128xf32, #tpu.memory_space<vmem_shared>>) target_semaphore(%run_scoped3A : memref<!tpu.dma_semaphore, #tpu.memory_space<semaphore_mem>>)
      %dma_wait3A = arith.constant 0 : i32
      %dma_wait3A_20 = tpu.memref_slice %arg7[%mul3A_0, %dma_wait3A] : memref<10240x128xf32, #tpu.memory_space<vmem_shared>> -> memref<640x128xf32, #tpu.memory_space<vmem_shared>>
      tpu.wait_dma2 semaphore(%run_scoped3A : memref<!tpu.dma_semaphore, #tpu.memory_space<semaphore_mem>>) src(%arg5 : memref<640x128xf32, #tpu.memory_space<hbm>>) dst(%dma_wait3A_20 : memref<640x128xf32, #tpu.memory_space<vmem_shared>>)
      tpu.yield
    }) : () -> ()
    %barrier3A = arith.constant 0 : index
    tpu.barrier barrier_id(%barrier3A)
    %eq3A = arith.constant 0 : i32
    %eq3A_1 = arith.cmpi eq, %arg0, %eq3A : i32
    %select_n3A = arith.constant 2 : i32
    %select_n3A_2 = arith.constant 0 : i32
    %select_n3A_3 = arith.select %eq3A_1, %select_n3A_2, %select_n3A : i32
    %eq3A_4 = arith.constant 0 : i32
    %eq3A_5 = arith.cmpi eq, %arg0, %eq3A_4 : i32
    %select_n3A_6 = arith.constant 2 : i32
    %select_n3A_7 = arith.constant 2 : i32
    %select_n3A_8 = arith.select %eq3A_5, %select_n3A_7, %select_n3A_6 : i32
    %while3A = arith.constant 0 : i32
    %while3A_9 = arith.constant 0 : i32
    %while3A_10 = arith.subi %select_n3A_8, %while3A_9 : i32
    %while3A_11 = arith.addi %while3A_9, %while3A_10 : i32
    %while3A_12 = arith.constant 1 : i32
    %while3A_13 = arith.divsi %while3A_10, %while3A_12 : i32
    %while3A_14 = arith.muli %while3A_13, %while3A_12 : i32
    %while3A_15 = arith.addi %while3A_9, %while3A_14 : i32
    %while3A_16 = arith.constant 1 : i32
    scf.for %while3A_19 = %while3A_9 to %while3A_15 step %while3A_16  : i32 {
      %add3A = arith.addi %select_n3A_3, %while3A_19 : i32
      "tpu.region"() ({
        %run_scoped3A = tpu.sem_alloc : memref<!tpu.dma_semaphore, #tpu.memory_space<semaphore_mem>>
        %dma_start3A_36 = arith.constant 0 : i32
        %dma_start3A_37 = tpu.memref_slice %arg3[%arg1, %add3A, %dma_start3A_36] : memref<16x4x5120xi32, #tpu.memory_space<hbm>> -> memref<1x1x5120xi32, #tpu.memory_space<hbm>>
        %dma_start3A_38 = tpu.memref_squeeze %dma_start3A_37 : memref<1x1x5120xi32, #tpu.memory_space<hbm>> -> memref<5120xi32, #tpu.memory_space<hbm>>
        %dma_start3A_39 = arith.constant 0 : i32
        %dma_start3A_40 = tpu.memref_slice %arg3[%arg1, %add3A, %dma_start3A_39] : memref<16x4x5120xi32, #tpu.memory_space<hbm>> -> memref<1x1x5120xi32, #tpu.memory_space<hbm>>
        %dma_start3A_41 = tpu.memref_squeeze %dma_start3A_40 : memref<1x1x5120xi32, #tpu.memory_space<hbm>> -> memref<5120xi32, #tpu.memory_space<hbm>>
        tpu.enqueue_dma source(%dma_start3A_41 : memref<5120xi32, #tpu.memory_space<hbm>>) target(%arg8 : memref<5120xi32, #tpu.memory_space<vmem>>) target_semaphore(%run_scoped3A : memref<!tpu.dma_semaphore, #tpu.memory_space<semaphore_mem>>)
        %dma_wait3A = arith.constant 0 : i32
        %dma_wait3A_42 = tpu.memref_slice %arg3[%arg1, %add3A, %dma_wait3A] : memref<16x4x5120xi32, #tpu.memory_space<hbm>> -> memref<1x1x5120xi32, #tpu.memory_space<hbm>>
        %dma_wait3A_43 = tpu.memref_squeeze %dma_wait3A_42 : memref<1x1x5120xi32, #tpu.memory_space<hbm>> -> memref<5120xi32, #tpu.memory_space<hbm>>
        %dma_wait3A_44 = arith.constant 0 : i32
        %dma_wait3A_45 = tpu.memref_slice %arg3[%arg1, %add3A, %dma_wait3A_44] : memref<16x4x5120xi32, #tpu.memory_space<hbm>> -> memref<1x1x5120xi32, #tpu.memory_space<hbm>>
        %dma_wait3A_46 = tpu.memref_squeeze %dma_wait3A_45 : memref<1x1x5120xi32, #tpu.memory_space<hbm>> -> memref<5120xi32, #tpu.memory_space<hbm>>
        tpu.wait_dma2 semaphore(%run_scoped3A : memref<!tpu.dma_semaphore, #tpu.memory_space<semaphore_mem>>) src(%dma_wait3A_46 : memref<5120xi32, #tpu.memory_space<hbm>>) dst(%arg8 : memref<5120xi32, #tpu.memory_space<vmem>>)
        tpu.yield
      }) : () -> ()
      %mul3A_20 = arith.constant 40 : i32
      %mul3A_21 = arith.muli %add3A, %mul3A_20 : i32
      "tpu.region"() ({
        %run_scoped3A = tpu.sem_alloc : memref<!tpu.dma_semaphore, #tpu.memory_space<semaphore_mem>>
        %dma_start3A_36 = arith.constant 0 : i32
        %dma_start3A_37 = tpu.memref_slice %arg4[%arg1, %mul3A_21, %dma_start3A_36] : memref<16x160x128xi32, #tpu.memory_space<hbm>> -> memref<1x40x128xi32, #tpu.memory_space<hbm>>
        %dma_start3A_38 = tpu.memref_squeeze %dma_start3A_37 : memref<1x40x128xi32, #tpu.memory_space<hbm>> -> memref<40x128xi32, #tpu.memory_space<hbm>>
        %dma_start3A_39 = arith.constant 0 : i32
        %dma_start3A_40 = tpu.memref_slice %arg4[%arg1, %mul3A_21, %dma_start3A_39] : memref<16x160x128xi32, #tpu.memory_space<hbm>> -> memref<1x40x128xi32, #tpu.memory_space<hbm>>
        %dma_start3A_41 = tpu.memref_squeeze %dma_start3A_40 : memref<1x40x128xi32, #tpu.memory_space<hbm>> -> memref<40x128xi32, #tpu.memory_space<hbm>>
        tpu.enqueue_dma source(%dma_start3A_41 : memref<40x128xi32, #tpu.memory_space<hbm>>) target(%arg9 : memref<40x128xi32, #tpu.memory_space<vmem>>) target_semaphore(%run_scoped3A : memref<!tpu.dma_semaphore, #tpu.memory_space<semaphore_mem>>)
        %dma_wait3A = arith.constant 0 : i32
        %dma_wait3A_42 = tpu.memref_slice %arg4[%arg1, %mul3A_21, %dma_wait3A] : memref<16x160x128xi32, #tpu.memory_space<hbm>> -> memref<1x40x128xi32, #tpu.memory_space<hbm>>
        %dma_wait3A_43 = tpu.memref_squeeze %dma_wait3A_42 : memref<1x40x128xi32, #tpu.memory_space<hbm>> -> memref<40x128xi32, #tpu.memory_space<hbm>>
        %dma_wait3A_44 = arith.constant 0 : i32
        %dma_wait3A_45 = tpu.memref_slice %arg4[%arg1, %mul3A_21, %dma_wait3A_44] : memref<16x160x128xi32, #tpu.memory_space<hbm>> -> memref<1x40x128xi32, #tpu.memory_space<hbm>>
        %dma_wait3A_46 = tpu.memref_squeeze %dma_wait3A_45 : memref<1x40x128xi32, #tpu.memory_space<hbm>> -> memref<40x128xi32, #tpu.memory_space<hbm>>
        tpu.wait_dma2 semaphore(%run_scoped3A : memref<!tpu.dma_semaphore, #tpu.memory_space<semaphore_mem>>) src(%dma_wait3A_46 : memref<40x128xi32, #tpu.memory_space<hbm>>) dst(%arg9 : memref<40x128xi32, #tpu.memory_space<vmem>>)
        tpu.yield
      }) : () -> ()
      %dma_start3A = arith.constant 0 : i32
      %dma_start3A_22 = arith.constant 0 : i32
      %dma_start3A_23 = arith.constant 0 : i32
      %dma_start3A_24 = tpu.memref_slice %arg10[%dma_start3A, %dma_start3A_22, %dma_start3A_23] : memref<2x128x128xf32, #tpu.memory_space<vmem>> -> memref<1x128x128xf32, #tpu.memory_space<vmem>>
      %dma_start3A_25 = tpu.memref_squeeze %dma_start3A_24 : memref<1x128x128xf32, #tpu.memory_space<vmem>> -> memref<128x128xf32, #tpu.memory_space<vmem>>
      %dma_start3A_26 = arith.constant 0 : i32
      %dma_start3A_27 = tpu.memref_slice %arg8[%dma_start3A_26] : memref<5120xi32, #tpu.memory_space<vmem>> -> memref<128xi32, #tpu.memory_space<vmem>>
      %dma_start3A_28 = arith.constant 0 : i32
      %dma_start3A_29 = arith.constant 0 : i32
      %dma_start3A_30 = tpu.memref_slice %arg2[%dma_start3A_28, %dma_start3A_29] : memref<10016x128xf32, #tpu.memory_space<hbm>> -> memref<10016x128xf32, #tpu.memory_space<hbm>>
      tpu.enqueue_indirect_dma source(%dma_start3A_30 : memref<10016x128xf32, #tpu.memory_space<hbm>>) target(%dma_start3A_25 : memref<128x128xf32, #tpu.memory_space<vmem>>) offsets(%dma_start3A_27 : memref<128xi32, #tpu.memory_space<vmem>>) semaphore(%arg11 : memref<!tpu.dma_semaphore, #tpu.memory_space<semaphore_mem>>)
      %scan3A = arith.constant 0 : i32
      %scan3A_31 = arith.constant 0 : i32
      %scan3A_32 = arith.constant 20 : i32
      %scan3A_33 = arith.addi %scan3A_31, %scan3A_32 : i32
      %scan3A_34 = arith.constant 1 : i32
      scf.for %scan3A_36 = %scan3A_31 to %scan3A_33 step %scan3A_34  : i32 {
        %mul3A_37 = arith.constant 2 : i32
        %mul3A_38 = arith.muli %scan3A_36, %mul3A_37 : i32
        %add3A_39 = arith.constant 0 : i32
        %add3A_40 = arith.addi %mul3A_38, %add3A_39 : i32
        %add3A_41 = arith.constant 1 : i32
        %add3A_42 = arith.addi %add3A_40, %add3A_41 : i32
        %lt3A = arith.constant 40 : i32
        %lt3A_43 = arith.cmpi slt, %add3A_42, %lt3A : i32
        %convert_element_type3A = arith.extui %lt3A_43 : i1 to i32
        %cond3A = arith.constant 0 : i32
        %cond3A_44 = arith.cmpi ne, %convert_element_type3A, %cond3A : i32
        scf.if %cond3A_44 {
          %mul3A_82 = arith.constant 128 : i32
          %mul3A_83 = arith.muli %add3A_42, %mul3A_82 : i32
          %add3A_84 = arith.constant 0 : i32
          %add3A_85 = arith.addi %mul3A_83, %add3A_84 : i32
          %dma_start3A_86 = arith.constant 1 : i32
          %dma_start3A_87 = arith.constant 0 : i32
          %dma_start3A_88 = arith.constant 0 : i32
          %dma_start3A_89 = tpu.memref_slice %arg10[%dma_start3A_86, %dma_start3A_87, %dma_start3A_88] : memref<2x128x128xf32, #tpu.memory_space<vmem>> -> memref<1x128x128xf32, #tpu.memory_space<vmem>>
          %dma_start3A_90 = tpu.memref_squeeze %dma_start3A_89 : memref<1x128x128xf32, #tpu.memory_space<vmem>> -> memref<128x128xf32, #tpu.memory_space<vmem>>
          %dma_start3A_91 = tpu.memref_slice %arg8[%add3A_85] : memref<5120xi32, #tpu.memory_space<vmem>> -> memref<128xi32, #tpu.memory_space<vmem>>
          %dma_start3A_92 = arith.constant 0 : i32
          %dma_start3A_93 = arith.constant 0 : i32
          %dma_start3A_94 = tpu.memref_slice %arg2[%dma_start3A_92, %dma_start3A_93] : memref<10016x128xf32, #tpu.memory_space<hbm>> -> memref<10016x128xf32, #tpu.memory_space<hbm>>
          tpu.enqueue_indirect_dma source(%dma_start3A_94 : memref<10016x128xf32, #tpu.memory_space<hbm>>) target(%dma_start3A_90 : memref<128x128xf32, #tpu.memory_space<vmem>>) offsets(%dma_start3A_91 : memref<128xi32, #tpu.memory_space<vmem>>) semaphore(%arg12 : memref<!tpu.dma_semaphore, #tpu.memory_space<semaphore_mem>>)
        } else {
        }
        %mul3A_45 = arith.constant 128 : i32
        %mul3A_46 = arith.muli %add3A_40, %mul3A_45 : i32
        %add3A_47 = arith.constant 0 : i32
        %add3A_48 = arith.addi %mul3A_46, %add3A_47 : i32
        %dma_wait3A = arith.constant 0 : i32
        %dma_wait3A_49 = arith.constant 0 : i32
        %dma_wait3A_50 = arith.constant 0 : i32
        %dma_wait3A_51 = tpu.memref_slice %arg10[%dma_wait3A, %dma_wait3A_49, %dma_wait3A_50] : memref<2x128x128xf32, #tpu.memory_space<vmem>> -> memref<1x128x128xf32, #tpu.memory_space<vmem>>
        %dma_wait3A_52 = tpu.memref_squeeze %dma_wait3A_51 : memref<1x128x128xf32, #tpu.memory_space<vmem>> -> memref<128x128xf32, #tpu.memory_space<vmem>>
        %dma_wait3A_53 = tpu.memref_slice %arg8[%add3A_48] : memref<5120xi32, #tpu.memory_space<vmem>> -> memref<128xi32, #tpu.memory_space<vmem>>
        %dma_wait3A_54 = arith.constant 0 : i32
        %dma_wait3A_55 = arith.constant 0 : i32
        %dma_wait3A_56 = tpu.memref_slice %arg2[%dma_wait3A_54, %dma_wait3A_55] : memref<10016x128xf32, #tpu.memory_space<hbm>> -> memref<10016x128xf32, #tpu.memory_space<hbm>>
        tpu.wait_indirect_dma semaphore(%arg11 : memref<!tpu.dma_semaphore, #tpu.memory_space<semaphore_mem>>) src(%dma_wait3A_56 : memref<10016x128xf32, #tpu.memory_space<hbm>>) dst(%dma_wait3A_52 : memref<128x128xf32, #tpu.memory_space<vmem>>)
        %run_scoped3A = arith.constant 0 : i32
        "tpu.region"() ({
          %run_scoped3A_82 = tpu.sem_alloc : memref<!tpu.dma_semaphore, #tpu.memory_space<semaphore_mem>>
          %dma_start3A_83 = arith.constant 0 : i32
          %dma_start3A_84 = arith.constant 0 : i32
          %dma_start3A_85 = tpu.memref_slice %arg10[%run_scoped3A, %dma_start3A_83, %dma_start3A_84] : memref<2x128x128xf32, #tpu.memory_space<vmem>> -> memref<1x128x128xf32, #tpu.memory_space<vmem>>
          %dma_start3A_86 = tpu.memref_squeeze %dma_start3A_85 : memref<1x128x128xf32, #tpu.memory_space<vmem>> -> memref<128x128xf32, #tpu.memory_space<vmem>>
          %dma_start3A_87 = arith.constant 0 : i32
          %dma_start3A_88 = tpu.memref_slice %arg9[%add3A_40, %dma_start3A_87] : memref<40x128xi32, #tpu.memory_space<vmem>> -> memref<1x128xi32, #tpu.memory_space<vmem>>
          %dma_start3A_89 = tpu.memref_squeeze %dma_start3A_88 : memref<1x128xi32, #tpu.memory_space<vmem>> -> memref<128xi32, #tpu.memory_space<vmem>>
          %dma_start3A_90 = arith.constant 0 : i32
          %dma_start3A_91 = arith.constant 0 : i32
          %dma_start3A_92 = tpu.memref_slice %arg7[%dma_start3A_90, %dma_start3A_91] : memref<10240x128xf32, #tpu.memory_space<vmem_shared>> -> memref<10240x128xf32, #tpu.memory_space<vmem_shared>>
          tpu.enqueue_indirect_dma source(%dma_start3A_86 : memref<128x128xf32, #tpu.memory_space<vmem>>) target(%dma_start3A_92 : memref<10240x128xf32, #tpu.memory_space<vmem_shared>>) offsets(%dma_start3A_89 : memref<128xi32, #tpu.memory_space<vmem>>) semaphore(%run_scoped3A_82 : memref<!tpu.dma_semaphore, #tpu.memory_space<semaphore_mem>>) {add = true}
          %dma_wait3A_93 = arith.constant 0 : i32
          %dma_wait3A_94 = arith.constant 0 : i32
          %dma_wait3A_95 = tpu.memref_slice %arg10[%run_scoped3A, %dma_wait3A_93, %dma_wait3A_94] : memref<2x128x128xf32, #tpu.memory_space<vmem>> -> memref<1x128x128xf32, #tpu.memory_space<vmem>>
          %dma_wait3A_96 = tpu.memref_squeeze %dma_wait3A_95 : memref<1x128x128xf32, #tpu.memory_space<vmem>> -> memref<128x128xf32, #tpu.memory_space<vmem>>
          %dma_wait3A_97 = arith.constant 0 : i32
          %dma_wait3A_98 = tpu.memref_slice %arg9[%add3A_40, %dma_wait3A_97] : memref<40x128xi32, #tpu.memory_space<vmem>> -> memref<1x128xi32, #tpu.memory_space<vmem>>
          %dma_wait3A_99 = tpu.memref_squeeze %dma_wait3A_98 : memref<1x128xi32, #tpu.memory_space<vmem>> -> memref<128xi32, #tpu.memory_space<vmem>>
          %dma_wait3A_100 = arith.constant 0 : i32
          %dma_wait3A_101 = arith.constant 0 : i32
          %dma_wait3A_102 = tpu.memref_slice %arg7[%dma_wait3A_100, %dma_wait3A_101] : memref<10240x128xf32, #tpu.memory_space<vmem_shared>> -> memref<10240x128xf32, #tpu.memory_space<vmem_shared>>
          tpu.wait_indirect_dma semaphore(%run_scoped3A_82 : memref<!tpu.dma_semaphore, #tpu.memory_space<semaphore_mem>>) src(%dma_wait3A_96 : memref<128x128xf32, #tpu.memory_space<vmem>>) dst(%dma_wait3A_102 : memref<10240x128xf32, #tpu.memory_space<vmem_shared>>)
          tpu.yield
        }) : () -> ()
        %mul3A_57 = arith.constant 2 : i32
        %mul3A_58 = arith.muli %scan3A_36, %mul3A_57 : i32
        %add3A_59 = arith.constant 1 : i32
        %add3A_60 = arith.addi %mul3A_58, %add3A_59 : i32
        %add3A_61 = arith.constant 1 : i32
        %add3A_62 = arith.addi %add3A_60, %add3A_61 : i32
        %lt3A_63 = arith.constant 40 : i32
        %lt3A_64 = arith.cmpi slt, %add3A_62, %lt3A_63 : i32
        %convert_element_type3A_65 = arith.extui %lt3A_64 : i1 to i32
        %cond3A_66 = arith.constant 0 : i32
        %cond3A_67 = arith.cmpi ne, %convert_element_type3A_65, %cond3A_66 : i32
        scf.if %cond3A_67 {
          %mul3A_82 = arith.constant 128 : i32
          %mul3A_83 = arith.muli %add3A_62, %mul3A_82 : i32
          %add3A_84 = arith.constant 0 : i32
          %add3A_85 = arith.addi %mul3A_83, %add3A_84 : i32
          %dma_start3A_86 = arith.constant 0 : i32
          %dma_start3A_87 = arith.constant 0 : i32
          %dma_start3A_88 = arith.constant 0 : i32
          %dma_start3A_89 = tpu.memref_slice %arg10[%dma_start3A_86, %dma_start3A_87, %dma_start3A_88] : memref<2x128x128xf32, #tpu.memory_space<vmem>> -> memref<1x128x128xf32, #tpu.memory_space<vmem>>
          %dma_start3A_90 = tpu.memref_squeeze %dma_start3A_89 : memref<1x128x128xf32, #tpu.memory_space<vmem>> -> memref<128x128xf32, #tpu.memory_space<vmem>>
          %dma_start3A_91 = tpu.memref_slice %arg8[%add3A_85] : memref<5120xi32, #tpu.memory_space<vmem>> -> memref<128xi32, #tpu.memory_space<vmem>>
          %dma_start3A_92 = arith.constant 0 : i32
          %dma_start3A_93 = arith.constant 0 : i32
          %dma_start3A_94 = tpu.memref_slice %arg2[%dma_start3A_92, %dma_start3A_93] : memref<10016x128xf32, #tpu.memory_space<hbm>> -> memref<10016x128xf32, #tpu.memory_space<hbm>>
          tpu.enqueue_indirect_dma source(%dma_start3A_94 : memref<10016x128xf32, #tpu.memory_space<hbm>>) target(%dma_start3A_90 : memref<128x128xf32, #tpu.memory_space<vmem>>) offsets(%dma_start3A_91 : memref<128xi32, #tpu.memory_space<vmem>>) semaphore(%arg11 : memref<!tpu.dma_semaphore, #tpu.memory_space<semaphore_mem>>)
        } else {
        }
        %mul3A_68 = arith.constant 128 : i32
        %mul3A_69 = arith.muli %add3A_60, %mul3A_68 : i32
        %add3A_70 = arith.constant 0 : i32
        %add3A_71 = arith.addi %mul3A_69, %add3A_70 : i32
        %dma_wait3A_72 = arith.constant 1 : i32
        %dma_wait3A_73 = arith.constant 0 : i32
        %dma_wait3A_74 = arith.constant 0 : i32
        %dma_wait3A_75 = tpu.memref_slice %arg10[%dma_wait3A_72, %dma_wait3A_73, %dma_wait3A_74] : memref<2x128x128xf32, #tpu.memory_space<vmem>> -> memref<1x128x128xf32, #tpu.memory_space<vmem>>
        %dma_wait3A_76 = tpu.memref_squeeze %dma_wait3A_75 : memref<1x128x128xf32, #tpu.memory_space<vmem>> -> memref<128x128xf32, #tpu.memory_space<vmem>>
        %dma_wait3A_77 = tpu.memref_slice %arg8[%add3A_71] : memref<5120xi32, #tpu.memory_space<vmem>> -> memref<128xi32, #tpu.memory_space<vmem>>
        %dma_wait3A_78 = arith.constant 0 : i32
        %dma_wait3A_79 = arith.constant 0 : i32
        %dma_wait3A_80 = tpu.memref_slice %arg2[%dma_wait3A_78, %dma_wait3A_79] : memref<10016x128xf32, #tpu.memory_space<hbm>> -> memref<10016x128xf32, #tpu.memory_space<hbm>>
        tpu.wait_indirect_dma semaphore(%arg12 : memref<!tpu.dma_semaphore, #tpu.memory_space<semaphore_mem>>) src(%dma_wait3A_80 : memref<10016x128xf32, #tpu.memory_space<hbm>>) dst(%dma_wait3A_76 : memref<128x128xf32, #tpu.memory_space<vmem>>)
        %run_scoped3A_81 = arith.constant 1 : i32
        "tpu.region"() ({
          %run_scoped3A_82 = tpu.sem_alloc : memref<!tpu.dma_semaphore, #tpu.memory_space<semaphore_mem>>
          %dma_start3A_83 = arith.constant 0 : i32
          %dma_start3A_84 = arith.constant 0 : i32
          %dma_start3A_85 = tpu.memref_slice %arg10[%run_scoped3A_81, %dma_start3A_83, %dma_start3A_84] : memref<2x128x128xf32, #tpu.memory_space<vmem>> -> memref<1x128x128xf32, #tpu.memory_space<vmem>>
          %dma_start3A_86 = tpu.memref_squeeze %dma_start3A_85 : memref<1x128x128xf32, #tpu.memory_space<vmem>> -> memref<128x128xf32, #tpu.memory_space<vmem>>
          %dma_start3A_87 = arith.constant 0 : i32
          %dma_start3A_88 = tpu.memref_slice %arg9[%add3A_60, %dma_start3A_87] : memref<40x128xi32, #tpu.memory_space<vmem>> -> memref<1x128xi32, #tpu.memory_space<vmem>>
          %dma_start3A_89 = tpu.memref_squeeze %dma_start3A_88 : memref<1x128xi32, #tpu.memory_space<vmem>> -> memref<128xi32, #tpu.memory_space<vmem>>
          %dma_start3A_90 = arith.constant 0 : i32
          %dma_start3A_91 = arith.constant 0 : i32
          %dma_start3A_92 = tpu.memref_slice %arg7[%dma_start3A_90, %dma_start3A_91] : memref<10240x128xf32, #tpu.memory_space<vmem_shared>> -> memref<10240x128xf32, #tpu.memory_space<vmem_shared>>
          tpu.enqueue_indirect_dma source(%dma_start3A_86 : memref<128x128xf32, #tpu.memory_space<vmem>>) target(%dma_start3A_92 : memref<10240x128xf32, #tpu.memory_space<vmem_shared>>) offsets(%dma_start3A_89 : memref<128xi32, #tpu.memory_space<vmem>>) semaphore(%run_scoped3A_82 : memref<!tpu.dma_semaphore, #tpu.memory_space<semaphore_mem>>) {add = true}
          %dma_wait3A_93 = arith.constant 0 : i32
          %dma_wait3A_94 = arith.constant 0 : i32
          %dma_wait3A_95 = tpu.memref_slice %arg10[%run_scoped3A_81, %dma_wait3A_93, %dma_wait3A_94] : memref<2x128x128xf32, #tpu.memory_space<vmem>> -> memref<1x128x128xf32, #tpu.memory_space<vmem>>
          %dma_wait3A_96 = tpu.memref_squeeze %dma_wait3A_95 : memref<1x128x128xf32, #tpu.memory_space<vmem>> -> memref<128x128xf32, #tpu.memory_space<vmem>>
          %dma_wait3A_97 = arith.constant 0 : i32
          %dma_wait3A_98 = tpu.memref_slice %arg9[%add3A_60, %dma_wait3A_97] : memref<40x128xi32, #tpu.memory_space<vmem>> -> memref<1x128xi32, #tpu.memory_space<vmem>>
          %dma_wait3A_99 = tpu.memref_squeeze %dma_wait3A_98 : memref<1x128xi32, #tpu.memory_space<vmem>> -> memref<128xi32, #tpu.memory_space<vmem>>
          %dma_wait3A_100 = arith.constant 0 : i32
          %dma_wait3A_101 = arith.constant 0 : i32
          %dma_wait3A_102 = tpu.memref_slice %arg7[%dma_wait3A_100, %dma_wait3A_101] : memref<10240x128xf32, #tpu.memory_space<vmem_shared>> -> memref<10240x128xf32, #tpu.memory_space<vmem_shared>>
          tpu.wait_indirect_dma semaphore(%run_scoped3A_82 : memref<!tpu.dma_semaphore, #tpu.memory_space<semaphore_mem>>) src(%dma_wait3A_96 : memref<128x128xf32, #tpu.memory_space<vmem>>) dst(%dma_wait3A_102 : memref<10240x128xf32, #tpu.memory_space<vmem_shared>>)
          tpu.yield
        }) : () -> ()
      }
      %scan3A_35 = arith.constant 20 : i32
    }
    %while3A_17 = arith.constant 1 : i32
    scf.for %while3A_19 = %while3A_15 to %while3A_11 step %while3A_17  : i32 {
      %add3A = arith.addi %select_n3A_3, %while3A_19 : i32
      "tpu.region"() ({
        %run_scoped3A = tpu.sem_alloc : memref<!tpu.dma_semaphore, #tpu.memory_space<semaphore_mem>>
        %dma_start3A_36 = arith.constant 0 : i32
        %dma_start3A_37 = tpu.memref_slice %arg3[%arg1, %add3A, %dma_start3A_36] : memref<16x4x5120xi32, #tpu.memory_space<hbm>> -> memref<1x1x5120xi32, #tpu.memory_space<hbm>>
        %dma_start3A_38 = tpu.memref_squeeze %dma_start3A_37 : memref<1x1x5120xi32, #tpu.memory_space<hbm>> -> memref<5120xi32, #tpu.memory_space<hbm>>
        %dma_start3A_39 = arith.constant 0 : i32
        %dma_start3A_40 = tpu.memref_slice %arg3[%arg1, %add3A, %dma_start3A_39] : memref<16x4x5120xi32, #tpu.memory_space<hbm>> -> memref<1x1x5120xi32, #tpu.memory_space<hbm>>
        %dma_start3A_41 = tpu.memref_squeeze %dma_start3A_40 : memref<1x1x5120xi32, #tpu.memory_space<hbm>> -> memref<5120xi32, #tpu.memory_space<hbm>>
        tpu.enqueue_dma source(%dma_start3A_41 : memref<5120xi32, #tpu.memory_space<hbm>>) target(%arg8 : memref<5120xi32, #tpu.memory_space<vmem>>) target_semaphore(%run_scoped3A : memref<!tpu.dma_semaphore, #tpu.memory_space<semaphore_mem>>)
        %dma_wait3A = arith.constant 0 : i32
        %dma_wait3A_42 = tpu.memref_slice %arg3[%arg1, %add3A, %dma_wait3A] : memref<16x4x5120xi32, #tpu.memory_space<hbm>> -> memref<1x1x5120xi32, #tpu.memory_space<hbm>>
        %dma_wait3A_43 = tpu.memref_squeeze %dma_wait3A_42 : memref<1x1x5120xi32, #tpu.memory_space<hbm>> -> memref<5120xi32, #tpu.memory_space<hbm>>
        %dma_wait3A_44 = arith.constant 0 : i32
        %dma_wait3A_45 = tpu.memref_slice %arg3[%arg1, %add3A, %dma_wait3A_44] : memref<16x4x5120xi32, #tpu.memory_space<hbm>> -> memref<1x1x5120xi32, #tpu.memory_space<hbm>>
        %dma_wait3A_46 = tpu.memref_squeeze %dma_wait3A_45 : memref<1x1x5120xi32, #tpu.memory_space<hbm>> -> memref<5120xi32, #tpu.memory_space<hbm>>
        tpu.wait_dma2 semaphore(%run_scoped3A : memref<!tpu.dma_semaphore, #tpu.memory_space<semaphore_mem>>) src(%dma_wait3A_46 : memref<5120xi32, #tpu.memory_space<hbm>>) dst(%arg8 : memref<5120xi32, #tpu.memory_space<vmem>>)
        tpu.yield
      }) : () -> ()
      %mul3A_20 = arith.constant 40 : i32
      %mul3A_21 = arith.muli %add3A, %mul3A_20 : i32
      "tpu.region"() ({
        %run_scoped3A = tpu.sem_alloc : memref<!tpu.dma_semaphore, #tpu.memory_space<semaphore_mem>>
        %dma_start3A_36 = arith.constant 0 : i32
        %dma_start3A_37 = tpu.memref_slice %arg4[%arg1, %mul3A_21, %dma_start3A_36] : memref<16x160x128xi32, #tpu.memory_space<hbm>> -> memref<1x40x128xi32, #tpu.memory_space<hbm>>
        %dma_start3A_38 = tpu.memref_squeeze %dma_start3A_37 : memref<1x40x128xi32, #tpu.memory_space<hbm>> -> memref<40x128xi32, #tpu.memory_space<hbm>>
        %dma_start3A_39 = arith.constant 0 : i32
        %dma_start3A_40 = tpu.memref_slice %arg4[%arg1, %mul3A_21, %dma_start3A_39] : memref<16x160x128xi32, #tpu.memory_space<hbm>> -> memref<1x40x128xi32, #tpu.memory_space<hbm>>
        %dma_start3A_41 = tpu.memref_squeeze %dma_start3A_40 : memref<1x40x128xi32, #tpu.memory_space<hbm>> -> memref<40x128xi32, #tpu.memory_space<hbm>>
        tpu.enqueue_dma source(%dma_start3A_41 : memref<40x128xi32, #tpu.memory_space<hbm>>) target(%arg9 : memref<40x128xi32, #tpu.memory_space<vmem>>) target_semaphore(%run_scoped3A : memref<!tpu.dma_semaphore, #tpu.memory_space<semaphore_mem>>)
        %dma_wait3A = arith.constant 0 : i32
        %dma_wait3A_42 = tpu.memref_slice %arg4[%arg1, %mul3A_21, %dma_wait3A] : memref<16x160x128xi32, #tpu.memory_space<hbm>> -> memref<1x40x128xi32, #tpu.memory_space<hbm>>
        %dma_wait3A_43 = tpu.memref_squeeze %dma_wait3A_42 : memref<1x40x128xi32, #tpu.memory_space<hbm>> -> memref<40x128xi32, #tpu.memory_space<hbm>>
        %dma_wait3A_44 = arith.constant 0 : i32
        %dma_wait3A_45 = tpu.memref_slice %arg4[%arg1, %mul3A_21, %dma_wait3A_44] : memref<16x160x128xi32, #tpu.memory_space<hbm>> -> memref<1x40x128xi32, #tpu.memory_space<hbm>>
        %dma_wait3A_46 = tpu.memref_squeeze %dma_wait3A_45 : memref<1x40x128xi32, #tpu.memory_space<hbm>> -> memref<40x128xi32, #tpu.memory_space<hbm>>
        tpu.wait_dma2 semaphore(%run_scoped3A : memref<!tpu.dma_semaphore, #tpu.memory_space<semaphore_mem>>) src(%dma_wait3A_46 : memref<40x128xi32, #tpu.memory_space<hbm>>) dst(%arg9 : memref<40x128xi32, #tpu.memory_space<vmem>>)
        tpu.yield
      }) : () -> ()
      %dma_start3A = arith.constant 0 : i32
      %dma_start3A_22 = arith.constant 0 : i32
      %dma_start3A_23 = arith.constant 0 : i32
      %dma_start3A_24 = tpu.memref_slice %arg10[%dma_start3A, %dma_start3A_22, %dma_start3A_23] : memref<2x128x128xf32, #tpu.memory_space<vmem>> -> memref<1x128x128xf32, #tpu.memory_space<vmem>>
      %dma_start3A_25 = tpu.memref_squeeze %dma_start3A_24 : memref<1x128x128xf32, #tpu.memory_space<vmem>> -> memref<128x128xf32, #tpu.memory_space<vmem>>
      %dma_start3A_26 = arith.constant 0 : i32
      %dma_start3A_27 = tpu.memref_slice %arg8[%dma_start3A_26] : memref<5120xi32, #tpu.memory_space<vmem>> -> memref<128xi32, #tpu.memory_space<vmem>>
      %dma_start3A_28 = arith.constant 0 : i32
      %dma_start3A_29 = arith.constant 0 : i32
      %dma_start3A_30 = tpu.memref_slice %arg2[%dma_start3A_28, %dma_start3A_29] : memref<10016x128xf32, #tpu.memory_space<hbm>> -> memref<10016x128xf32, #tpu.memory_space<hbm>>
      tpu.enqueue_indirect_dma source(%dma_start3A_30 : memref<10016x128xf32, #tpu.memory_space<hbm>>) target(%dma_start3A_25 : memref<128x128xf32, #tpu.memory_space<vmem>>) offsets(%dma_start3A_27 : memref<128xi32, #tpu.memory_space<vmem>>) semaphore(%arg11 : memref<!tpu.dma_semaphore, #tpu.memory_space<semaphore_mem>>)
      %scan3A = arith.constant 0 : i32
      %scan3A_31 = arith.constant 0 : i32
      %scan3A_32 = arith.constant 20 : i32
      %scan3A_33 = arith.addi %scan3A_31, %scan3A_32 : i32
      %scan3A_34 = arith.constant 1 : i32
      scf.for %scan3A_36 = %scan3A_31 to %scan3A_33 step %scan3A_34  : i32 {
        %mul3A_37 = arith.constant 2 : i32
        %mul3A_38 = arith.muli %scan3A_36, %mul3A_37 : i32
        %add3A_39 = arith.constant 0 : i32
        %add3A_40 = arith.addi %mul3A_38, %add3A_39 : i32
        %add3A_41 = arith.constant 1 : i32
        %add3A_42 = arith.addi %add3A_40, %add3A_41 : i32
        %lt3A = arith.constant 40 : i32
        %lt3A_43 = arith.cmpi slt, %add3A_42, %lt3A : i32
        %convert_element_type3A = arith.extui %lt3A_43 : i1 to i32
        %cond3A = arith.constant 0 : i32
        %cond3A_44 = arith.cmpi ne, %convert_element_type3A, %cond3A : i32
        scf.if %cond3A_44 {
          %mul3A_82 = arith.constant 128 : i32
          %mul3A_83 = arith.muli %add3A_42, %mul3A_82 : i32
          %add3A_84 = arith.constant 0 : i32
          %add3A_85 = arith.addi %mul3A_83, %add3A_84 : i32
          %dma_start3A_86 = arith.constant 1 : i32
          %dma_start3A_87 = arith.constant 0 : i32
          %dma_start3A_88 = arith.constant 0 : i32
          %dma_start3A_89 = tpu.memref_slice %arg10[%dma_start3A_86, %dma_start3A_87, %dma_start3A_88] : memref<2x128x128xf32, #tpu.memory_space<vmem>> -> memref<1x128x128xf32, #tpu.memory_space<vmem>>
          %dma_start3A_90 = tpu.memref_squeeze %dma_start3A_89 : memref<1x128x128xf32, #tpu.memory_space<vmem>> -> memref<128x128xf32, #tpu.memory_space<vmem>>
          %dma_start3A_91 = tpu.memref_slice %arg8[%add3A_85] : memref<5120xi32, #tpu.memory_space<vmem>> -> memref<128xi32, #tpu.memory_space<vmem>>
          %dma_start3A_92 = arith.constant 0 : i32
          %dma_start3A_93 = arith.constant 0 : i32
          %dma_start3A_94 = tpu.memref_slice %arg2[%dma_start3A_92, %dma_start3A_93] : memref<10016x128xf32, #tpu.memory_space<hbm>> -> memref<10016x128xf32, #tpu.memory_space<hbm>>
          tpu.enqueue_indirect_dma source(%dma_start3A_94 : memref<10016x128xf32, #tpu.memory_space<hbm>>) target(%dma_start3A_90 : memref<128x128xf32, #tpu.memory_space<vmem>>) offsets(%dma_start3A_91 : memref<128xi32, #tpu.memory_space<vmem>>) semaphore(%arg12 : memref<!tpu.dma_semaphore, #tpu.memory_space<semaphore_mem>>)
        } else {
        }
        %mul3A_45 = arith.constant 128 : i32
        %mul3A_46 = arith.muli %add3A_40, %mul3A_45 : i32
        %add3A_47 = arith.constant 0 : i32
        %add3A_48 = arith.addi %mul3A_46, %add3A_47 : i32
        %dma_wait3A = arith.constant 0 : i32
        %dma_wait3A_49 = arith.constant 0 : i32
        %dma_wait3A_50 = arith.constant 0 : i32
        %dma_wait3A_51 = tpu.memref_slice %arg10[%dma_wait3A, %dma_wait3A_49, %dma_wait3A_50] : memref<2x128x128xf32, #tpu.memory_space<vmem>> -> memref<1x128x128xf32, #tpu.memory_space<vmem>>
        %dma_wait3A_52 = tpu.memref_squeeze %dma_wait3A_51 : memref<1x128x128xf32, #tpu.memory_space<vmem>> -> memref<128x128xf32, #tpu.memory_space<vmem>>
        %dma_wait3A_53 = tpu.memref_slice %arg8[%add3A_48] : memref<5120xi32, #tpu.memory_space<vmem>> -> memref<128xi32, #tpu.memory_space<vmem>>
        %dma_wait3A_54 = arith.constant 0 : i32
        %dma_wait3A_55 = arith.constant 0 : i32
        %dma_wait3A_56 = tpu.memref_slice %arg2[%dma_wait3A_54, %dma_wait3A_55] : memref<10016x128xf32, #tpu.memory_space<hbm>> -> memref<10016x128xf32, #tpu.memory_space<hbm>>
        tpu.wait_indirect_dma semaphore(%arg11 : memref<!tpu.dma_semaphore, #tpu.memory_space<semaphore_mem>>) src(%dma_wait3A_56 : memref<10016x128xf32, #tpu.memory_space<hbm>>) dst(%dma_wait3A_52 : memref<128x128xf32, #tpu.memory_space<vmem>>)
        %run_scoped3A = arith.constant 0 : i32
        "tpu.region"() ({
          %run_scoped3A_82 = tpu.sem_alloc : memref<!tpu.dma_semaphore, #tpu.memory_space<semaphore_mem>>
          %dma_start3A_83 = arith.constant 0 : i32
          %dma_start3A_84 = arith.constant 0 : i32
          %dma_start3A_85 = tpu.memref_slice %arg10[%run_scoped3A, %dma_start3A_83, %dma_start3A_84] : memref<2x128x128xf32, #tpu.memory_space<vmem>> -> memref<1x128x128xf32, #tpu.memory_space<vmem>>
          %dma_start3A_86 = tpu.memref_squeeze %dma_start3A_85 : memref<1x128x128xf32, #tpu.memory_space<vmem>> -> memref<128x128xf32, #tpu.memory_space<vmem>>
          %dma_start3A_87 = arith.constant 0 : i32
          %dma_start3A_88 = tpu.memref_slice %arg9[%add3A_40, %dma_start3A_87] : memref<40x128xi32, #tpu.memory_space<vmem>> -> memref<1x128xi32, #tpu.memory_space<vmem>>
          %dma_start3A_89 = tpu.memref_squeeze %dma_start3A_88 : memref<1x128xi32, #tpu.memory_space<vmem>> -> memref<128xi32, #tpu.memory_space<vmem>>
          %dma_start3A_90 = arith.constant 0 : i32
          %dma_start3A_91 = arith.constant 0 : i32
          %dma_start3A_92 = tpu.memref_slice %arg7[%dma_start3A_90, %dma_start3A_91] : memref<10240x128xf32, #tpu.memory_space<vmem_shared>> -> memref<10240x128xf32, #tpu.memory_space<vmem_shared>>
          tpu.enqueue_indirect_dma source(%dma_start3A_86 : memref<128x128xf32, #tpu.memory_space<vmem>>) target(%dma_start3A_92 : memref<10240x128xf32, #tpu.memory_space<vmem_shared>>) offsets(%dma_start3A_89 : memref<128xi32, #tpu.memory_space<vmem>>) semaphore(%run_scoped3A_82 : memref<!tpu.dma_semaphore, #tpu.memory_space<semaphore_mem>>) {add = true}
          %dma_wait3A_93 = arith.constant 0 : i32
          %dma_wait3A_94 = arith.constant 0 : i32
          %dma_wait3A_95 = tpu.memref_slice %arg10[%run_scoped3A, %dma_wait3A_93, %dma_wait3A_94] : memref<2x128x128xf32, #tpu.memory_space<vmem>> -> memref<1x128x128xf32, #tpu.memory_space<vmem>>
          %dma_wait3A_96 = tpu.memref_squeeze %dma_wait3A_95 : memref<1x128x128xf32, #tpu.memory_space<vmem>> -> memref<128x128xf32, #tpu.memory_space<vmem>>
          %dma_wait3A_97 = arith.constant 0 : i32
          %dma_wait3A_98 = tpu.memref_slice %arg9[%add3A_40, %dma_wait3A_97] : memref<40x128xi32, #tpu.memory_space<vmem>> -> memref<1x128xi32, #tpu.memory_space<vmem>>
          %dma_wait3A_99 = tpu.memref_squeeze %dma_wait3A_98 : memref<1x128xi32, #tpu.memory_space<vmem>> -> memref<128xi32, #tpu.memory_space<vmem>>
          %dma_wait3A_100 = arith.constant 0 : i32
          %dma_wait3A_101 = arith.constant 0 : i32
          %dma_wait3A_102 = tpu.memref_slice %arg7[%dma_wait3A_100, %dma_wait3A_101] : memref<10240x128xf32, #tpu.memory_space<vmem_shared>> -> memref<10240x128xf32, #tpu.memory_space<vmem_shared>>
          tpu.wait_indirect_dma semaphore(%run_scoped3A_82 : memref<!tpu.dma_semaphore, #tpu.memory_space<semaphore_mem>>) src(%dma_wait3A_96 : memref<128x128xf32, #tpu.memory_space<vmem>>) dst(%dma_wait3A_102 : memref<10240x128xf32, #tpu.memory_space<vmem_shared>>)
          tpu.yield
        }) : () -> ()
        %mul3A_57 = arith.constant 2 : i32
        %mul3A_58 = arith.muli %scan3A_36, %mul3A_57 : i32
        %add3A_59 = arith.constant 1 : i32
        %add3A_60 = arith.addi %mul3A_58, %add3A_59 : i32
        %add3A_61 = arith.constant 1 : i32
        %add3A_62 = arith.addi %add3A_60, %add3A_61 : i32
        %lt3A_63 = arith.constant 40 : i32
        %lt3A_64 = arith.cmpi slt, %add3A_62, %lt3A_63 : i32
        %convert_element_type3A_65 = arith.extui %lt3A_64 : i1 to i32
        %cond3A_66 = arith.constant 0 : i32
        %cond3A_67 = arith.cmpi ne, %convert_element_type3A_65, %cond3A_66 : i32
        scf.if %cond3A_67 {
          %mul3A_82 = arith.constant 128 : i32
          %mul3A_83 = arith.muli %add3A_62, %mul3A_82 : i32
          %add3A_84 = arith.constant 0 : i32
          %add3A_85 = arith.addi %mul3A_83, %add3A_84 : i32
          %dma_start3A_86 = arith.constant 0 : i32
          %dma_start3A_87 = arith.constant 0 : i32
          %dma_start3A_88 = arith.constant 0 : i32
          %dma_start3A_89 = tpu.memref_slice %arg10[%dma_start3A_86, %dma_start3A_87, %dma_start3A_88] : memref<2x128x128xf32, #tpu.memory_space<vmem>> -> memref<1x128x128xf32, #tpu.memory_space<vmem>>
          %dma_start3A_90 = tpu.memref_squeeze %dma_start3A_89 : memref<1x128x128xf32, #tpu.memory_space<vmem>> -> memref<128x128xf32, #tpu.memory_space<vmem>>
          %dma_start3A_91 = tpu.memref_slice %arg8[%add3A_85] : memref<5120xi32, #tpu.memory_space<vmem>> -> memref<128xi32, #tpu.memory_space<vmem>>
          %dma_start3A_92 = arith.constant 0 : i32
          %dma_start3A_93 = arith.constant 0 : i32
          %dma_start3A_94 = tpu.memref_slice %arg2[%dma_start3A_92, %dma_start3A_93] : memref<10016x128xf32, #tpu.memory_space<hbm>> -> memref<10016x128xf32, #tpu.memory_space<hbm>>
          tpu.enqueue_indirect_dma source(%dma_start3A_94 : memref<10016x128xf32, #tpu.memory_space<hbm>>) target(%dma_start3A_90 : memref<128x128xf32, #tpu.memory_space<vmem>>) offsets(%dma_start3A_91 : memref<128xi32, #tpu.memory_space<vmem>>) semaphore(%arg11 : memref<!tpu.dma_semaphore, #tpu.memory_space<semaphore_mem>>)
        } else {
        }
        %mul3A_68 = arith.constant 128 : i32
        %mul3A_69 = arith.muli %add3A_60, %mul3A_68 : i32
        %add3A_70 = arith.constant 0 : i32
        %add3A_71 = arith.addi %mul3A_69, %add3A_70 : i32
        %dma_wait3A_72 = arith.constant 1 : i32
        %dma_wait3A_73 = arith.constant 0 : i32
        %dma_wait3A_74 = arith.constant 0 : i32
        %dma_wait3A_75 = tpu.memref_slice %arg10[%dma_wait3A_72, %dma_wait3A_73, %dma_wait3A_74] : memref<2x128x128xf32, #tpu.memory_space<vmem>> -> memref<1x128x128xf32, #tpu.memory_space<vmem>>
        %dma_wait3A_76 = tpu.memref_squeeze %dma_wait3A_75 : memref<1x128x128xf32, #tpu.memory_space<vmem>> -> memref<128x128xf32, #tpu.memory_space<vmem>>
        %dma_wait3A_77 = tpu.memref_slice %arg8[%add3A_71] : memref<5120xi32, #tpu.memory_space<vmem>> -> memref<128xi32, #tpu.memory_space<vmem>>
        %dma_wait3A_78 = arith.constant 0 : i32
        %dma_wait3A_79 = arith.constant 0 : i32
        %dma_wait3A_80 = tpu.memref_slice %arg2[%dma_wait3A_78, %dma_wait3A_79] : memref<10016x128xf32, #tpu.memory_space<hbm>> -> memref<10016x128xf32, #tpu.memory_space<hbm>>
        tpu.wait_indirect_dma semaphore(%arg12 : memref<!tpu.dma_semaphore, #tpu.memory_space<semaphore_mem>>) src(%dma_wait3A_80 : memref<10016x128xf32, #tpu.memory_space<hbm>>) dst(%dma_wait3A_76 : memref<128x128xf32, #tpu.memory_space<vmem>>)
        %run_scoped3A_81 = arith.constant 1 : i32
        "tpu.region"() ({
          %run_scoped3A_82 = tpu.sem_alloc : memref<!tpu.dma_semaphore, #tpu.memory_space<semaphore_mem>>
          %dma_start3A_83 = arith.constant 0 : i32
          %dma_start3A_84 = arith.constant 0 : i32
          %dma_start3A_85 = tpu.memref_slice %arg10[%run_scoped3A_81, %dma_start3A_83, %dma_start3A_84] : memref<2x128x128xf32, #tpu.memory_space<vmem>> -> memref<1x128x128xf32, #tpu.memory_space<vmem>>
          %dma_start3A_86 = tpu.memref_squeeze %dma_start3A_85 : memref<1x128x128xf32, #tpu.memory_space<vmem>> -> memref<128x128xf32, #tpu.memory_space<vmem>>
          %dma_start3A_87 = arith.constant 0 : i32
          %dma_start3A_88 = tpu.memref_slice %arg9[%add3A_60, %dma_start3A_87] : memref<40x128xi32, #tpu.memory_space<vmem>> -> memref<1x128xi32, #tpu.memory_space<vmem>>
          %dma_start3A_89 = tpu.memref_squeeze %dma_start3A_88 : memref<1x128xi32, #tpu.memory_space<vmem>> -> memref<128xi32, #tpu.memory_space<vmem>>
          %dma_start3A_90 = arith.constant 0 : i32
          %dma_start3A_91 = arith.constant 0 : i32
          %dma_start3A_92 = tpu.memref_slice %arg7[%dma_start3A_90, %dma_start3A_91] : memref<10240x128xf32, #tpu.memory_space<vmem_shared>> -> memref<10240x128xf32, #tpu.memory_space<vmem_shared>>
          tpu.enqueue_indirect_dma source(%dma_start3A_86 : memref<128x128xf32, #tpu.memory_space<vmem>>) target(%dma_start3A_92 : memref<10240x128xf32, #tpu.memory_space<vmem_shared>>) offsets(%dma_start3A_89 : memref<128xi32, #tpu.memory_space<vmem>>) semaphore(%run_scoped3A_82 : memref<!tpu.dma_semaphore, #tpu.memory_space<semaphore_mem>>) {add = true}
          %dma_wait3A_93 = arith.constant 0 : i32
          %dma_wait3A_94 = arith.constant 0 : i32
          %dma_wait3A_95 = tpu.memref_slice %arg10[%run_scoped3A_81, %dma_wait3A_93, %dma_wait3A_94] : memref<2x128x128xf32, #tpu.memory_space<vmem>> -> memref<1x128x128xf32, #tpu.memory_space<vmem>>
          %dma_wait3A_96 = tpu.memref_squeeze %dma_wait3A_95 : memref<1x128x128xf32, #tpu.memory_space<vmem>> -> memref<128x128xf32, #tpu.memory_space<vmem>>
          %dma_wait3A_97 = arith.constant 0 : i32
          %dma_wait3A_98 = tpu.memref_slice %arg9[%add3A_60, %dma_wait3A_97] : memref<40x128xi32, #tpu.memory_space<vmem>> -> memref<1x128xi32, #tpu.memory_space<vmem>>
          %dma_wait3A_99 = tpu.memref_squeeze %dma_wait3A_98 : memref<1x128xi32, #tpu.memory_space<vmem>> -> memref<128xi32, #tpu.memory_space<vmem>>
          %dma_wait3A_100 = arith.constant 0 : i32
          %dma_wait3A_101 = arith.constant 0 : i32
          %dma_wait3A_102 = tpu.memref_slice %arg7[%dma_wait3A_100, %dma_wait3A_101] : memref<10240x128xf32, #tpu.memory_space<vmem_shared>> -> memref<10240x128xf32, #tpu.memory_space<vmem_shared>>
          tpu.wait_indirect_dma semaphore(%run_scoped3A_82 : memref<!tpu.dma_semaphore, #tpu.memory_space<semaphore_mem>>) src(%dma_wait3A_96 : memref<128x128xf32, #tpu.memory_space<vmem>>) dst(%dma_wait3A_102 : memref<10240x128xf32, #tpu.memory_space<vmem_shared>>)
          tpu.yield
        }) : () -> ()
      }
      %scan3A_35 = arith.constant 20 : i32
    }
    %barrier3A_18 = arith.constant 0 : index
    tpu.barrier barrier_id(%barrier3A_18)
    "tpu.region"() ({
      %run_scoped3A = tpu.sem_alloc : memref<!tpu.dma_semaphore, #tpu.memory_space<semaphore_mem>>
      %dma_start3A = arith.constant 0 : i32
      %dma_start3A_19 = tpu.memref_slice %arg6[%arg0, %mul3A_0, %dma_start3A] : memref<2x10240x128xf32, #tpu.memory_space<hbm>> -> memref<1x640x128xf32, #tpu.memory_space<hbm>>
      %dma_start3A_20 = tpu.memref_squeeze %dma_start3A_19 : memref<1x640x128xf32, #tpu.memory_space<hbm>> -> memref<640x128xf32, #tpu.memory_space<hbm>>
      %dma_start3A_21 = arith.constant 0 : i32
      %dma_start3A_22 = tpu.memref_slice %arg7[%mul3A_0, %dma_start3A_21] : memref<10240x128xf32, #tpu.memory_space<vmem_shared>> -> memref<640x128xf32, #tpu.memory_space<vmem_shared>>
      tpu.enqueue_dma source(%dma_start3A_22 : memref<640x128xf32, #tpu.memory_space<vmem_shared>>) target(%dma_start3A_20 : memref<640x128xf32, #tpu.memory_space<hbm>>) target_semaphore(%run_scoped3A : memref<!tpu.dma_semaphore, #tpu.memory_space<semaphore_mem>>)
      %dma_wait3A = arith.constant 0 : i32
      %dma_wait3A_23 = tpu.memref_slice %arg6[%arg0, %mul3A_0, %dma_wait3A] : memref<2x10240x128xf32, #tpu.memory_space<hbm>> -> memref<1x640x128xf32, #tpu.memory_space<hbm>>
      %dma_wait3A_24 = tpu.memref_squeeze %dma_wait3A_23 : memref<1x640x128xf32, #tpu.memory_space<hbm>> -> memref<640x128xf32, #tpu.memory_space<hbm>>
      %dma_wait3A_25 = arith.constant 0 : i32
      %dma_wait3A_26 = tpu.memref_slice %arg7[%mul3A_0, %dma_wait3A_25] : memref<10240x128xf32, #tpu.memory_space<vmem_shared>> -> memref<640x128xf32, #tpu.memory_space<vmem_shared>>
      tpu.wait_dma2 semaphore(%run_scoped3A : memref<!tpu.dma_semaphore, #tpu.memory_space<semaphore_mem>>) src(%dma_wait3A_26 : memref<640x128xf32, #tpu.memory_space<vmem_shared>>) dst(%dma_wait3A_24 : memref<640x128xf32, #tpu.memory_space<hbm>>)
      tpu.yield
    }) : () -> ()
    return
  }
}

#map = affine_map<(d0, d1) -> (0, 0, 0)>
module attributes {stable_mosaic.version = 14 : i64} {
  func.func @_deg_body(%arg0: i32, %arg1: i32, %arg2: memref<16x160x128xi32, #tpu.memory_space<hbm>>, %arg3: memref<2x16x10240xf32, #tpu.memory_space<hbm>>, %arg4: memref<10240xf32, #tpu.memory_space<vmem>>, %arg5: memref<40x128xi32, #tpu.memory_space<vmem>>) attributes {dimension_semantics = [#tpu.dimension_semantics<core_parallel>, #tpu.dimension_semantics<subcore_parallel>], iteration_bounds = array<i64: 2, 16>, scalar_prefetch = 0 : i64, scratch_operands = 2 : i64, tpu.core_type = #tpu.core_type<sc_vector_subcore>, window_params = [{transform_indices = #map}, {transform_indices = #map}]} {
    %broadcast_in_dim3A = arith.constant 0.000000e+00 : f32
    %broadcast_in_dim3A_0 = vector.broadcast %broadcast_in_dim3A : f32 to vector<16xf32>
    %scan3A = arith.constant 0 : i32
    %scan3A_1 = arith.constant 0 : i32
    %scan3A_2 = arith.constant 640 : i32
    %scan3A_3 = arith.addi %scan3A_1, %scan3A_2 : i32
    %scan3A_4 = arith.constant 1 : i32
    scf.for %scan3A_12 = %scan3A_1 to %scan3A_3 step %scan3A_4  : i32 {
      %mul3A = arith.constant 16 : i32
      %mul3A_13 = arith.muli %scan3A_12, %mul3A : i32
      %swap3A = arith.index_cast %mul3A_13 : i32 to index
      %swap3A_14 = tpu.vector_load %arg4[%swap3A] {strides = array<i32>} : memref<10240xf32, #tpu.memory_space<vmem>>, vector<16xf32>,
      tpu.vector_store %arg4[%swap3A], %broadcast_in_dim3A_0 {strides = array<i32>} : memref<10240xf32, #tpu.memory_space<vmem>>, vector<16xf32>,
    }
    %scan3A_5 = arith.constant 640 : i32
    %scan3A_6 = arith.constant 0 : i32
    %scan3A_7 = arith.constant 0 : i32
    %scan3A_8 = arith.constant 2 : i32
    %scan3A_9 = arith.addi %scan3A_7, %scan3A_8 : i32
    %scan3A_10 = arith.constant 1 : i32
    scf.for %scan3A_12 = %scan3A_7 to %scan3A_9 step %scan3A_10  : i32 {
      %mul3A = arith.constant 2 : i32
      %mul3A_13 = arith.muli %arg0, %mul3A : i32
      %add3A = arith.addi %mul3A_13, %scan3A_12 : i32
      %mul3A_14 = arith.constant 40 : i32
      %mul3A_15 = arith.muli %add3A, %mul3A_14 : i32
      "tpu.region"() ({
        %run_scoped3A = tpu.sem_alloc : memref<!tpu.dma_semaphore, #tpu.memory_space<semaphore_mem>>
        %dma_start3A = arith.constant 0 : i32
        %dma_start3A_22 = tpu.memref_slice %arg2[%arg1, %mul3A_15, %dma_start3A] : memref<16x160x128xi32, #tpu.memory_space<hbm>> -> memref<1x40x128xi32, #tpu.memory_space<hbm>>
        %dma_start3A_23 = tpu.memref_squeeze %dma_start3A_22 : memref<1x40x128xi32, #tpu.memory_space<hbm>> -> memref<40x128xi32, #tpu.memory_space<hbm>>
        %dma_start3A_24 = arith.constant 0 : i32
        %dma_start3A_25 = tpu.memref_slice %arg2[%arg1, %mul3A_15, %dma_start3A_24] : memref<16x160x128xi32, #tpu.memory_space<hbm>> -> memref<1x40x128xi32, #tpu.memory_space<hbm>>
        %dma_start3A_26 = tpu.memref_squeeze %dma_start3A_25 : memref<1x40x128xi32, #tpu.memory_space<hbm>> -> memref<40x128xi32, #tpu.memory_space<hbm>>
        tpu.enqueue_dma source(%dma_start3A_26 : memref<40x128xi32, #tpu.memory_space<hbm>>) target(%arg5 : memref<40x128xi32, #tpu.memory_space<vmem>>) target_semaphore(%run_scoped3A : memref<!tpu.dma_semaphore, #tpu.memory_space<semaphore_mem>>)
        %dma_wait3A = arith.constant 0 : i32
        %dma_wait3A_27 = tpu.memref_slice %arg2[%arg1, %mul3A_15, %dma_wait3A] : memref<16x160x128xi32, #tpu.memory_space<hbm>> -> memref<1x40x128xi32, #tpu.memory_space<hbm>>
        %dma_wait3A_28 = tpu.memref_squeeze %dma_wait3A_27 : memref<1x40x128xi32, #tpu.memory_space<hbm>> -> memref<40x128xi32, #tpu.memory_space<hbm>>
        %dma_wait3A_29 = arith.constant 0 : i32
        %dma_wait3A_30 = tpu.memref_slice %arg2[%arg1, %mul3A_15, %dma_wait3A_29] : memref<16x160x128xi32, #tpu.memory_space<hbm>> -> memref<1x40x128xi32, #tpu.memory_space<hbm>>
        %dma_wait3A_31 = tpu.memref_squeeze %dma_wait3A_30 : memref<1x40x128xi32, #tpu.memory_space<hbm>> -> memref<40x128xi32, #tpu.memory_space<hbm>>
        tpu.wait_dma2 semaphore(%run_scoped3A : memref<!tpu.dma_semaphore, #tpu.memory_space<semaphore_mem>>) src(%dma_wait3A_31 : memref<40x128xi32, #tpu.memory_space<hbm>>) dst(%arg5 : memref<40x128xi32, #tpu.memory_space<vmem>>)
        tpu.yield
      }) : () -> ()
      %scan3A_16 = arith.constant 0 : i32
      %scan3A_17 = arith.constant 0 : i32
      %scan3A_18 = arith.constant 320 : i32
      %scan3A_19 = arith.addi %scan3A_17, %scan3A_18 : i32
      %scan3A_20 = arith.constant 1 : i32
      scf.for %scan3A_22 = %scan3A_17 to %scan3A_19 step %scan3A_20  : i32 {
        %jit3A = arith.constant 8 : i32
        %div3A = arith.divsi %scan3A_22, %jit3A : i32
        %sign3A = arith.constant 0 : i32
        %sign3A_23 = arith.cmpi sgt, %scan3A_22, %sign3A : i32
        %sign3A_24 = arith.extui %sign3A_23 : i1 to i32
        %sign3A_25 = arith.constant 0 : i32
        %sign3A_26 = arith.cmpi slt, %scan3A_22, %sign3A_25 : i32
        %sign3A_27 = arith.extui %sign3A_26 : i1 to i32
        %sign3A_28 = arith.subi %sign3A_24, %sign3A_27 : i32
        %sign3A_29 = arith.constant 0 : i32
        %sign3A_30 = arith.cmpi sgt, %jit3A, %sign3A_29 : i32
        %sign3A_31 = arith.extui %sign3A_30 : i1 to i32
        %sign3A_32 = arith.constant 0 : i32
        %sign3A_33 = arith.cmpi slt, %jit3A, %sign3A_32 : i32
        %sign3A_34 = arith.extui %sign3A_33 : i1 to i32
        %sign3A_35 = arith.subi %sign3A_31, %sign3A_34 : i32
        %ne3A = arith.cmpi ne, %sign3A_28, %sign3A_35 : i32
        %rem3A = arith.remsi %scan3A_22, %jit3A : i32
        %ne3A_36 = arith.constant 0 : i32
        %ne3A_37 = arith.cmpi ne, %rem3A, %ne3A_36 : i32
        %and3A = arith.andi %ne3A, %ne3A_37 : i1
        %sub3A = arith.constant 1 : i32
        %sub3A_38 = arith.subi %div3A, %sub3A : i32
        %select_n3A = arith.select %and3A, %sub3A_38, %div3A : i32
        %jit3A_39 = arith.constant 8 : i32
        %eq3A = arith.constant 0 : i32
        %eq3A_40 = arith.cmpi eq, %jit3A_39, %eq3A : i32
        %jit3A_41 = arith.constant 1 : i32
        %select_n3A_42 = arith.select %eq3A_40, %jit3A_41, %jit3A_39 : i32
        %rem3A_43 = arith.remsi %scan3A_22, %select_n3A_42 : i32
        %ne3A_44 = arith.constant 0 : i32
        %ne3A_45 = arith.cmpi ne, %rem3A_43, %ne3A_44 : i32
        %lt3A = arith.constant 0 : i32
        %lt3A_46 = arith.cmpi slt, %rem3A_43, %lt3A : i32
        %lt3A_47 = arith.constant 0 : i32
        %lt3A_48 = arith.cmpi slt, %select_n3A_42, %lt3A_47 : i32
        %ne3A_49 = arith.xori %lt3A_46, %lt3A_48 : i1
        %and3A_50 = arith.andi %ne3A_49, %ne3A_45 : i1
        %add3A_51 = arith.addi %rem3A_43, %select_n3A_42 : i32
        %select_n3A_52 = arith.select %and3A_50, %add3A_51, %rem3A_43 : i32
        %mul3A_53 = arith.constant 16 : i32
        %mul3A_54 = arith.muli %select_n3A_52, %mul3A_53 : i32
        %get3A = arith.index_cast %select_n3A : i32 to index
        %get3A_55 = arith.index_cast %mul3A_54 : i32 to index
        %get3A_56 = tpu.vector_load %arg5[%get3A, %get3A_55] {strides = array<i32>} : memref<40x128xi32, #tpu.memory_space<vmem>>, vector<16xi32>,
        %broadcast_in_dim3A_57 = arith.constant true
        %broadcast_in_dim3A_58 = vector.broadcast %broadcast_in_dim3A_57 : i1 to vector<16xi1>
        %unique3A, %unique3A_59 = tpu.scan_count mask(%broadcast_in_dim3A_58 : vector<16xi1>) value(%get3A_56 : vector<16xi32>) : vector<16xi1>, vector<16xi32>
        %convert_element_type3A = arith.sitofp %unique3A_59 : vector<16xi32> to vector<16xf32>
        tpu.vector_store_idx %arg4[%get3A_56], %convert_element_type3A masked %unique3A {add = true} : memref<10240xf32, #tpu.memory_space<vmem>>[vector<16xi32>], vector<16xf32>, vector<16xi1>
      }
      %scan3A_21 = arith.constant 320 : i32
    }
    %scan3A_11 = arith.constant 2 : i32
    "tpu.region"() ({
      %run_scoped3A = tpu.sem_alloc : memref<!tpu.dma_semaphore, #tpu.memory_space<semaphore_mem>>
      %dma_start3A = arith.constant 0 : i32
      %dma_start3A_12 = tpu.memref_slice %arg3[%arg0, %arg1, %dma_start3A] : memref<2x16x10240xf32, #tpu.memory_space<hbm>> -> memref<1x1x10240xf32, #tpu.memory_space<hbm>>
      %dma_start3A_13 = tpu.memref_squeeze %dma_start3A_12 : memref<1x1x10240xf32, #tpu.memory_space<hbm>> -> memref<10240xf32, #tpu.memory_space<hbm>>
      %dma_start3A_14 = arith.constant 0 : i32
      %dma_start3A_15 = tpu.memref_slice %arg3[%arg0, %arg1, %dma_start3A_14] : memref<2x16x10240xf32, #tpu.memory_space<hbm>> -> memref<1x1x10240xf32, #tpu.memory_space<hbm>>
      %dma_start3A_16 = tpu.memref_squeeze %dma_start3A_15 : memref<1x1x10240xf32, #tpu.memory_space<hbm>> -> memref<10240xf32, #tpu.memory_space<hbm>>
      tpu.enqueue_dma source(%arg4 : memref<10240xf32, #tpu.memory_space<vmem>>) target(%dma_start3A_16 : memref<10240xf32, #tpu.memory_space<hbm>>) target_semaphore(%run_scoped3A : memref<!tpu.dma_semaphore, #tpu.memory_space<semaphore_mem>>)
      %dma_wait3A = arith.constant 0 : i32
      %dma_wait3A_17 = tpu.memref_slice %arg3[%arg0, %arg1, %dma_wait3A] : memref<2x16x10240xf32, #tpu.memory_space<hbm>> -> memref<1x1x10240xf32, #tpu.memory_space<hbm>>
      %dma_wait3A_18 = tpu.memref_squeeze %dma_wait3A_17 : memref<1x1x10240xf32, #tpu.memory_space<hbm>> -> memref<10240xf32, #tpu.memory_space<hbm>>
      %dma_wait3A_19 = arith.constant 0 : i32
      %dma_wait3A_20 = tpu.memref_slice %arg3[%arg0, %arg1, %dma_wait3A_19] : memref<2x16x10240xf32, #tpu.memory_space<hbm>> -> memref<1x1x10240xf32, #tpu.memory_space<hbm>>
      %dma_wait3A_21 = tpu.memref_squeeze %dma_wait3A_20 : memref<1x1x10240xf32, #tpu.memory_space<hbm>> -> memref<10240xf32, #tpu.memory_space<hbm>>
      tpu.wait_dma2 semaphore(%run_scoped3A : memref<!tpu.dma_semaphore, #tpu.memory_space<semaphore_mem>>) src(%arg4 : memref<10240xf32, #tpu.memory_space<vmem>>) dst(%dma_wait3A_21 : memref<10240xf32, #tpu.memory_space<hbm>>)
      tpu.yield
    }) : () -> ()
    return
  }
}

#map = affine_map<(d0, d1) -> (0, 0)>
#map1 = affine_map<(d0, d1) -> (0, 0, 0)>
module attributes {stable_mosaic.version = 14 : i64} {
  func.func @_agg_body(%arg0: i32, %arg1: i32, %arg2: memref<10016x128xf32, #tpu.memory_space<hbm>>, %arg3: memref<16x4x5120xi32, #tpu.memory_space<hbm>>, %arg4: memref<16x160x128xi32, #tpu.memory_space<hbm>>, %arg5: memref<640x128xf32, #tpu.memory_space<hbm>>, %arg6: memref<2x10240x128xf32, #tpu.memory_space<hbm>>, %arg7: memref<10240x128xf32, #tpu.memory_space<vmem_shared>>, %arg8: memref<5120xi32, #tpu.memory_space<vmem>>, %arg9: memref<40x128xi32, #tpu.memory_space<vmem>>, %arg10: memref<2x128x128xf32, #tpu.memory_space<vmem>>, %arg11: memref<!tpu.dma_semaphore, #tpu.memory_space<semaphore_mem>>, %arg12: memref<!tpu.dma_semaphore, #tpu.memory_space<semaphore_mem>>) attributes {dimension_semantics = [#tpu.dimension_semantics<core_parallel>, #tpu.dimension_semantics<subcore_parallel>], iteration_bounds = array<i64: 2, 16>, scalar_prefetch = 0 : i64, scratch_operands = 6 : i64, tpu.core_type = #tpu.core_type<sc_vector_subcore>, window_params = [{transform_indices = #map}, {transform_indices = #map1}, {transform_indices = #map1}, {transform_indices = #map}, {transform_indices = #map1}]} {
    %mul3A = arith.constant 640 : i32
    %mul3A_0 = arith.muli %arg1, %mul3A : i32
    "tpu.region"() ({
      %run_scoped3A = tpu.sem_alloc : memref<!tpu.dma_semaphore, #tpu.memory_space<semaphore_mem>>
      %dma_start3A = arith.constant 0 : i32
      %dma_start3A_19 = tpu.memref_slice %arg7[%mul3A_0, %dma_start3A] : memref<10240x128xf32, #tpu.memory_space<vmem_shared>> -> memref<640x128xf32, #tpu.memory_space<vmem_shared>>
      tpu.enqueue_dma source(%arg5 : memref<640x128xf32, #tpu.memory_space<hbm>>) target(%dma_start3A_19 : memref<640x128xf32, #tpu.memory_space<vmem_shared>>) target_semaphore(%run_scoped3A : memref<!tpu.dma_semaphore, #tpu.memory_space<semaphore_mem>>)
      %dma_wait3A = arith.constant 0 : i32
      %dma_wait3A_20 = tpu.memref_slice %arg7[%mul3A_0, %dma_wait3A] : memref<10240x128xf32, #tpu.memory_space<vmem_shared>> -> memref<640x128xf32, #tpu.memory_space<vmem_shared>>
      tpu.wait_dma2 semaphore(%run_scoped3A : memref<!tpu.dma_semaphore, #tpu.memory_space<semaphore_mem>>) src(%arg5 : memref<640x128xf32, #tpu.memory_space<hbm>>) dst(%dma_wait3A_20 : memref<640x128xf32, #tpu.memory_space<vmem_shared>>)
      tpu.yield
    }) : () -> ()
    %barrier3A = arith.constant 0 : index
    tpu.barrier barrier_id(%barrier3A)
    %eq3A = arith.constant 0 : i32
    %eq3A_1 = arith.cmpi eq, %arg0, %eq3A : i32
    %select_n3A = arith.constant 2 : i32
    %select_n3A_2 = arith.constant 0 : i32
    %select_n3A_3 = arith.select %eq3A_1, %select_n3A_2, %select_n3A : i32
    %eq3A_4 = arith.constant 0 : i32
    %eq3A_5 = arith.cmpi eq, %arg0, %eq3A_4 : i32
    %select_n3A_6 = arith.constant 2 : i32
    %select_n3A_7 = arith.constant 2 : i32
    %select_n3A_8 = arith.select %eq3A_5, %select_n3A_7, %select_n3A_6 : i32
    %while3A = arith.constant 0 : i32
    %while3A_9 = arith.constant 0 : i32
    %while3A_10 = arith.subi %select_n3A_8, %while3A_9 : i32
    %while3A_11 = arith.addi %while3A_9, %while3A_10 : i32
    %while3A_12 = arith.constant 1 : i32
    %while3A_13 = arith.divsi %while3A_10, %while3A_12 : i32
    %while3A_14 = arith.muli %while3A_13, %while3A_12 : i32
    %while3A_15 = arith.addi %while3A_9, %while3A_14 : i32
    %while3A_16 = arith.constant 1 : i32
    scf.for %while3A_19 = %while3A_9 to %while3A_15 step %while3A_16  : i32 {
      %add3A = arith.addi %select_n3A_3, %while3A_19 : i32
      "tpu.region"() ({
        %run_scoped3A = tpu.sem_alloc : memref<!tpu.dma_semaphore, #tpu.memory_space<semaphore_mem>>
        %dma_start3A_36 = arith.constant 0 : i32
        %dma_start3A_37 = tpu.memref_slice %arg3[%arg1, %add3A, %dma_start3A_36] : memref<16x4x5120xi32, #tpu.memory_space<hbm>> -> memref<1x1x5120xi32, #tpu.memory_space<hbm>>
        %dma_start3A_38 = tpu.memref_squeeze %dma_start3A_37 : memref<1x1x5120xi32, #tpu.memory_space<hbm>> -> memref<5120xi32, #tpu.memory_space<hbm>>
        %dma_start3A_39 = arith.constant 0 : i32
        %dma_start3A_40 = tpu.memref_slice %arg3[%arg1, %add3A, %dma_start3A_39] : memref<16x4x5120xi32, #tpu.memory_space<hbm>> -> memref<1x1x5120xi32, #tpu.memory_space<hbm>>
        %dma_start3A_41 = tpu.memref_squeeze %dma_start3A_40 : memref<1x1x5120xi32, #tpu.memory_space<hbm>> -> memref<5120xi32, #tpu.memory_space<hbm>>
        tpu.enqueue_dma source(%dma_start3A_41 : memref<5120xi32, #tpu.memory_space<hbm>>) target(%arg8 : memref<5120xi32, #tpu.memory_space<vmem>>) target_semaphore(%run_scoped3A : memref<!tpu.dma_semaphore, #tpu.memory_space<semaphore_mem>>)
        %dma_wait3A = arith.constant 0 : i32
        %dma_wait3A_42 = tpu.memref_slice %arg3[%arg1, %add3A, %dma_wait3A] : memref<16x4x5120xi32, #tpu.memory_space<hbm>> -> memref<1x1x5120xi32, #tpu.memory_space<hbm>>
        %dma_wait3A_43 = tpu.memref_squeeze %dma_wait3A_42 : memref<1x1x5120xi32, #tpu.memory_space<hbm>> -> memref<5120xi32, #tpu.memory_space<hbm>>
        %dma_wait3A_44 = arith.constant 0 : i32
        %dma_wait3A_45 = tpu.memref_slice %arg3[%arg1, %add3A, %dma_wait3A_44] : memref<16x4x5120xi32, #tpu.memory_space<hbm>> -> memref<1x1x5120xi32, #tpu.memory_space<hbm>>
        %dma_wait3A_46 = tpu.memref_squeeze %dma_wait3A_45 : memref<1x1x5120xi32, #tpu.memory_space<hbm>> -> memref<5120xi32, #tpu.memory_space<hbm>>
        tpu.wait_dma2 semaphore(%run_scoped3A : memref<!tpu.dma_semaphore, #tpu.memory_space<semaphore_mem>>) src(%dma_wait3A_46 : memref<5120xi32, #tpu.memory_space<hbm>>) dst(%arg8 : memref<5120xi32, #tpu.memory_space<vmem>>)
        tpu.yield
      }) : () -> ()
      %mul3A_20 = arith.constant 40 : i32
      %mul3A_21 = arith.muli %add3A, %mul3A_20 : i32
      "tpu.region"() ({
        %run_scoped3A = tpu.sem_alloc : memref<!tpu.dma_semaphore, #tpu.memory_space<semaphore_mem>>
        %dma_start3A_36 = arith.constant 0 : i32
        %dma_start3A_37 = tpu.memref_slice %arg4[%arg1, %mul3A_21, %dma_start3A_36] : memref<16x160x128xi32, #tpu.memory_space<hbm>> -> memref<1x40x128xi32, #tpu.memory_space<hbm>>
        %dma_start3A_38 = tpu.memref_squeeze %dma_start3A_37 : memref<1x40x128xi32, #tpu.memory_space<hbm>> -> memref<40x128xi32, #tpu.memory_space<hbm>>
        %dma_start3A_39 = arith.constant 0 : i32
        %dma_start3A_40 = tpu.memref_slice %arg4[%arg1, %mul3A_21, %dma_start3A_39] : memref<16x160x128xi32, #tpu.memory_space<hbm>> -> memref<1x40x128xi32, #tpu.memory_space<hbm>>
        %dma_start3A_41 = tpu.memref_squeeze %dma_start3A_40 : memref<1x40x128xi32, #tpu.memory_space<hbm>> -> memref<40x128xi32, #tpu.memory_space<hbm>>
        tpu.enqueue_dma source(%dma_start3A_41 : memref<40x128xi32, #tpu.memory_space<hbm>>) target(%arg9 : memref<40x128xi32, #tpu.memory_space<vmem>>) target_semaphore(%run_scoped3A : memref<!tpu.dma_semaphore, #tpu.memory_space<semaphore_mem>>)
        %dma_wait3A = arith.constant 0 : i32
        %dma_wait3A_42 = tpu.memref_slice %arg4[%arg1, %mul3A_21, %dma_wait3A] : memref<16x160x128xi32, #tpu.memory_space<hbm>> -> memref<1x40x128xi32, #tpu.memory_space<hbm>>
        %dma_wait3A_43 = tpu.memref_squeeze %dma_wait3A_42 : memref<1x40x128xi32, #tpu.memory_space<hbm>> -> memref<40x128xi32, #tpu.memory_space<hbm>>
        %dma_wait3A_44 = arith.constant 0 : i32
        %dma_wait3A_45 = tpu.memref_slice %arg4[%arg1, %mul3A_21, %dma_wait3A_44] : memref<16x160x128xi32, #tpu.memory_space<hbm>> -> memref<1x40x128xi32, #tpu.memory_space<hbm>>
        %dma_wait3A_46 = tpu.memref_squeeze %dma_wait3A_45 : memref<1x40x128xi32, #tpu.memory_space<hbm>> -> memref<40x128xi32, #tpu.memory_space<hbm>>
        tpu.wait_dma2 semaphore(%run_scoped3A : memref<!tpu.dma_semaphore, #tpu.memory_space<semaphore_mem>>) src(%dma_wait3A_46 : memref<40x128xi32, #tpu.memory_space<hbm>>) dst(%arg9 : memref<40x128xi32, #tpu.memory_space<vmem>>)
        tpu.yield
      }) : () -> ()
      %dma_start3A = arith.constant 0 : i32
      %dma_start3A_22 = arith.constant 0 : i32
      %dma_start3A_23 = arith.constant 0 : i32
      %dma_start3A_24 = tpu.memref_slice %arg10[%dma_start3A, %dma_start3A_22, %dma_start3A_23] : memref<2x128x128xf32, #tpu.memory_space<vmem>> -> memref<1x128x128xf32, #tpu.memory_space<vmem>>
      %dma_start3A_25 = tpu.memref_squeeze %dma_start3A_24 : memref<1x128x128xf32, #tpu.memory_space<vmem>> -> memref<128x128xf32, #tpu.memory_space<vmem>>
      %dma_start3A_26 = arith.constant 0 : i32
      %dma_start3A_27 = tpu.memref_slice %arg8[%dma_start3A_26] : memref<5120xi32, #tpu.memory_space<vmem>> -> memref<128xi32, #tpu.memory_space<vmem>>
      %dma_start3A_28 = arith.constant 0 : i32
      %dma_start3A_29 = arith.constant 0 : i32
      %dma_start3A_30 = tpu.memref_slice %arg2[%dma_start3A_28, %dma_start3A_29] : memref<10016x128xf32, #tpu.memory_space<hbm>> -> memref<10016x128xf32, #tpu.memory_space<hbm>>
      tpu.enqueue_indirect_dma source(%dma_start3A_30 : memref<10016x128xf32, #tpu.memory_space<hbm>>) target(%dma_start3A_25 : memref<128x128xf32, #tpu.memory_space<vmem>>) offsets(%dma_start3A_27 : memref<128xi32, #tpu.memory_space<vmem>>) semaphore(%arg11 : memref<!tpu.dma_semaphore, #tpu.memory_space<semaphore_mem>>)
      %scan3A = arith.constant 0 : i32
      %scan3A_31 = arith.constant 0 : i32
      %scan3A_32 = arith.constant 20 : i32
      %scan3A_33 = arith.addi %scan3A_31, %scan3A_32 : i32
      %scan3A_34 = arith.constant 1 : i32
      scf.for %scan3A_36 = %scan3A_31 to %scan3A_33 step %scan3A_34  : i32 {
        %mul3A_37 = arith.constant 2 : i32
        %mul3A_38 = arith.muli %scan3A_36, %mul3A_37 : i32
        %add3A_39 = arith.constant 0 : i32
        %add3A_40 = arith.addi %mul3A_38, %add3A_39 : i32
        %add3A_41 = arith.constant 1 : i32
        %add3A_42 = arith.addi %add3A_40, %add3A_41 : i32
        %lt3A = arith.constant 40 : i32
        %lt3A_43 = arith.cmpi slt, %add3A_42, %lt3A : i32
        %convert_element_type3A = arith.extui %lt3A_43 : i1 to i32
        %cond3A = arith.constant 0 : i32
        %cond3A_44 = arith.cmpi ne, %convert_element_type3A, %cond3A : i32
        scf.if %cond3A_44 {
          %mul3A_82 = arith.constant 128 : i32
          %mul3A_83 = arith.muli %add3A_42, %mul3A_82 : i32
          %add3A_84 = arith.constant 0 : i32
          %add3A_85 = arith.addi %mul3A_83, %add3A_84 : i32
          %dma_start3A_86 = arith.constant 1 : i32
          %dma_start3A_87 = arith.constant 0 : i32
          %dma_start3A_88 = arith.constant 0 : i32
          %dma_start3A_89 = tpu.memref_slice %arg10[%dma_start3A_86, %dma_start3A_87, %dma_start3A_88] : memref<2x128x128xf32, #tpu.memory_space<vmem>> -> memref<1x128x128xf32, #tpu.memory_space<vmem>>
          %dma_start3A_90 = tpu.memref_squeeze %dma_start3A_89 : memref<1x128x128xf32, #tpu.memory_space<vmem>> -> memref<128x128xf32, #tpu.memory_space<vmem>>
          %dma_start3A_91 = tpu.memref_slice %arg8[%add3A_85] : memref<5120xi32, #tpu.memory_space<vmem>> -> memref<128xi32, #tpu.memory_space<vmem>>
          %dma_start3A_92 = arith.constant 0 : i32
          %dma_start3A_93 = arith.constant 0 : i32
          %dma_start3A_94 = tpu.memref_slice %arg2[%dma_start3A_92, %dma_start3A_93] : memref<10016x128xf32, #tpu.memory_space<hbm>> -> memref<10016x128xf32, #tpu.memory_space<hbm>>
          tpu.enqueue_indirect_dma source(%dma_start3A_94 : memref<10016x128xf32, #tpu.memory_space<hbm>>) target(%dma_start3A_90 : memref<128x128xf32, #tpu.memory_space<vmem>>) offsets(%dma_start3A_91 : memref<128xi32, #tpu.memory_space<vmem>>) semaphore(%arg12 : memref<!tpu.dma_semaphore, #tpu.memory_space<semaphore_mem>>)
        } else {
        }
        %mul3A_45 = arith.constant 128 : i32
        %mul3A_46 = arith.muli %add3A_40, %mul3A_45 : i32
        %add3A_47 = arith.constant 0 : i32
        %add3A_48 = arith.addi %mul3A_46, %add3A_47 : i32
        %dma_wait3A = arith.constant 0 : i32
        %dma_wait3A_49 = arith.constant 0 : i32
        %dma_wait3A_50 = arith.constant 0 : i32
        %dma_wait3A_51 = tpu.memref_slice %arg10[%dma_wait3A, %dma_wait3A_49, %dma_wait3A_50] : memref<2x128x128xf32, #tpu.memory_space<vmem>> -> memref<1x128x128xf32, #tpu.memory_space<vmem>>
        %dma_wait3A_52 = tpu.memref_squeeze %dma_wait3A_51 : memref<1x128x128xf32, #tpu.memory_space<vmem>> -> memref<128x128xf32, #tpu.memory_space<vmem>>
        %dma_wait3A_53 = tpu.memref_slice %arg8[%add3A_48] : memref<5120xi32, #tpu.memory_space<vmem>> -> memref<128xi32, #tpu.memory_space<vmem>>
        %dma_wait3A_54 = arith.constant 0 : i32
        %dma_wait3A_55 = arith.constant 0 : i32
        %dma_wait3A_56 = tpu.memref_slice %arg2[%dma_wait3A_54, %dma_wait3A_55] : memref<10016x128xf32, #tpu.memory_space<hbm>> -> memref<10016x128xf32, #tpu.memory_space<hbm>>
        tpu.wait_indirect_dma semaphore(%arg11 : memref<!tpu.dma_semaphore, #tpu.memory_space<semaphore_mem>>) src(%dma_wait3A_56 : memref<10016x128xf32, #tpu.memory_space<hbm>>) dst(%dma_wait3A_52 : memref<128x128xf32, #tpu.memory_space<vmem>>)
        %run_scoped3A = arith.constant 0 : i32
        "tpu.region"() ({
          %run_scoped3A_82 = tpu.sem_alloc : memref<!tpu.dma_semaphore, #tpu.memory_space<semaphore_mem>>
          %dma_start3A_83 = arith.constant 0 : i32
          %dma_start3A_84 = arith.constant 0 : i32
          %dma_start3A_85 = tpu.memref_slice %arg10[%run_scoped3A, %dma_start3A_83, %dma_start3A_84] : memref<2x128x128xf32, #tpu.memory_space<vmem>> -> memref<1x128x128xf32, #tpu.memory_space<vmem>>
          %dma_start3A_86 = tpu.memref_squeeze %dma_start3A_85 : memref<1x128x128xf32, #tpu.memory_space<vmem>> -> memref<128x128xf32, #tpu.memory_space<vmem>>
          %dma_start3A_87 = arith.constant 0 : i32
          %dma_start3A_88 = tpu.memref_slice %arg9[%add3A_40, %dma_start3A_87] : memref<40x128xi32, #tpu.memory_space<vmem>> -> memref<1x128xi32, #tpu.memory_space<vmem>>
          %dma_start3A_89 = tpu.memref_squeeze %dma_start3A_88 : memref<1x128xi32, #tpu.memory_space<vmem>> -> memref<128xi32, #tpu.memory_space<vmem>>
          %dma_start3A_90 = arith.constant 0 : i32
          %dma_start3A_91 = arith.constant 0 : i32
          %dma_start3A_92 = tpu.memref_slice %arg7[%dma_start3A_90, %dma_start3A_91] : memref<10240x128xf32, #tpu.memory_space<vmem_shared>> -> memref<10240x128xf32, #tpu.memory_space<vmem_shared>>
          tpu.enqueue_indirect_dma source(%dma_start3A_86 : memref<128x128xf32, #tpu.memory_space<vmem>>) target(%dma_start3A_92 : memref<10240x128xf32, #tpu.memory_space<vmem_shared>>) offsets(%dma_start3A_89 : memref<128xi32, #tpu.memory_space<vmem>>) semaphore(%run_scoped3A_82 : memref<!tpu.dma_semaphore, #tpu.memory_space<semaphore_mem>>) {add = true}
          %dma_wait3A_93 = arith.constant 0 : i32
          %dma_wait3A_94 = arith.constant 0 : i32
          %dma_wait3A_95 = tpu.memref_slice %arg10[%run_scoped3A, %dma_wait3A_93, %dma_wait3A_94] : memref<2x128x128xf32, #tpu.memory_space<vmem>> -> memref<1x128x128xf32, #tpu.memory_space<vmem>>
          %dma_wait3A_96 = tpu.memref_squeeze %dma_wait3A_95 : memref<1x128x128xf32, #tpu.memory_space<vmem>> -> memref<128x128xf32, #tpu.memory_space<vmem>>
          %dma_wait3A_97 = arith.constant 0 : i32
          %dma_wait3A_98 = tpu.memref_slice %arg9[%add3A_40, %dma_wait3A_97] : memref<40x128xi32, #tpu.memory_space<vmem>> -> memref<1x128xi32, #tpu.memory_space<vmem>>
          %dma_wait3A_99 = tpu.memref_squeeze %dma_wait3A_98 : memref<1x128xi32, #tpu.memory_space<vmem>> -> memref<128xi32, #tpu.memory_space<vmem>>
          %dma_wait3A_100 = arith.constant 0 : i32
          %dma_wait3A_101 = arith.constant 0 : i32
          %dma_wait3A_102 = tpu.memref_slice %arg7[%dma_wait3A_100, %dma_wait3A_101] : memref<10240x128xf32, #tpu.memory_space<vmem_shared>> -> memref<10240x128xf32, #tpu.memory_space<vmem_shared>>
          tpu.wait_indirect_dma semaphore(%run_scoped3A_82 : memref<!tpu.dma_semaphore, #tpu.memory_space<semaphore_mem>>) src(%dma_wait3A_96 : memref<128x128xf32, #tpu.memory_space<vmem>>) dst(%dma_wait3A_102 : memref<10240x128xf32, #tpu.memory_space<vmem_shared>>)
          tpu.yield
        }) : () -> ()
        %mul3A_57 = arith.constant 2 : i32
        %mul3A_58 = arith.muli %scan3A_36, %mul3A_57 : i32
        %add3A_59 = arith.constant 1 : i32
        %add3A_60 = arith.addi %mul3A_58, %add3A_59 : i32
        %add3A_61 = arith.constant 1 : i32
        %add3A_62 = arith.addi %add3A_60, %add3A_61 : i32
        %lt3A_63 = arith.constant 40 : i32
        %lt3A_64 = arith.cmpi slt, %add3A_62, %lt3A_63 : i32
        %convert_element_type3A_65 = arith.extui %lt3A_64 : i1 to i32
        %cond3A_66 = arith.constant 0 : i32
        %cond3A_67 = arith.cmpi ne, %convert_element_type3A_65, %cond3A_66 : i32
        scf.if %cond3A_67 {
          %mul3A_82 = arith.constant 128 : i32
          %mul3A_83 = arith.muli %add3A_62, %mul3A_82 : i32
          %add3A_84 = arith.constant 0 : i32
          %add3A_85 = arith.addi %mul3A_83, %add3A_84 : i32
          %dma_start3A_86 = arith.constant 0 : i32
          %dma_start3A_87 = arith.constant 0 : i32
          %dma_start3A_88 = arith.constant 0 : i32
          %dma_start3A_89 = tpu.memref_slice %arg10[%dma_start3A_86, %dma_start3A_87, %dma_start3A_88] : memref<2x128x128xf32, #tpu.memory_space<vmem>> -> memref<1x128x128xf32, #tpu.memory_space<vmem>>
          %dma_start3A_90 = tpu.memref_squeeze %dma_start3A_89 : memref<1x128x128xf32, #tpu.memory_space<vmem>> -> memref<128x128xf32, #tpu.memory_space<vmem>>
          %dma_start3A_91 = tpu.memref_slice %arg8[%add3A_85] : memref<5120xi32, #tpu.memory_space<vmem>> -> memref<128xi32, #tpu.memory_space<vmem>>
          %dma_start3A_92 = arith.constant 0 : i32
          %dma_start3A_93 = arith.constant 0 : i32
          %dma_start3A_94 = tpu.memref_slice %arg2[%dma_start3A_92, %dma_start3A_93] : memref<10016x128xf32, #tpu.memory_space<hbm>> -> memref<10016x128xf32, #tpu.memory_space<hbm>>
          tpu.enqueue_indirect_dma source(%dma_start3A_94 : memref<10016x128xf32, #tpu.memory_space<hbm>>) target(%dma_start3A_90 : memref<128x128xf32, #tpu.memory_space<vmem>>) offsets(%dma_start3A_91 : memref<128xi32, #tpu.memory_space<vmem>>) semaphore(%arg11 : memref<!tpu.dma_semaphore, #tpu.memory_space<semaphore_mem>>)
        } else {
        }
        %mul3A_68 = arith.constant 128 : i32
        %mul3A_69 = arith.muli %add3A_60, %mul3A_68 : i32
        %add3A_70 = arith.constant 0 : i32
        %add3A_71 = arith.addi %mul3A_69, %add3A_70 : i32
        %dma_wait3A_72 = arith.constant 1 : i32
        %dma_wait3A_73 = arith.constant 0 : i32
        %dma_wait3A_74 = arith.constant 0 : i32
        %dma_wait3A_75 = tpu.memref_slice %arg10[%dma_wait3A_72, %dma_wait3A_73, %dma_wait3A_74] : memref<2x128x128xf32, #tpu.memory_space<vmem>> -> memref<1x128x128xf32, #tpu.memory_space<vmem>>
        %dma_wait3A_76 = tpu.memref_squeeze %dma_wait3A_75 : memref<1x128x128xf32, #tpu.memory_space<vmem>> -> memref<128x128xf32, #tpu.memory_space<vmem>>
        %dma_wait3A_77 = tpu.memref_slice %arg8[%add3A_71] : memref<5120xi32, #tpu.memory_space<vmem>> -> memref<128xi32, #tpu.memory_space<vmem>>
        %dma_wait3A_78 = arith.constant 0 : i32
        %dma_wait3A_79 = arith.constant 0 : i32
        %dma_wait3A_80 = tpu.memref_slice %arg2[%dma_wait3A_78, %dma_wait3A_79] : memref<10016x128xf32, #tpu.memory_space<hbm>> -> memref<10016x128xf32, #tpu.memory_space<hbm>>
        tpu.wait_indirect_dma semaphore(%arg12 : memref<!tpu.dma_semaphore, #tpu.memory_space<semaphore_mem>>) src(%dma_wait3A_80 : memref<10016x128xf32, #tpu.memory_space<hbm>>) dst(%dma_wait3A_76 : memref<128x128xf32, #tpu.memory_space<vmem>>)
        %run_scoped3A_81 = arith.constant 1 : i32
        "tpu.region"() ({
          %run_scoped3A_82 = tpu.sem_alloc : memref<!tpu.dma_semaphore, #tpu.memory_space<semaphore_mem>>
          %dma_start3A_83 = arith.constant 0 : i32
          %dma_start3A_84 = arith.constant 0 : i32
          %dma_start3A_85 = tpu.memref_slice %arg10[%run_scoped3A_81, %dma_start3A_83, %dma_start3A_84] : memref<2x128x128xf32, #tpu.memory_space<vmem>> -> memref<1x128x128xf32, #tpu.memory_space<vmem>>
          %dma_start3A_86 = tpu.memref_squeeze %dma_start3A_85 : memref<1x128x128xf32, #tpu.memory_space<vmem>> -> memref<128x128xf32, #tpu.memory_space<vmem>>
          %dma_start3A_87 = arith.constant 0 : i32
          %dma_start3A_88 = tpu.memref_slice %arg9[%add3A_60, %dma_start3A_87] : memref<40x128xi32, #tpu.memory_space<vmem>> -> memref<1x128xi32, #tpu.memory_space<vmem>>
          %dma_start3A_89 = tpu.memref_squeeze %dma_start3A_88 : memref<1x128xi32, #tpu.memory_space<vmem>> -> memref<128xi32, #tpu.memory_space<vmem>>
          %dma_start3A_90 = arith.constant 0 : i32
          %dma_start3A_91 = arith.constant 0 : i32
          %dma_start3A_92 = tpu.memref_slice %arg7[%dma_start3A_90, %dma_start3A_91] : memref<10240x128xf32, #tpu.memory_space<vmem_shared>> -> memref<10240x128xf32, #tpu.memory_space<vmem_shared>>
          tpu.enqueue_indirect_dma source(%dma_start3A_86 : memref<128x128xf32, #tpu.memory_space<vmem>>) target(%dma_start3A_92 : memref<10240x128xf32, #tpu.memory_space<vmem_shared>>) offsets(%dma_start3A_89 : memref<128xi32, #tpu.memory_space<vmem>>) semaphore(%run_scoped3A_82 : memref<!tpu.dma_semaphore, #tpu.memory_space<semaphore_mem>>) {add = true}
          %dma_wait3A_93 = arith.constant 0 : i32
          %dma_wait3A_94 = arith.constant 0 : i32
          %dma_wait3A_95 = tpu.memref_slice %arg10[%run_scoped3A_81, %dma_wait3A_93, %dma_wait3A_94] : memref<2x128x128xf32, #tpu.memory_space<vmem>> -> memref<1x128x128xf32, #tpu.memory_space<vmem>>
          %dma_wait3A_96 = tpu.memref_squeeze %dma_wait3A_95 : memref<1x128x128xf32, #tpu.memory_space<vmem>> -> memref<128x128xf32, #tpu.memory_space<vmem>>
          %dma_wait3A_97 = arith.constant 0 : i32
          %dma_wait3A_98 = tpu.memref_slice %arg9[%add3A_60, %dma_wait3A_97] : memref<40x128xi32, #tpu.memory_space<vmem>> -> memref<1x128xi32, #tpu.memory_space<vmem>>
          %dma_wait3A_99 = tpu.memref_squeeze %dma_wait3A_98 : memref<1x128xi32, #tpu.memory_space<vmem>> -> memref<128xi32, #tpu.memory_space<vmem>>
          %dma_wait3A_100 = arith.constant 0 : i32
          %dma_wait3A_101 = arith.constant 0 : i32
          %dma_wait3A_102 = tpu.memref_slice %arg7[%dma_wait3A_100, %dma_wait3A_101] : memref<10240x128xf32, #tpu.memory_space<vmem_shared>> -> memref<10240x128xf32, #tpu.memory_space<vmem_shared>>
          tpu.wait_indirect_dma semaphore(%run_scoped3A_82 : memref<!tpu.dma_semaphore, #tpu.memory_space<semaphore_mem>>) src(%dma_wait3A_96 : memref<128x128xf32, #tpu.memory_space<vmem>>) dst(%dma_wait3A_102 : memref<10240x128xf32, #tpu.memory_space<vmem_shared>>)
          tpu.yield
        }) : () -> ()
      }
      %scan3A_35 = arith.constant 20 : i32
    }
    %while3A_17 = arith.constant 1 : i32
    scf.for %while3A_19 = %while3A_15 to %while3A_11 step %while3A_17  : i32 {
      %add3A = arith.addi %select_n3A_3, %while3A_19 : i32
      "tpu.region"() ({
        %run_scoped3A = tpu.sem_alloc : memref<!tpu.dma_semaphore, #tpu.memory_space<semaphore_mem>>
        %dma_start3A_36 = arith.constant 0 : i32
        %dma_start3A_37 = tpu.memref_slice %arg3[%arg1, %add3A, %dma_start3A_36] : memref<16x4x5120xi32, #tpu.memory_space<hbm>> -> memref<1x1x5120xi32, #tpu.memory_space<hbm>>
        %dma_start3A_38 = tpu.memref_squeeze %dma_start3A_37 : memref<1x1x5120xi32, #tpu.memory_space<hbm>> -> memref<5120xi32, #tpu.memory_space<hbm>>
        %dma_start3A_39 = arith.constant 0 : i32
        %dma_start3A_40 = tpu.memref_slice %arg3[%arg1, %add3A, %dma_start3A_39] : memref<16x4x5120xi32, #tpu.memory_space<hbm>> -> memref<1x1x5120xi32, #tpu.memory_space<hbm>>
        %dma_start3A_41 = tpu.memref_squeeze %dma_start3A_40 : memref<1x1x5120xi32, #tpu.memory_space<hbm>> -> memref<5120xi32, #tpu.memory_space<hbm>>
        tpu.enqueue_dma source(%dma_start3A_41 : memref<5120xi32, #tpu.memory_space<hbm>>) target(%arg8 : memref<5120xi32, #tpu.memory_space<vmem>>) target_semaphore(%run_scoped3A : memref<!tpu.dma_semaphore, #tpu.memory_space<semaphore_mem>>)
        %dma_wait3A = arith.constant 0 : i32
        %dma_wait3A_42 = tpu.memref_slice %arg3[%arg1, %add3A, %dma_wait3A] : memref<16x4x5120xi32, #tpu.memory_space<hbm>> -> memref<1x1x5120xi32, #tpu.memory_space<hbm>>
        %dma_wait3A_43 = tpu.memref_squeeze %dma_wait3A_42 : memref<1x1x5120xi32, #tpu.memory_space<hbm>> -> memref<5120xi32, #tpu.memory_space<hbm>>
        %dma_wait3A_44 = arith.constant 0 : i32
        %dma_wait3A_45 = tpu.memref_slice %arg3[%arg1, %add3A, %dma_wait3A_44] : memref<16x4x5120xi32, #tpu.memory_space<hbm>> -> memref<1x1x5120xi32, #tpu.memory_space<hbm>>
        %dma_wait3A_46 = tpu.memref_squeeze %dma_wait3A_45 : memref<1x1x5120xi32, #tpu.memory_space<hbm>> -> memref<5120xi32, #tpu.memory_space<hbm>>
        tpu.wait_dma2 semaphore(%run_scoped3A : memref<!tpu.dma_semaphore, #tpu.memory_space<semaphore_mem>>) src(%dma_wait3A_46 : memref<5120xi32, #tpu.memory_space<hbm>>) dst(%arg8 : memref<5120xi32, #tpu.memory_space<vmem>>)
        tpu.yield
      }) : () -> ()
      %mul3A_20 = arith.constant 40 : i32
      %mul3A_21 = arith.muli %add3A, %mul3A_20 : i32
      "tpu.region"() ({
        %run_scoped3A = tpu.sem_alloc : memref<!tpu.dma_semaphore, #tpu.memory_space<semaphore_mem>>
        %dma_start3A_36 = arith.constant 0 : i32
        %dma_start3A_37 = tpu.memref_slice %arg4[%arg1, %mul3A_21, %dma_start3A_36] : memref<16x160x128xi32, #tpu.memory_space<hbm>> -> memref<1x40x128xi32, #tpu.memory_space<hbm>>
        %dma_start3A_38 = tpu.memref_squeeze %dma_start3A_37 : memref<1x40x128xi32, #tpu.memory_space<hbm>> -> memref<40x128xi32, #tpu.memory_space<hbm>>
        %dma_start3A_39 = arith.constant 0 : i32
        %dma_start3A_40 = tpu.memref_slice %arg4[%arg1, %mul3A_21, %dma_start3A_39] : memref<16x160x128xi32, #tpu.memory_space<hbm>> -> memref<1x40x128xi32, #tpu.memory_space<hbm>>
        %dma_start3A_41 = tpu.memref_squeeze %dma_start3A_40 : memref<1x40x128xi32, #tpu.memory_space<hbm>> -> memref<40x128xi32, #tpu.memory_space<hbm>>
        tpu.enqueue_dma source(%dma_start3A_41 : memref<40x128xi32, #tpu.memory_space<hbm>>) target(%arg9 : memref<40x128xi32, #tpu.memory_space<vmem>>) target_semaphore(%run_scoped3A : memref<!tpu.dma_semaphore, #tpu.memory_space<semaphore_mem>>)
        %dma_wait3A = arith.constant 0 : i32
        %dma_wait3A_42 = tpu.memref_slice %arg4[%arg1, %mul3A_21, %dma_wait3A] : memref<16x160x128xi32, #tpu.memory_space<hbm>> -> memref<1x40x128xi32, #tpu.memory_space<hbm>>
        %dma_wait3A_43 = tpu.memref_squeeze %dma_wait3A_42 : memref<1x40x128xi32, #tpu.memory_space<hbm>> -> memref<40x128xi32, #tpu.memory_space<hbm>>
        %dma_wait3A_44 = arith.constant 0 : i32
        %dma_wait3A_45 = tpu.memref_slice %arg4[%arg1, %mul3A_21, %dma_wait3A_44] : memref<16x160x128xi32, #tpu.memory_space<hbm>> -> memref<1x40x128xi32, #tpu.memory_space<hbm>>
        %dma_wait3A_46 = tpu.memref_squeeze %dma_wait3A_45 : memref<1x40x128xi32, #tpu.memory_space<hbm>> -> memref<40x128xi32, #tpu.memory_space<hbm>>
        tpu.wait_dma2 semaphore(%run_scoped3A : memref<!tpu.dma_semaphore, #tpu.memory_space<semaphore_mem>>) src(%dma_wait3A_46 : memref<40x128xi32, #tpu.memory_space<hbm>>) dst(%arg9 : memref<40x128xi32, #tpu.memory_space<vmem>>)
        tpu.yield
      }) : () -> ()
      %dma_start3A = arith.constant 0 : i32
      %dma_start3A_22 = arith.constant 0 : i32
      %dma_start3A_23 = arith.constant 0 : i32
      %dma_start3A_24 = tpu.memref_slice %arg10[%dma_start3A, %dma_start3A_22, %dma_start3A_23] : memref<2x128x128xf32, #tpu.memory_space<vmem>> -> memref<1x128x128xf32, #tpu.memory_space<vmem>>
      %dma_start3A_25 = tpu.memref_squeeze %dma_start3A_24 : memref<1x128x128xf32, #tpu.memory_space<vmem>> -> memref<128x128xf32, #tpu.memory_space<vmem>>
      %dma_start3A_26 = arith.constant 0 : i32
      %dma_start3A_27 = tpu.memref_slice %arg8[%dma_start3A_26] : memref<5120xi32, #tpu.memory_space<vmem>> -> memref<128xi32, #tpu.memory_space<vmem>>
      %dma_start3A_28 = arith.constant 0 : i32
      %dma_start3A_29 = arith.constant 0 : i32
      %dma_start3A_30 = tpu.memref_slice %arg2[%dma_start3A_28, %dma_start3A_29] : memref<10016x128xf32, #tpu.memory_space<hbm>> -> memref<10016x128xf32, #tpu.memory_space<hbm>>
      tpu.enqueue_indirect_dma source(%dma_start3A_30 : memref<10016x128xf32, #tpu.memory_space<hbm>>) target(%dma_start3A_25 : memref<128x128xf32, #tpu.memory_space<vmem>>) offsets(%dma_start3A_27 : memref<128xi32, #tpu.memory_space<vmem>>) semaphore(%arg11 : memref<!tpu.dma_semaphore, #tpu.memory_space<semaphore_mem>>)
      %scan3A = arith.constant 0 : i32
      %scan3A_31 = arith.constant 0 : i32
      %scan3A_32 = arith.constant 20 : i32
      %scan3A_33 = arith.addi %scan3A_31, %scan3A_32 : i32
      %scan3A_34 = arith.constant 1 : i32
      scf.for %scan3A_36 = %scan3A_31 to %scan3A_33 step %scan3A_34  : i32 {
        %mul3A_37 = arith.constant 2 : i32
        %mul3A_38 = arith.muli %scan3A_36, %mul3A_37 : i32
        %add3A_39 = arith.constant 0 : i32
        %add3A_40 = arith.addi %mul3A_38, %add3A_39 : i32
        %add3A_41 = arith.constant 1 : i32
        %add3A_42 = arith.addi %add3A_40, %add3A_41 : i32
        %lt3A = arith.constant 40 : i32
        %lt3A_43 = arith.cmpi slt, %add3A_42, %lt3A : i32
        %convert_element_type3A = arith.extui %lt3A_43 : i1 to i32
        %cond3A = arith.constant 0 : i32
        %cond3A_44 = arith.cmpi ne, %convert_element_type3A, %cond3A : i32
        scf.if %cond3A_44 {
          %mul3A_82 = arith.constant 128 : i32
          %mul3A_83 = arith.muli %add3A_42, %mul3A_82 : i32
          %add3A_84 = arith.constant 0 : i32
          %add3A_85 = arith.addi %mul3A_83, %add3A_84 : i32
          %dma_start3A_86 = arith.constant 1 : i32
          %dma_start3A_87 = arith.constant 0 : i32
          %dma_start3A_88 = arith.constant 0 : i32
          %dma_start3A_89 = tpu.memref_slice %arg10[%dma_start3A_86, %dma_start3A_87, %dma_start3A_88] : memref<2x128x128xf32, #tpu.memory_space<vmem>> -> memref<1x128x128xf32, #tpu.memory_space<vmem>>
          %dma_start3A_90 = tpu.memref_squeeze %dma_start3A_89 : memref<1x128x128xf32, #tpu.memory_space<vmem>> -> memref<128x128xf32, #tpu.memory_space<vmem>>
          %dma_start3A_91 = tpu.memref_slice %arg8[%add3A_85] : memref<5120xi32, #tpu.memory_space<vmem>> -> memref<128xi32, #tpu.memory_space<vmem>>
          %dma_start3A_92 = arith.constant 0 : i32
          %dma_start3A_93 = arith.constant 0 : i32
          %dma_start3A_94 = tpu.memref_slice %arg2[%dma_start3A_92, %dma_start3A_93] : memref<10016x128xf32, #tpu.memory_space<hbm>> -> memref<10016x128xf32, #tpu.memory_space<hbm>>
          tpu.enqueue_indirect_dma source(%dma_start3A_94 : memref<10016x128xf32, #tpu.memory_space<hbm>>) target(%dma_start3A_90 : memref<128x128xf32, #tpu.memory_space<vmem>>) offsets(%dma_start3A_91 : memref<128xi32, #tpu.memory_space<vmem>>) semaphore(%arg12 : memref<!tpu.dma_semaphore, #tpu.memory_space<semaphore_mem>>)
        } else {
        }
        %mul3A_45 = arith.constant 128 : i32
        %mul3A_46 = arith.muli %add3A_40, %mul3A_45 : i32
        %add3A_47 = arith.constant 0 : i32
        %add3A_48 = arith.addi %mul3A_46, %add3A_47 : i32
        %dma_wait3A = arith.constant 0 : i32
        %dma_wait3A_49 = arith.constant 0 : i32
        %dma_wait3A_50 = arith.constant 0 : i32
        %dma_wait3A_51 = tpu.memref_slice %arg10[%dma_wait3A, %dma_wait3A_49, %dma_wait3A_50] : memref<2x128x128xf32, #tpu.memory_space<vmem>> -> memref<1x128x128xf32, #tpu.memory_space<vmem>>
        %dma_wait3A_52 = tpu.memref_squeeze %dma_wait3A_51 : memref<1x128x128xf32, #tpu.memory_space<vmem>> -> memref<128x128xf32, #tpu.memory_space<vmem>>
        %dma_wait3A_53 = tpu.memref_slice %arg8[%add3A_48] : memref<5120xi32, #tpu.memory_space<vmem>> -> memref<128xi32, #tpu.memory_space<vmem>>
        %dma_wait3A_54 = arith.constant 0 : i32
        %dma_wait3A_55 = arith.constant 0 : i32
        %dma_wait3A_56 = tpu.memref_slice %arg2[%dma_wait3A_54, %dma_wait3A_55] : memref<10016x128xf32, #tpu.memory_space<hbm>> -> memref<10016x128xf32, #tpu.memory_space<hbm>>
        tpu.wait_indirect_dma semaphore(%arg11 : memref<!tpu.dma_semaphore, #tpu.memory_space<semaphore_mem>>) src(%dma_wait3A_56 : memref<10016x128xf32, #tpu.memory_space<hbm>>) dst(%dma_wait3A_52 : memref<128x128xf32, #tpu.memory_space<vmem>>)
        %run_scoped3A = arith.constant 0 : i32
        "tpu.region"() ({
          %run_scoped3A_82 = tpu.sem_alloc : memref<!tpu.dma_semaphore, #tpu.memory_space<semaphore_mem>>
          %dma_start3A_83 = arith.constant 0 : i32
          %dma_start3A_84 = arith.constant 0 : i32
          %dma_start3A_85 = tpu.memref_slice %arg10[%run_scoped3A, %dma_start3A_83, %dma_start3A_84] : memref<2x128x128xf32, #tpu.memory_space<vmem>> -> memref<1x128x128xf32, #tpu.memory_space<vmem>>
          %dma_start3A_86 = tpu.memref_squeeze %dma_start3A_85 : memref<1x128x128xf32, #tpu.memory_space<vmem>> -> memref<128x128xf32, #tpu.memory_space<vmem>>
          %dma_start3A_87 = arith.constant 0 : i32
          %dma_start3A_88 = tpu.memref_slice %arg9[%add3A_40, %dma_start3A_87] : memref<40x128xi32, #tpu.memory_space<vmem>> -> memref<1x128xi32, #tpu.memory_space<vmem>>
          %dma_start3A_89 = tpu.memref_squeeze %dma_start3A_88 : memref<1x128xi32, #tpu.memory_space<vmem>> -> memref<128xi32, #tpu.memory_space<vmem>>
          %dma_start3A_90 = arith.constant 0 : i32
          %dma_start3A_91 = arith.constant 0 : i32
          %dma_start3A_92 = tpu.memref_slice %arg7[%dma_start3A_90, %dma_start3A_91] : memref<10240x128xf32, #tpu.memory_space<vmem_shared>> -> memref<10240x128xf32, #tpu.memory_space<vmem_shared>>
          tpu.enqueue_indirect_dma source(%dma_start3A_86 : memref<128x128xf32, #tpu.memory_space<vmem>>) target(%dma_start3A_92 : memref<10240x128xf32, #tpu.memory_space<vmem_shared>>) offsets(%dma_start3A_89 : memref<128xi32, #tpu.memory_space<vmem>>) semaphore(%run_scoped3A_82 : memref<!tpu.dma_semaphore, #tpu.memory_space<semaphore_mem>>) {add = true}
          %dma_wait3A_93 = arith.constant 0 : i32
          %dma_wait3A_94 = arith.constant 0 : i32
          %dma_wait3A_95 = tpu.memref_slice %arg10[%run_scoped3A, %dma_wait3A_93, %dma_wait3A_94] : memref<2x128x128xf32, #tpu.memory_space<vmem>> -> memref<1x128x128xf32, #tpu.memory_space<vmem>>
          %dma_wait3A_96 = tpu.memref_squeeze %dma_wait3A_95 : memref<1x128x128xf32, #tpu.memory_space<vmem>> -> memref<128x128xf32, #tpu.memory_space<vmem>>
          %dma_wait3A_97 = arith.constant 0 : i32
          %dma_wait3A_98 = tpu.memref_slice %arg9[%add3A_40, %dma_wait3A_97] : memref<40x128xi32, #tpu.memory_space<vmem>> -> memref<1x128xi32, #tpu.memory_space<vmem>>
          %dma_wait3A_99 = tpu.memref_squeeze %dma_wait3A_98 : memref<1x128xi32, #tpu.memory_space<vmem>> -> memref<128xi32, #tpu.memory_space<vmem>>
          %dma_wait3A_100 = arith.constant 0 : i32
          %dma_wait3A_101 = arith.constant 0 : i32
          %dma_wait3A_102 = tpu.memref_slice %arg7[%dma_wait3A_100, %dma_wait3A_101] : memref<10240x128xf32, #tpu.memory_space<vmem_shared>> -> memref<10240x128xf32, #tpu.memory_space<vmem_shared>>
          tpu.wait_indirect_dma semaphore(%run_scoped3A_82 : memref<!tpu.dma_semaphore, #tpu.memory_space<semaphore_mem>>) src(%dma_wait3A_96 : memref<128x128xf32, #tpu.memory_space<vmem>>) dst(%dma_wait3A_102 : memref<10240x128xf32, #tpu.memory_space<vmem_shared>>)
          tpu.yield
        }) : () -> ()
        %mul3A_57 = arith.constant 2 : i32
        %mul3A_58 = arith.muli %scan3A_36, %mul3A_57 : i32
        %add3A_59 = arith.constant 1 : i32
        %add3A_60 = arith.addi %mul3A_58, %add3A_59 : i32
        %add3A_61 = arith.constant 1 : i32
        %add3A_62 = arith.addi %add3A_60, %add3A_61 : i32
        %lt3A_63 = arith.constant 40 : i32
        %lt3A_64 = arith.cmpi slt, %add3A_62, %lt3A_63 : i32
        %convert_element_type3A_65 = arith.extui %lt3A_64 : i1 to i32
        %cond3A_66 = arith.constant 0 : i32
        %cond3A_67 = arith.cmpi ne, %convert_element_type3A_65, %cond3A_66 : i32
        scf.if %cond3A_67 {
          %mul3A_82 = arith.constant 128 : i32
          %mul3A_83 = arith.muli %add3A_62, %mul3A_82 : i32
          %add3A_84 = arith.constant 0 : i32
          %add3A_85 = arith.addi %mul3A_83, %add3A_84 : i32
          %dma_start3A_86 = arith.constant 0 : i32
          %dma_start3A_87 = arith.constant 0 : i32
          %dma_start3A_88 = arith.constant 0 : i32
          %dma_start3A_89 = tpu.memref_slice %arg10[%dma_start3A_86, %dma_start3A_87, %dma_start3A_88] : memref<2x128x128xf32, #tpu.memory_space<vmem>> -> memref<1x128x128xf32, #tpu.memory_space<vmem>>
          %dma_start3A_90 = tpu.memref_squeeze %dma_start3A_89 : memref<1x128x128xf32, #tpu.memory_space<vmem>> -> memref<128x128xf32, #tpu.memory_space<vmem>>
          %dma_start3A_91 = tpu.memref_slice %arg8[%add3A_85] : memref<5120xi32, #tpu.memory_space<vmem>> -> memref<128xi32, #tpu.memory_space<vmem>>
          %dma_start3A_92 = arith.constant 0 : i32
          %dma_start3A_93 = arith.constant 0 : i32
          %dma_start3A_94 = tpu.memref_slice %arg2[%dma_start3A_92, %dma_start3A_93] : memref<10016x128xf32, #tpu.memory_space<hbm>> -> memref<10016x128xf32, #tpu.memory_space<hbm>>
          tpu.enqueue_indirect_dma source(%dma_start3A_94 : memref<10016x128xf32, #tpu.memory_space<hbm>>) target(%dma_start3A_90 : memref<128x128xf32, #tpu.memory_space<vmem>>) offsets(%dma_start3A_91 : memref<128xi32, #tpu.memory_space<vmem>>) semaphore(%arg11 : memref<!tpu.dma_semaphore, #tpu.memory_space<semaphore_mem>>)
        } else {
        }
        %mul3A_68 = arith.constant 128 : i32
        %mul3A_69 = arith.muli %add3A_60, %mul3A_68 : i32
        %add3A_70 = arith.constant 0 : i32
        %add3A_71 = arith.addi %mul3A_69, %add3A_70 : i32
        %dma_wait3A_72 = arith.constant 1 : i32
        %dma_wait3A_73 = arith.constant 0 : i32
        %dma_wait3A_74 = arith.constant 0 : i32
        %dma_wait3A_75 = tpu.memref_slice %arg10[%dma_wait3A_72, %dma_wait3A_73, %dma_wait3A_74] : memref<2x128x128xf32, #tpu.memory_space<vmem>> -> memref<1x128x128xf32, #tpu.memory_space<vmem>>
        %dma_wait3A_76 = tpu.memref_squeeze %dma_wait3A_75 : memref<1x128x128xf32, #tpu.memory_space<vmem>> -> memref<128x128xf32, #tpu.memory_space<vmem>>
        %dma_wait3A_77 = tpu.memref_slice %arg8[%add3A_71] : memref<5120xi32, #tpu.memory_space<vmem>> -> memref<128xi32, #tpu.memory_space<vmem>>
        %dma_wait3A_78 = arith.constant 0 : i32
        %dma_wait3A_79 = arith.constant 0 : i32
        %dma_wait3A_80 = tpu.memref_slice %arg2[%dma_wait3A_78, %dma_wait3A_79] : memref<10016x128xf32, #tpu.memory_space<hbm>> -> memref<10016x128xf32, #tpu.memory_space<hbm>>
        tpu.wait_indirect_dma semaphore(%arg12 : memref<!tpu.dma_semaphore, #tpu.memory_space<semaphore_mem>>) src(%dma_wait3A_80 : memref<10016x128xf32, #tpu.memory_space<hbm>>) dst(%dma_wait3A_76 : memref<128x128xf32, #tpu.memory_space<vmem>>)
        %run_scoped3A_81 = arith.constant 1 : i32
        "tpu.region"() ({
          %run_scoped3A_82 = tpu.sem_alloc : memref<!tpu.dma_semaphore, #tpu.memory_space<semaphore_mem>>
          %dma_start3A_83 = arith.constant 0 : i32
          %dma_start3A_84 = arith.constant 0 : i32
          %dma_start3A_85 = tpu.memref_slice %arg10[%run_scoped3A_81, %dma_start3A_83, %dma_start3A_84] : memref<2x128x128xf32, #tpu.memory_space<vmem>> -> memref<1x128x128xf32, #tpu.memory_space<vmem>>
          %dma_start3A_86 = tpu.memref_squeeze %dma_start3A_85 : memref<1x128x128xf32, #tpu.memory_space<vmem>> -> memref<128x128xf32, #tpu.memory_space<vmem>>
          %dma_start3A_87 = arith.constant 0 : i32
          %dma_start3A_88 = tpu.memref_slice %arg9[%add3A_60, %dma_start3A_87] : memref<40x128xi32, #tpu.memory_space<vmem>> -> memref<1x128xi32, #tpu.memory_space<vmem>>
          %dma_start3A_89 = tpu.memref_squeeze %dma_start3A_88 : memref<1x128xi32, #tpu.memory_space<vmem>> -> memref<128xi32, #tpu.memory_space<vmem>>
          %dma_start3A_90 = arith.constant 0 : i32
          %dma_start3A_91 = arith.constant 0 : i32
          %dma_start3A_92 = tpu.memref_slice %arg7[%dma_start3A_90, %dma_start3A_91] : memref<10240x128xf32, #tpu.memory_space<vmem_shared>> -> memref<10240x128xf32, #tpu.memory_space<vmem_shared>>
          tpu.enqueue_indirect_dma source(%dma_start3A_86 : memref<128x128xf32, #tpu.memory_space<vmem>>) target(%dma_start3A_92 : memref<10240x128xf32, #tpu.memory_space<vmem_shared>>) offsets(%dma_start3A_89 : memref<128xi32, #tpu.memory_space<vmem>>) semaphore(%run_scoped3A_82 : memref<!tpu.dma_semaphore, #tpu.memory_space<semaphore_mem>>) {add = true}
          %dma_wait3A_93 = arith.constant 0 : i32
          %dma_wait3A_94 = arith.constant 0 : i32
          %dma_wait3A_95 = tpu.memref_slice %arg10[%run_scoped3A_81, %dma_wait3A_93, %dma_wait3A_94] : memref<2x128x128xf32, #tpu.memory_space<vmem>> -> memref<1x128x128xf32, #tpu.memory_space<vmem>>
          %dma_wait3A_96 = tpu.memref_squeeze %dma_wait3A_95 : memref<1x128x128xf32, #tpu.memory_space<vmem>> -> memref<128x128xf32, #tpu.memory_space<vmem>>
          %dma_wait3A_97 = arith.constant 0 : i32
          %dma_wait3A_98 = tpu.memref_slice %arg9[%add3A_60, %dma_wait3A_97] : memref<40x128xi32, #tpu.memory_space<vmem>> -> memref<1x128xi32, #tpu.memory_space<vmem>>
          %dma_wait3A_99 = tpu.memref_squeeze %dma_wait3A_98 : memref<1x128xi32, #tpu.memory_space<vmem>> -> memref<128xi32, #tpu.memory_space<vmem>>
          %dma_wait3A_100 = arith.constant 0 : i32
          %dma_wait3A_101 = arith.constant 0 : i32
          %dma_wait3A_102 = tpu.memref_slice %arg7[%dma_wait3A_100, %dma_wait3A_101] : memref<10240x128xf32, #tpu.memory_space<vmem_shared>> -> memref<10240x128xf32, #tpu.memory_space<vmem_shared>>
          tpu.wait_indirect_dma semaphore(%run_scoped3A_82 : memref<!tpu.dma_semaphore, #tpu.memory_space<semaphore_mem>>) src(%dma_wait3A_96 : memref<128x128xf32, #tpu.memory_space<vmem>>) dst(%dma_wait3A_102 : memref<10240x128xf32, #tpu.memory_space<vmem_shared>>)
          tpu.yield
        }) : () -> ()
      }
      %scan3A_35 = arith.constant 20 : i32
    }
    %barrier3A_18 = arith.constant 0 : index
    tpu.barrier barrier_id(%barrier3A_18)
    "tpu.region"() ({
      %run_scoped3A = tpu.sem_alloc : memref<!tpu.dma_semaphore, #tpu.memory_space<semaphore_mem>>
      %dma_start3A = arith.constant 0 : i32
      %dma_start3A_19 = tpu.memref_slice %arg6[%arg0, %mul3A_0, %dma_start3A] : memref<2x10240x128xf32, #tpu.memory_space<hbm>> -> memref<1x640x128xf32, #tpu.memory_space<hbm>>
      %dma_start3A_20 = tpu.memref_squeeze %dma_start3A_19 : memref<1x640x128xf32, #tpu.memory_space<hbm>> -> memref<640x128xf32, #tpu.memory_space<hbm>>
      %dma_start3A_21 = arith.constant 0 : i32
      %dma_start3A_22 = tpu.memref_slice %arg7[%mul3A_0, %dma_start3A_21] : memref<10240x128xf32, #tpu.memory_space<vmem_shared>> -> memref<640x128xf32, #tpu.memory_space<vmem_shared>>
      tpu.enqueue_dma source(%dma_start3A_22 : memref<640x128xf32, #tpu.memory_space<vmem_shared>>) target(%dma_start3A_20 : memref<640x128xf32, #tpu.memory_space<hbm>>) target_semaphore(%run_scoped3A : memref<!tpu.dma_semaphore, #tpu.memory_space<semaphore_mem>>)
      %dma_wait3A = arith.constant 0 : i32
      %dma_wait3A_23 = tpu.memref_slice %arg6[%arg0, %mul3A_0, %dma_wait3A] : memref<2x10240x128xf32, #tpu.memory_space<hbm>> -> memref<1x640x128xf32, #tpu.memory_space<hbm>>
      %dma_wait3A_24 = tpu.memref_squeeze %dma_wait3A_23 : memref<1x640x128xf32, #tpu.memory_space<hbm>> -> memref<640x128xf32, #tpu.memory_space<hbm>>
      %dma_wait3A_25 = arith.constant 0 : i32
      %dma_wait3A_26 = tpu.memref_slice %arg7[%mul3A_0, %dma_wait3A_25] : memref<10240x128xf32, #tpu.memory_space<vmem_shared>> -> memref<640x128xf32, #tpu.memory_space<vmem_shared>>
      tpu.wait_dma2 semaphore(%run_scoped3A : memref<!tpu.dma_semaphore, #tpu.memory_space<semaphore_mem>>) src(%dma_wait3A_26 : memref<640x128xf32, #tpu.memory_space<vmem_shared>>) dst(%dma_wait3A_24 : memref<640x128xf32, #tpu.memory_space<hbm>>)
      tpu.yield
    }) : () -> ()
    return
  }
}

module attributes {stable_mosaic.version = 14 : i64} {
  func.func @_tc1_body(%arg0: memref<10016x128xf32, #tpu.memory_space<vmem>>, %arg1: memref<128x128xf32, #tpu.memory_space<vmem>>, %arg2: memref<32x10240xf32, #tpu.memory_space<vmem>>, %arg3: memref<32x1xf32, #tpu.memory_space<vmem>>, %arg4: memref<10016x128xf32, #tpu.memory_space<vmem>>, %arg5: memref<10016x1xf32, #tpu.memory_space<vmem>>) attributes {dimension_semantics = [], scalar_prefetch = 0 : i64, scratch_operands = 0 : i64, tpu.core_type = #tpu.core_type<tc>} {
    %get3A = arith.constant 0 : index
    %get3A_0 = arith.constant 0 : index
    %get3A_1 = vector.load %arg2[%get3A, %get3A_0] : memref<32x10240xf32, #tpu.memory_space<vmem>>, vector<32x10240xf32>
    %get3A_2 = arith.constant 0 : index
    %get3A_3 = arith.constant 0 : index
    %get3A_4 = vector.load %arg3[%get3A_2, %get3A_3] : memref<32x1xf32, #tpu.memory_space<vmem>>, vector<32x1xf32>
    %dot_general3A = arith.constant dense<0.000000e+00> : vector<10240x1xf32>
    %dot_general3A_5 = tpu.matmul %get3A_1, %get3A_4, %dot_general3A {dimension_numbers = #tpu.dot_dimension_numbers<[0], [0], [1], [1], [0, 1, 1, 1], [], []>, transpose_lhs_hint = false} : vector<32x10240xf32>, vector<32x1xf32>, vector<10240x1xf32> -> vector<10240x1xf32>
    %slice3A = vector.extract_strided_slice %dot_general3A_5 {offsets = [0, 0], sizes = [10016, 1], strides = [1, 1]} : vector<10240x1xf32> to vector<10016x1xf32>
    %add3A = arith.constant 1.000000e+00 : f32
    %add3A_6 = vector.broadcast %add3A : f32 to vector<10016x1xf32>
    %add3A_7 = arith.addf %add3A_6, %slice3A : vector<10016x1xf32>
    %rsqrt3A = math.rsqrt %add3A_7 : vector<10016x1xf32>
    %get3A_8 = arith.constant 0 : index
    %get3A_9 = arith.constant 0 : index
    %get3A_10 = vector.load %arg0[%get3A_8, %get3A_9] : memref<10016x128xf32, #tpu.memory_space<vmem>>, vector<10016x128xf32>
    %get3A_11 = arith.constant 0 : index
    %get3A_12 = arith.constant 0 : index
    %get3A_13 = vector.load %arg1[%get3A_11, %get3A_12] : memref<128x128xf32, #tpu.memory_space<vmem>>, vector<128x128xf32>
    %dot_general3A_14 = arith.constant dense<0.000000e+00> : vector<10016x128xf32>
    %dot_general3A_15 = tpu.matmul %get3A_10, %get3A_13, %dot_general3A_14 {dimension_numbers = #tpu.dot_dimension_numbers<[1], [0], [0], [1], [0, 0, 1, 1], [], []>, transpose_lhs_hint = false} : vector<10016x128xf32>, vector<128x128xf32>, vector<10016x128xf32> -> vector<10016x128xf32>
    %mul3A = vector.broadcast %rsqrt3A : vector<10016x1xf32> to vector<10016x128xf32>
    %mul3A_16 = arith.mulf %dot_general3A_15, %mul3A : vector<10016x128xf32>
    %swap3A = arith.constant 0 : index
    %swap3A_17 = arith.constant 0 : index
    %swap3A_18 = vector.load %arg4[%swap3A, %swap3A_17] : memref<10016x128xf32, #tpu.memory_space<vmem>>, vector<10016x128xf32>
    tpu.vector_store %arg4[%swap3A, %swap3A_17], %mul3A_16 {strides = array<i32>} : memref<10016x128xf32, #tpu.memory_space<vmem>>, vector<10016x128xf32>,
    %swap3A_19 = arith.constant 0 : index
    %swap3A_20 = arith.constant 0 : index
    %swap3A_21 = vector.load %arg5[%swap3A_19, %swap3A_20] : memref<10016x1xf32, #tpu.memory_space<vmem>>, vector<10016x1xf32>
    tpu.vector_store %arg5[%swap3A_19, %swap3A_20], %rsqrt3A {strides = array<i32>} : memref<10016x1xf32, #tpu.memory_space<vmem>>, vector<10016x1xf32>,
    return
  }
}

module attributes {stable_mosaic.version = 14 : i64} {
  func.func @_tc_mid_body(%arg0: memref<2x10240x128xf32, #tpu.memory_space<vmem>>, %arg1: memref<10016x128xf32, #tpu.memory_space<vmem>>, %arg2: memref<10016x1xf32, #tpu.memory_space<vmem>>, %arg3: memref<1x128xf32, #tpu.memory_space<vmem>>, %arg4: memref<1x128xf32, #tpu.memory_space<vmem>>, %arg5: memref<1x128xf32, #tpu.memory_space<vmem>>, %arg6: memref<128x128xf32, #tpu.memory_space<vmem>>, %arg7: memref<10016x128xf32, #tpu.memory_space<vmem>>) attributes {dimension_semantics = [], scalar_prefetch = 0 : i64, scratch_operands = 0 : i64, tpu.core_type = #tpu.core_type<tc>} {
    %get3A = arith.constant 0 : index
    %get3A_0 = arith.constant 0 : index
    %get3A_1 = arith.constant 0 : index
    %get3A_2 = vector.load %arg0[%get3A, %get3A_0, %get3A_1] : memref<2x10240x128xf32, #tpu.memory_space<vmem>>, vector<1x10016x128xf32>
    %get3A_3 = vector.shape_cast %get3A_2 : vector<1x10016x128xf32> to vector<10016x128xf32>
    %get3A_4 = arith.constant 1 : index
    %get3A_5 = arith.constant 0 : index
    %get3A_6 = arith.constant 0 : index
    %get3A_7 = vector.load %arg0[%get3A_4, %get3A_5, %get3A_6] : memref<2x10240x128xf32, #tpu.memory_space<vmem>>, vector<1x10016x128xf32>
    %get3A_8 = vector.shape_cast %get3A_7 : vector<1x10016x128xf32> to vector<10016x128xf32>
    %add3A = arith.addf %get3A_3, %get3A_8 : vector<10016x128xf32>
    %get3A_9 = arith.constant 0 : index
    %get3A_10 = arith.constant 0 : index
    %get3A_11 = vector.load %arg1[%get3A_9, %get3A_10] : memref<10016x128xf32, #tpu.memory_space<vmem>>, vector<10016x128xf32>
    %add3A_12 = arith.addf %add3A, %get3A_11 : vector<10016x128xf32>
    %get3A_13 = arith.constant 0 : index
    %get3A_14 = arith.constant 0 : index
    %get3A_15 = vector.load %arg2[%get3A_13, %get3A_14] : memref<10016x1xf32, #tpu.memory_space<vmem>>, vector<10016x1xf32>
    %mul3A = vector.broadcast %get3A_15 : vector<10016x1xf32> to vector<10016x128xf32>
    %mul3A_16 = arith.mulf %add3A_12, %mul3A : vector<10016x128xf32>
    %get3A_17 = arith.constant 0 : index
    %get3A_18 = arith.constant 0 : index
    %get3A_19 = vector.load %arg3[%get3A_17, %get3A_18] : memref<1x128xf32, #tpu.memory_space<vmem>>, vector<1x128xf32>
    %add3A_20 = vector.broadcast %get3A_19 : vector<1x128xf32> to vector<10016x128xf32>
    %add3A_21 = arith.addf %mul3A_16, %add3A_20 : vector<10016x128xf32>
    %iota3A = tpu.iota {dimensions = array<i32: 0>} : vector<10016x1xi32>
    %lt3A = arith.constant 10000 : i32
    %lt3A_22 = vector.broadcast %lt3A : i32 to vector<10016x1xi32>
    %lt3A_23 = arith.cmpi slt, %iota3A, %lt3A_22 : vector<10016x1xi32>
    %convert_element_type3A = arith.extui %lt3A_23 : vector<10016x1xi1> to vector<10016x1xi32>
    %convert_element_type3A_24 = arith.sitofp %convert_element_type3A : vector<10016x1xi32> to vector<10016x1xf32>
    %mul3A_25 = vector.broadcast %convert_element_type3A_24 : vector<10016x1xf32> to vector<10016x128xf32>
    %mul3A_26 = arith.mulf %add3A_21, %mul3A_25 : vector<10016x128xf32>
    %reduce_sum3A = arith.constant dense<0.000000e+00> : vector<128xf32>
    %reduce_sum3A_27 = vector.multi_reduction <add>, %mul3A_26, %reduce_sum3A [0] : vector<10016x128xf32> to vector<128xf32>
    %broadcast_in_dim3A = vector.shape_cast %reduce_sum3A_27 : vector<128xf32> to vector<1x128xf32>
    %mul3A_28 = arith.constant 9.99999974E-5 : f32
    %mul3A_29 = vector.broadcast %mul3A_28 : f32 to vector<1x128xf32>
    %mul3A_30 = arith.mulf %broadcast_in_dim3A, %mul3A_29 : vector<1x128xf32>
    %sub3A = vector.broadcast %mul3A_30 : vector<1x128xf32> to vector<10016x128xf32>
    %sub3A_31 = arith.subf %add3A_21, %sub3A : vector<10016x128xf32>
    %mul3A_32 = vector.broadcast %convert_element_type3A_24 : vector<10016x1xf32> to vector<10016x128xf32>
    %mul3A_33 = arith.mulf %sub3A_31, %mul3A_32 : vector<10016x128xf32>
    %mul3A_34 = arith.mulf %mul3A_33, %mul3A_33 : vector<10016x128xf32>
    %reduce_sum3A_35 = arith.constant dense<0.000000e+00> : vector<128xf32>
    %reduce_sum3A_36 = vector.multi_reduction <add>, %mul3A_34, %reduce_sum3A_35 [0] : vector<10016x128xf32> to vector<128xf32>
    %broadcast_in_dim3A_37 = vector.shape_cast %reduce_sum3A_36 : vector<128xf32> to vector<1x128xf32>
    %mul3A_38 = arith.constant 9.99999974E-5 : f32
    %mul3A_39 = vector.broadcast %mul3A_38 : f32 to vector<1x128xf32>
    %mul3A_40 = arith.mulf %broadcast_in_dim3A_37, %mul3A_39 : vector<1x128xf32>
    %sub3A_41 = vector.broadcast %mul3A_30 : vector<1x128xf32> to vector<10016x128xf32>
    %sub3A_42 = arith.subf %add3A_21, %sub3A_41 : vector<10016x128xf32>
    %add3A_43 = arith.constant 9.99999974E-6 : f32
    %add3A_44 = vector.broadcast %add3A_43 : f32 to vector<1x128xf32>
    %add3A_45 = arith.addf %mul3A_40, %add3A_44 : vector<1x128xf32>
    %rsqrt3A = math.rsqrt %add3A_45 : vector<1x128xf32>
    %mul3A_46 = vector.broadcast %rsqrt3A : vector<1x128xf32> to vector<10016x128xf32>
    %mul3A_47 = arith.mulf %sub3A_42, %mul3A_46 : vector<10016x128xf32>
    %get3A_48 = arith.constant 0 : index
    %get3A_49 = arith.constant 0 : index
    %get3A_50 = vector.load %arg4[%get3A_48, %get3A_49] : memref<1x128xf32, #tpu.memory_space<vmem>>, vector<1x128xf32>
    %mul3A_51 = vector.broadcast %get3A_50 : vector<1x128xf32> to vector<10016x128xf32>
    %mul3A_52 = arith.mulf %mul3A_47, %mul3A_51 : vector<10016x128xf32>
    %get3A_53 = arith.constant 0 : index
    %get3A_54 = arith.constant 0 : index
    %get3A_55 = vector.load %arg5[%get3A_53, %get3A_54] : memref<1x128xf32, #tpu.memory_space<vmem>>, vector<1x128xf32>
    %add3A_56 = vector.broadcast %get3A_55 : vector<1x128xf32> to vector<10016x128xf32>
    %add3A_57 = arith.addf %mul3A_52, %add3A_56 : vector<10016x128xf32>
    %max3A = arith.constant 0.000000e+00 : f32
    %max3A_58 = vector.broadcast %max3A : f32 to vector<10016x128xf32>
    %max3A_59 = arith.maximumf %add3A_57, %max3A_58 : vector<10016x128xf32>
    %mul3A_60 = vector.broadcast %convert_element_type3A_24 : vector<10016x1xf32> to vector<10016x128xf32>
    %mul3A_61 = arith.mulf %max3A_59, %mul3A_60 : vector<10016x128xf32>
    %get3A_62 = arith.constant 0 : index
    %get3A_63 = arith.constant 0 : index
    %get3A_64 = vector.load %arg6[%get3A_62, %get3A_63] : memref<128x128xf32, #tpu.memory_space<vmem>>, vector<128x128xf32>
    %dot_general3A = arith.constant dense<0.000000e+00> : vector<10016x128xf32>
    %dot_general3A_65 = tpu.matmul %mul3A_61, %get3A_64, %dot_general3A {dimension_numbers = #tpu.dot_dimension_numbers<[1], [0], [0], [1], [0, 0, 1, 1], [], []>, transpose_lhs_hint = false} : vector<10016x128xf32>, vector<128x128xf32>, vector<10016x128xf32> -> vector<10016x128xf32>
    %mul3A_66 = vector.broadcast %get3A_15 : vector<10016x1xf32> to vector<10016x128xf32>
    %mul3A_67 = arith.mulf %dot_general3A_65, %mul3A_66 : vector<10016x128xf32>
    %swap3A = arith.constant 0 : index
    %swap3A_68 = arith.constant 0 : index
    %swap3A_69 = vector.load %arg7[%swap3A, %swap3A_68] : memref<10016x128xf32, #tpu.memory_space<vmem>>, vector<10016x128xf32>
    tpu.vector_store %arg7[%swap3A, %swap3A_68], %mul3A_67 {strides = array<i32>} : memref<10016x128xf32, #tpu.memory_space<vmem>>, vector<10016x128xf32>,
    return
  }
}

module attributes {stable_mosaic.version = 14 : i64} {
  func.func @_tc_fin_body(%arg0: memref<2x10240x128xf32, #tpu.memory_space<vmem>>, %arg1: memref<10016x128xf32, #tpu.memory_space<vmem>>, %arg2: memref<10016x1xf32, #tpu.memory_space<vmem>>, %arg3: memref<1x128xf32, #tpu.memory_space<vmem>>, %arg4: memref<1x128xf32, #tpu.memory_space<vmem>>, %arg5: memref<1x128xf32, #tpu.memory_space<vmem>>, %arg6: memref<128x16xf32, #tpu.memory_space<vmem>>, %arg7: memref<1x16xf32, #tpu.memory_space<vmem>>, %arg8: memref<10000x16xf32, #tpu.memory_space<vmem>>) attributes {dimension_semantics = [], scalar_prefetch = 0 : i64, scratch_operands = 0 : i64, tpu.core_type = #tpu.core_type<tc>} {
    %get3A = arith.constant 0 : index
    %get3A_0 = arith.constant 0 : index
    %get3A_1 = arith.constant 0 : index
    %get3A_2 = vector.load %arg0[%get3A, %get3A_0, %get3A_1] : memref<2x10240x128xf32, #tpu.memory_space<vmem>>, vector<1x10016x128xf32>
    %get3A_3 = vector.shape_cast %get3A_2 : vector<1x10016x128xf32> to vector<10016x128xf32>
    %get3A_4 = arith.constant 1 : index
    %get3A_5 = arith.constant 0 : index
    %get3A_6 = arith.constant 0 : index
    %get3A_7 = vector.load %arg0[%get3A_4, %get3A_5, %get3A_6] : memref<2x10240x128xf32, #tpu.memory_space<vmem>>, vector<1x10016x128xf32>
    %get3A_8 = vector.shape_cast %get3A_7 : vector<1x10016x128xf32> to vector<10016x128xf32>
    %add3A = arith.addf %get3A_3, %get3A_8 : vector<10016x128xf32>
    %get3A_9 = arith.constant 0 : index
    %get3A_10 = arith.constant 0 : index
    %get3A_11 = vector.load %arg1[%get3A_9, %get3A_10] : memref<10016x128xf32, #tpu.memory_space<vmem>>, vector<10016x128xf32>
    %add3A_12 = arith.addf %add3A, %get3A_11 : vector<10016x128xf32>
    %get3A_13 = arith.constant 0 : index
    %get3A_14 = arith.constant 0 : index
    %get3A_15 = vector.load %arg2[%get3A_13, %get3A_14] : memref<10016x1xf32, #tpu.memory_space<vmem>>, vector<10016x1xf32>
    %mul3A = vector.broadcast %get3A_15 : vector<10016x1xf32> to vector<10016x128xf32>
    %mul3A_16 = arith.mulf %add3A_12, %mul3A : vector<10016x128xf32>
    %get3A_17 = arith.constant 0 : index
    %get3A_18 = arith.constant 0 : index
    %get3A_19 = vector.load %arg3[%get3A_17, %get3A_18] : memref<1x128xf32, #tpu.memory_space<vmem>>, vector<1x128xf32>
    %add3A_20 = vector.broadcast %get3A_19 : vector<1x128xf32> to vector<10016x128xf32>
    %add3A_21 = arith.addf %mul3A_16, %add3A_20 : vector<10016x128xf32>
    %iota3A = tpu.iota {dimensions = array<i32: 0>} : vector<10016x1xi32>
    %lt3A = arith.constant 10000 : i32
    %lt3A_22 = vector.broadcast %lt3A : i32 to vector<10016x1xi32>
    %lt3A_23 = arith.cmpi slt, %iota3A, %lt3A_22 : vector<10016x1xi32>
    %convert_element_type3A = arith.extui %lt3A_23 : vector<10016x1xi1> to vector<10016x1xi32>
    %convert_element_type3A_24 = arith.sitofp %convert_element_type3A : vector<10016x1xi32> to vector<10016x1xf32>
    %mul3A_25 = vector.broadcast %convert_element_type3A_24 : vector<10016x1xf32> to vector<10016x128xf32>
    %mul3A_26 = arith.mulf %add3A_21, %mul3A_25 : vector<10016x128xf32>
    %reduce_sum3A = arith.constant dense<0.000000e+00> : vector<128xf32>
    %reduce_sum3A_27 = vector.multi_reduction <add>, %mul3A_26, %reduce_sum3A [0] : vector<10016x128xf32> to vector<128xf32>
    %broadcast_in_dim3A = vector.shape_cast %reduce_sum3A_27 : vector<128xf32> to vector<1x128xf32>
    %mul3A_28 = arith.constant 9.99999974E-5 : f32
    %mul3A_29 = vector.broadcast %mul3A_28 : f32 to vector<1x128xf32>
    %mul3A_30 = arith.mulf %broadcast_in_dim3A, %mul3A_29 : vector<1x128xf32>
    %sub3A = vector.broadcast %mul3A_30 : vector<1x128xf32> to vector<10016x128xf32>
    %sub3A_31 = arith.subf %add3A_21, %sub3A : vector<10016x128xf32>
    %mul3A_32 = vector.broadcast %convert_element_type3A_24 : vector<10016x1xf32> to vector<10016x128xf32>
    %mul3A_33 = arith.mulf %sub3A_31, %mul3A_32 : vector<10016x128xf32>
    %mul3A_34 = arith.mulf %mul3A_33, %mul3A_33 : vector<10016x128xf32>
    %reduce_sum3A_35 = arith.constant dense<0.000000e+00> : vector<128xf32>
    %reduce_sum3A_36 = vector.multi_reduction <add>, %mul3A_34, %reduce_sum3A_35 [0] : vector<10016x128xf32> to vector<128xf32>
    %broadcast_in_dim3A_37 = vector.shape_cast %reduce_sum3A_36 : vector<128xf32> to vector<1x128xf32>
    %mul3A_38 = arith.constant 9.99999974E-5 : f32
    %mul3A_39 = vector.broadcast %mul3A_38 : f32 to vector<1x128xf32>
    %mul3A_40 = arith.mulf %broadcast_in_dim3A_37, %mul3A_39 : vector<1x128xf32>
    %sub3A_41 = vector.broadcast %mul3A_30 : vector<1x128xf32> to vector<10016x128xf32>
    %sub3A_42 = arith.subf %add3A_21, %sub3A_41 : vector<10016x128xf32>
    %add3A_43 = arith.constant 9.99999974E-6 : f32
    %add3A_44 = vector.broadcast %add3A_43 : f32 to vector<1x128xf32>
    %add3A_45 = arith.addf %mul3A_40, %add3A_44 : vector<1x128xf32>
    %rsqrt3A = math.rsqrt %add3A_45 : vector<1x128xf32>
    %mul3A_46 = vector.broadcast %rsqrt3A : vector<1x128xf32> to vector<10016x128xf32>
    %mul3A_47 = arith.mulf %sub3A_42, %mul3A_46 : vector<10016x128xf32>
    %get3A_48 = arith.constant 0 : index
    %get3A_49 = arith.constant 0 : index
    %get3A_50 = vector.load %arg4[%get3A_48, %get3A_49] : memref<1x128xf32, #tpu.memory_space<vmem>>, vector<1x128xf32>
    %mul3A_51 = vector.broadcast %get3A_50 : vector<1x128xf32> to vector<10016x128xf32>
    %mul3A_52 = arith.mulf %mul3A_47, %mul3A_51 : vector<10016x128xf32>
    %get3A_53 = arith.constant 0 : index
    %get3A_54 = arith.constant 0 : index
    %get3A_55 = vector.load %arg5[%get3A_53, %get3A_54] : memref<1x128xf32, #tpu.memory_space<vmem>>, vector<1x128xf32>
    %add3A_56 = vector.broadcast %get3A_55 : vector<1x128xf32> to vector<10016x128xf32>
    %add3A_57 = arith.addf %mul3A_52, %add3A_56 : vector<10016x128xf32>
    %max3A = arith.constant 0.000000e+00 : f32
    %max3A_58 = vector.broadcast %max3A : f32 to vector<10016x128xf32>
    %max3A_59 = arith.maximumf %add3A_57, %max3A_58 : vector<10016x128xf32>
    %mul3A_60 = vector.broadcast %convert_element_type3A_24 : vector<10016x1xf32> to vector<10016x128xf32>
    %mul3A_61 = arith.mulf %max3A_59, %mul3A_60 : vector<10016x128xf32>
    %get3A_62 = arith.constant 0 : index
    %get3A_63 = arith.constant 0 : index
    %get3A_64 = vector.load %arg6[%get3A_62, %get3A_63] : memref<128x16xf32, #tpu.memory_space<vmem>>, vector<128x16xf32>
    %dot_general3A = arith.constant dense<0.000000e+00> : vector<10016x16xf32>
    %dot_general3A_65 = tpu.matmul %mul3A_61, %get3A_64, %dot_general3A {dimension_numbers = #tpu.dot_dimension_numbers<[1], [0], [0], [1], [0, 0, 1, 1], [], []>, transpose_lhs_hint = false} : vector<10016x128xf32>, vector<128x16xf32>, vector<10016x16xf32> -> vector<10016x16xf32>
    %get3A_66 = arith.constant 0 : index
    %get3A_67 = arith.constant 0 : index
    %get3A_68 = vector.load %arg7[%get3A_66, %get3A_67] : memref<1x16xf32, #tpu.memory_space<vmem>>, vector<1x16xf32>
    %add3A_69 = vector.broadcast %get3A_68 : vector<1x16xf32> to vector<10016x16xf32>
    %add3A_70 = arith.addf %dot_general3A_65, %add3A_69 : vector<10016x16xf32>
    %reduce_max3A = arith.constant dense<0xFF800000> : vector<10016xf32>
    %reduce_max3A_71 = vector.multi_reduction <maximumf>, %add3A_70, %reduce_max3A [1] : vector<10016x16xf32> to vector<10016xf32>
    %broadcast_in_dim3A_72 = vector.shape_cast %reduce_max3A_71 : vector<10016xf32> to vector<10016x1xf32>
    %sub3A_73 = vector.broadcast %broadcast_in_dim3A_72 : vector<10016x1xf32> to vector<10016x16xf32>
    %sub3A_74 = arith.subf %add3A_70, %sub3A_73 : vector<10016x16xf32>
    %exp3A = math.exp %sub3A_74 : vector<10016x16xf32>
    %reduce_sum3A_75 = arith.constant dense<0.000000e+00> : vector<10016xf32>
    %reduce_sum3A_76 = vector.multi_reduction <add>, %exp3A, %reduce_sum3A_75 [1] : vector<10016x16xf32> to vector<10016xf32>
    %broadcast_in_dim3A_77 = vector.shape_cast %reduce_sum3A_76 : vector<10016xf32> to vector<10016x1xf32>
    %log3A = math.log %broadcast_in_dim3A_77 : vector<10016x1xf32>
    %sub3A_78 = vector.broadcast %log3A : vector<10016x1xf32> to vector<10016x16xf32>
    %sub3A_79 = arith.subf %sub3A_74, %sub3A_78 : vector<10016x16xf32>
    %slice3A = vector.extract_strided_slice %sub3A_79 {offsets = [0, 0], sizes = [10000, 16], strides = [1, 1]} : vector<10016x16xf32> to vector<10000x16xf32>
    %swap3A = arith.constant 0 : index
    %swap3A_80 = arith.constant 0 : index
    %swap3A_81 = vector.load %arg8[%swap3A, %swap3A_80] : memref<10000x16xf32, #tpu.memory_space<vmem>>, vector<10000x16xf32>
    tpu.vector_store %arg8[%swap3A, %swap3A_80], %slice3A {strides = array<i32>} : memref<10000x16xf32, #tpu.memory_space<vmem>>, vector<10000x16xf32>,
    return
  }
}

</mosaic_0001>

<sc_bundles>
// kernel: kernel.10.cloned.1.call-start
scs
__scs_entry_jumppad:
0x0: {  	(pc) =	sbr.rel $0x88, $3  }
0x1: {  	(tag) =	ssettag $0x0;
	lr =	simm.s32 $0x1  }
0x2: {  	[smem:$0x3F91] =	sst lr;
	_ =	strace $0xD0000000  }
0x3: {  	_ = 	snop  }
0x4: {  	_ = 	snop  }
0x5: {  	_ = 	snop  }
0x6: {  	_ = 	snop  }
0x7: {  	_ = 	snop  }
__scs_overlays_trampoline_lowered:
0x8: {  	[smem:$0x3FA0] =	sst s0  }
0x9: {  	[smem:$0x3FA1] =	sst s1  }
0xa: {  	[smem:$0x3FA2] =	sst s2  }
0xb: {  	[smem:$0x3FA3] =	sst s3  }
0xc: {  	[smem:$0x3FA4] =	sst s4  }
0xd: {  	[smem:$0x3FA5] =	sst s5  }
0xe: {  	[smem:$0x3FA6] =	sst s6  }
0xf: {  	[smem:$0x3FA7] =	sst s7  }
0x10: {  	[smem:$0x3FA8] =	sst s8  }
0x11: {  	[smem:$0x3FA9] =	sst s9;
	s0 =	simm.s32 @!p0 $0x0  }
0x12: {  	s1 =	sld [smem:$0x3F8F];
	s0 =	simm.s32 @p0 $0x1  }
0x13: {  	[smem:$0x3FAA] =	sst s0;
	s0 =	simm.s32 @!p1 $0x0  }
0x14: {  	s2 =	sld [smem:$0x3F8E];
	s0 =	simm.s32 @p1 $0x1  }
0x15: {  	[smem:$0x3FAB] =	sst s0;
	s0 =	simm.s32 @!p2 $0x0  }
0x16: {  	s3 =	sld [smem:$0x3FDB];
	s0 =	simm.s32 @p2 $0x1  }
0x17: {  	s4 =	simm.s32 $0x1BF5;
	[smem:$0x3FAD] =	sst s0  }
0x18: {  	s0 =	sld [smem:$0x3F90];
	_ =	swait.ge [sflag:s4], $0x0  }
0x19: {  	s7 =	sld [smem:$0x3F91]  }
0x1a: {  	s8 =	sadd.s32 $0xFFFFE003, lr  }
0x1b: {  	s9 =	sadd.s32 $0xFFFFFEF7, lr;
	s5 =	simm.s32 $0xFFFFFFFF;
	p2 =	slt.u32 s8, $0xFFFFF086  }
0x1c: {  	p1 =	slt.u32 s9, $0xF7A;
	s5 =	simm.s32 @!p2 $0x0  }
0x1d: {  	s5 =	simm.s32 @p1 $0x1;
	p0 =	seq.s32 s7, s2  }
0x1e: {  	s7 =	smul.u32 @!p0 $0xF7A, s2;
	p2 =	seq.s32 @!p0 s5, $0x0  }
0x1f: {  	s9 =	smul.u32 $0xF7A, s1;
	s8 =	simm.s32 @!p0 $0x1BF5;
	p2 =	por !p2, p0  }
0x20: {  	[sflag:s8] =	ssyncset.s32 @!p0 $0xFFFFF086;
	s6 =	sadd.s32 @!p0 s3, s7;
	s7 =	simm.s32 @!p0 $0x108  }
0x21: {  	s3 =	sadd.s32 s3, s9;
	s6 =	sadd.s32 @!p0 $0x88, s6;
	s7 =	simm.s32 @p2 $0x1082  }
0x22: {  	[simem:s7], [sflag:s8] =	dma.local @!p0 [hbm:s6], $0xF7A  }
0x23: {  	s9 =	sor.u32 $0xD0000000, s2;
	s6 =	simm.s32 $0x108;
	_ =	swait.ge @!p0 [sflag:s8], $0x0  }
0x24: {  	s3 =	sadd.s32 $0x88, s3;
	s6 =	simm.s32 @!p1 $0x1082;
	[sflag:s4] =	ssyncset.s32 $0xFFFFF086  }
0x25: {  	[simem:s6], [sflag:s4] =	dma.local [hbm:s3], $0xF7A  }
0x26: {  	[smem:$0x3F91] =	sst s1;
	(tag) =	ssettag s2;
	_ =	strace s9  }
0x27: {  	s1 =	sld [smem:$0x3FA1]  }
0x28: {  	s2 =	sld [smem:$0x3FA2]  }
0x29: {  	s4 =	sld [smem:$0x3FA4]  }
0x2a: {  	p0 =	seq.s32 s5, $0x0;
	s5 =	sld [smem:$0x3FA5]  }
0x2b: {  	s6 =	sld [smem:$0x3FA6]  }
0x2c: {  	s7 =	sld [smem:$0x3FA7]  }
0x2d: {  	s3 =	simm.s32 $0x108;
	s8 =	sld [smem:$0x3FA8]  }
0x2e: {  	s3 =	simm.s32 @!p0 $0x1082;
	s9 =	sld [smem:$0x3FA9]  }
0x2f: {  	lr =	sadd.s32 s0, s3;
	s0 =	sld [smem:$0x3FA0]  }
0x30: {  	s3 =	sld [smem:$0x3FA3]  }
0x31: {  	[smem:$0x3FAC] =	sst s10  }
0x32: {  	s10 =	sld [smem:$0x3FAA];
	_ =	sdelay $0x3  }
0x33: {  	p0 =	seq.s32 s10, $0x1;
	s10 =	sld [smem:$0x3FAC];
	_ =	sdelay $0x3  }
0x34: {  	[smem:$0x3FAC] =	sst s10  }
0x35: {  	s10 =	sld [smem:$0x3FAB];
	_ =	sdelay $0x3  }
0x36: {  	p1 =	seq.s32 s10, $0x1;
	s10 =	sld [smem:$0x3FAC];
	_ =	sdelay $0x3  }
0x37: {  	[smem:$0x3FAC] =	sst s10  }
0x38: {  	s10 =	sld [smem:$0x3FAD]  }
0x39: {  	_ = 	snop;
	(pc) =	sbr.ind lr, $3  }
0x3a: {  	_ = 	snop  }
0x3b: {  	_ = 	snop  }
0x3c: {  	p2 =	seq.s32 s10, $0x1;
	s10 =	sld [smem:$0x3FAC]  }
0x3d: {  	_ =	shalt  }
0x3e: {  	_ =	shalt  }
0x3f: {  	_ =	shalt  }
0x40: {  	_ =	shalt  }
0x41: {  	_ =	shalt  }
0x42: {  	_ =	shalt  }
0x43: {  	_ =	shalt  }
0x44: {  	_ =	shalt  }
0x45: {  	_ =	shalt  }
0x46: {  	_ =	shalt  }
0x47: {  	_ =	shalt  }
0x48: {  	_ =	shalt  }
0x49: {  	_ =	shalt  }
0x4a: {  	_ =	shalt  }
0x4b: {  	_ =	shalt  }
0x4c: {  	_ =	shalt  }
0x4d: {  	_ =	shalt  }
0x4e: {  	_ =	shalt  }
0x4f: {  	_ =	shalt  }
0x50: {  	_ =	shalt  }
0x51: {  	_ =	shalt  }
0x52: {  	_ =	shalt  }
0x53: {  	_ =	shalt  }
0x54: {  	_ =	shalt  }
0x55: {  	_ =	shalt  }
0x56: {  	_ =	shalt  }
0x57: {  	_ =	shalt  }
0x58: {  	_ =	shalt  }
0x59: {  	_ =	shalt  }
0x5a: {  	_ =	shalt  }
0x5b: {  	_ =	shalt  }
0x5c: {  	_ =	shalt  }
0x5d: {  	_ =	shalt  }
0x5e: {  	_ =	shalt  }
0x5f: {  	_ =	shalt  }
0x60: {  	_ =	shalt  }
0x61: {  	_ =	shalt  }
0x62: {  	_ =	shalt  }
0x63: {  	_ =	shalt  }
0x64: {  	_ =	shalt  }
0x65: {  	_ =	shalt  }
0x66: {  	_ =	shalt  }
0x67: {  	_ =	shalt  }
0x68: {  	_ =	shalt  }
0x69: {  	_ =	shalt  }
0x6a: {  	_ =	shalt  }
0x6b: {  	_ =	shalt  }
0x6c: {  	_ =	shalt  }
0x6d: {  	_ =	shalt  }
0x6e: {  	_ =	shalt  }
0x6f: {  	_ =	shalt  }
0x70: {  	_ =	shalt  }
0x71: {  	_ =	shalt  }
0x72: {  	_ =	shalt  }
0x73: {  	_ =	shalt  }
0x74: {  	_ =	shalt  }
0x75: {  	_ =	shalt  }
0x76: {  	_ =	shalt  }
0x77: {  	_ =	shalt  }
0x78: {  	_ =	shalt  }
0x79: {  	_ =	shalt  }
0x7a: {  	_ =	shalt  }
0x7b: {  	_ =	shalt  }
0x7c: {  	_ =	shalt  }
0x7d: {  	_ =	shalt  }
0x7e: {  	_ =	shalt  }
0x7f: {  	_ =	shalt  }
0x80: {  	_ =	shalt  }
0x81: {  	_ =	shalt  }
0x82: {  	_ =	shalt  }
0x83: {  	_ =	shalt  }
0x84: {  	_ =	shalt  }
0x85: {  	_ =	shalt  }
0x86: {  	_ =	shalt  }
0x87: {  	_ =	shalt  }
.Lfunc_end0:
.L_simem_size_0:
called_computation_lowered:
.L_overlay_start_0:
0x88: {  	s2 =	sld [smem:$0x3FD9]  }
0x89: {  	s3 =	sld [smem:$0x3FFE];
	_ =	sdelay $0x1  }
0x8a: {  	s1 =	srdreg.scid  }
0x8b: {  	s0 =	sand.u32 $0x1, s1  }
0x8c: {  	s16 =	sshll.u32 s0, $0xA;
	s2 =	sadd.s32 s3, s2  }
0x8d: {  	s2 =	sadd.s32 s2, s16  }
0x8e: {  	[smem:$0x3FB8] =	sst s2  }
0x8f: {  	_ = 	snop  }
0x90: {  	(tm) =	ssettm $0x1  }
0x91: {  	s17 =	sld [smem:$0x3FFB];
	_ =	sdelay $0x3  }
0x92: {  	_ =	strace s17  }
0x93: {  	s2 =	sld [smem:$0x3FFC];
	_ =	sdelay $0x3  }
0x94: {  	_ =	strace s2  }
0x95: {  	s2 =	sld [smem:$0x3FFD];
	_ =	sdelay $0x3  }
0x96: {  	_ =	strace s2  }
0x97: {  	_ =	strace $0x8FFFFFFF  }
0x98: {  	s18 =	sld [smem:$0x3FDB];
	_ =	sdelay $0x1  }
0x99: {  	s19 =	simm.s32 $_scs_section_size  }
0x9a: {  	s4 =	simm.s32 $_size__tile_overlayer_lowered;
	s5 =	simm.s32 $_tile_overlayer_lowered  }
0x9b: {  	s22 =	simm.s32 $0x1BFF;
	s21 =	sshll.u32 s5, $0x1;
	s2 =	sadd.s32 s19, s18  }
0x9c: {  	s6 =	simm.s32 $0x0;
	s20 =	sshll.u32 s4, $0x1;
	s4 =	sadd.s32 s21, s2  }
0x9d: {  	[timem:s6], [sflag:s22] =	dma.local [hbm:s4], s20  }
0x9e: {  	_ =	swait.ge [sflag:s22], s20  }
0x9f: {  	s3 =	ssub.s32 $0x0, s20;
	[sflag:s22] =	ssyncset.done $0x0  }
0xa0: {  	[sflag:s22] =	ssyncadd.s32 s3;
	_ =	sdelay $0x1  }
0xa1: {  	s23 =	simm.s32 $0x1B8B  }
0xa2: {  	_ =	swait.ge [sflag:s23], $0x1  }
0xa3: {  	[sflag:s23] =	ssyncset.done $0x0  }
0xa4: {  	s25 =	simm.s32 $0x1B8E;
	s24 =	sld [smem:$0x3FFE];
	[sflag:s23] =	ssyncadd.s32 $0xFFFFFFFF  }
0xa5: {  	s26 =	simm.s32 $execute0_lowered;
	[smem:$0x3FD2] =	sst s25  }
0xa6: {  	s4 =	sshll.u32 s26, $0x1;
	_ =	strace $0x80000046;
	[dreg:$0x1] =	wrdreg $0xFFFFFFFF  }
0xa7: {  	s28 =	simm.s32 $_size_execute0_lowered;
	s2 =	sadd.s32 s2, s4;
	[dreg:$0x0] =	wrdreg $0x0  }
0xa8: {  	s4 =	sshll.u32 s28, $0x1;
	[dreg:$0x2] =	wrdreg s2  }
0xa9: {  	[dreg:$0x3] =	wrdreg s4  }
0xaa: {  	[dreg:$0x4] =	wrdreg $0xC0  }
0xab: {  	_ =	task [dreg:s6], $0x5FFFF  }
0xac: {  	[dreg:$0x1] =	wrdreg $0xFFFFFFFF  }
0xad: {  	[dreg:$0x0] =	wrdreg $0x60  }
0xae: {  	[dreg:$0x2] =	wrdreg s24  }
0xaf: {  	[dreg:$0x3] =	wrdreg $0x9  }
0xb0: {  	_ =	task.clear_ibuf [dreg:s6], $0x4FFFF;
	_ =	strace $0x90000046  }
0xb1: {  	s29 =	simm.s32 $0x9;
	_ =	strace $0x80000048  }
0xb2: {  	_ =	swait.ge [sflag:s29], $0x1  }
0xb3: {  	[sflag:s29] =	ssyncadd.s32 $0xFFFFFFFF  }
0xb4: {  	_ =	strace $0x90000048  }
0xb5: {  	_ =	sfence  }
0xb6: {  	s30 =	sld [smem:$0x0];
	_ =	sdelay $0x2  }
0xb7: {  	s31 =	sshll.u32 s1, $0xD;
	s1 =	sshrl.u32 s1, $0x2  }
0xb8: {  	s3 =	sand.u32 $0x4000, s31;
	s1 =	sadd.s32 s1, s30  }
0xb9: {  	s0 =	sor.u32 s3, s0;
	s1 =	sshll.u32 s1, $0x11  }
0xba: {  	s0 =	sor.u32 s1, s0  }
0xbb: {  	s0 =	sadd.s32 $0x8F2B, s0  }
0xbc: {  	[sflag:s0] =	ssyncadd.remote.s32 $0x1  }
0xbd: {  	_ =	sfence.sel $0xFFFF  }
0xbe: {  	[dreg:$0x0] =	wrdreg $0xFFFFFFFF;
	(pc) =	sbr.abs _section_cstart, $3  }
0xbf: {  	[dreg:$0x1] =	wrdreg $0xFFFFFFFF  }
0xc0: {  	_ =	task.clear_ibuf [dreg:s6], $0x2FFFF;
	_ =	strace $0x9FFFFFFF  }
0xc1: {  	(tm) =	ssettm $0x7FFFFFFF  }
tec
execute0_lowered:
.L_overlay_start_1:
0x0: {  	(tag) =	ssettag $0x1  }
0x1: {  	s1 =	srdreg.scid  }
0x2: {  	s0 =	stileid.u32;
	s5 =	rddreg [dreg:$0x0];
	s2 =	simm.s32 $0x0  }
0x3: {  	s10 =	simm.s32 $0x400;
	s3 =	sand.u32 $0x1, s1;
	s4 =	smul.u32 $0x5000, s0  }
0x4: {  	s7 =	sshrl.u32 s0, $0x3;
	s1 =	rddreg [dreg:$0x1];
	s6 =	smul.u32 $0x28000, s3  }
0x5: {  	s11 =	simm.s32 $0x0;
	[smem:$0x7FF] =	sst s2;
	s7 =	smul.u32 $0x14000, s7  }
0x6: {  	s9 =	sshll.u32 s0, $0x7;
	s8 =	smul.u32 $0x2800, s3;
	_ =	strace $0x80000047  }
0x7: {  	s26 =	sand.u32 $0x380, s9;
	s3 =	ssub.s32 $0x2, s3;
	s9 =	simm.s32 $0x80  }
0x8: {  	s28 =	sshrl.u32 s3, $0x1;
	s6 =	sadd.s32 s6, s7;
	s4 =	sadd.s32 s4, s8  }
0x9: {  	s31 =	ssub.s32 s3, s28;
	s7 =	simm.s32 $0x2800;
	s6 =	sor.u32 s26, s6  }
0xa: {  	s8 =	simm.s32 $0x1;
	s4 =	sshrl.u32 s4, $0x3;
	s6 =	sshrl.u32 s6, $0x3  }
0xb: {  	s29 =	sadd.s32 s4, s5;
	s4 =	smax.u32 s31, $0x1;
	s30 =	sadd.s32 s6, s5  }
0xc: {  	v0 =	vimm.f32 $0.0e+00;
	s5 =	sadd.s32 $0x4400, s29;
	s6 =	sadd.s32 $0x4680, s29;
	s3 =	sadd.s32 $0xE400, s30  }
.LBB2_1:
0xd: {  	s12 =	simm.s32 $0x40;
	s13 =	simm.s32 $0x0  }
.LBB2_2:
0xe: {  	p0 =	sne.s32 s12, $0x9FC0;
	[tilespmem:s13+$0x0] =	vst v0;
	s13 =	smov.u32 s12;
	s12 =	sadd.s32 $0x40, s12  }
.Ltmp0:
0xf: {  	(pc) =	sbr.rel @p0 .LBB2_2-.Ltmp0, $2  }
0x10: {  	_ =	sdelay $0x2  }
0x11: {  	s13 =	sshra.s32 s13, $0x2  }
0x12: {  	[tilespmem:s13+$0x0] =	vst v0;
	s12 =	simm.s32 $0x0  }
0x13: {  	[tilespmem:s7], [sflag:$0x1] =	stream.linear.gather [hbm4b:s5+s12], $0x1400, $0x38;
	[tilespmem:$0x3C00] =	vst v63  }
0x14: {  	s30 =	sand.u32 $0x7E00, s12;
	_ =	swait.ge [sflag:s8], $0x1400  }
0x15: {  	s12 =	sand.u32 $0x70, s12;
	s13 =	sshrl.u32 s30, $0x2;
	[sflag:s8] =	ssyncset.done $0x0  }
0x16: {  	s12 =	sor.u32 s12, s13;
	[sflag:s8] =	ssyncadd.s32 $0xFFFFEC00  }
0x17: {  	v1 =	vld [tilespmem:s12+$0x2800];
	_ =	sdelay $0x4  }
0x18: {  	(xrf1) =	vunique.msk.u32 $0xffff, v1;
	_ =	sdelay $0xd  }
0x19: {  	_, v2, vm0 =	vpop (xrf1);
	_ =	sdelay $0x2  }
0x1a: {  	s31 =	simm.s32 $0x40  }
0x1b: {  	s14 =	sand.u32 $0x7E00, s31;
	s13 =	simm.s32 $0x10;
	s12 =	simm.s32 $0x80;
	v2 =	vcvt.s32.f32 v2  }
.LBB2_4:
0x1c: {  	p0 =	sne.s32 s12, $0x4FC0;
	s15 =	sand.u32 $0x70, s13;
	s14 =	sshrl.u32 s14, $0x2  }
0x1d: {  	s14 =	sor.u32 s15, s14;
	[tilespmem:v1+s2+$0x0] =	vst.idx.add.f32.msk vm0, v2  }
0x1e: {  	v1 =	vld [tilespmem:s14+$0x2800];
	_ =	sdelay $0x4  }
0x1f: {  	(xrf1) =	vunique.msk.u32 $0xffff, v1;
	_ =	sdelay $0xd  }
.Ltmp1:
0x20: {  	_, v2, vm0 =	vpop (xrf1);
	(pc) =	sbr.rel @p0 .LBB2_4-.Ltmp1, $2  }
0x21: {  	_ =	sdelay $0x2  }
0x22: {  	s13 =	sadd.s32 $0x10, s13;
	s14 =	sand.u32 $0x7E00, s12;
	s12 =	sadd.s32 $0x40, s12;
	v2 =	vcvt.s32.f32 v2  }
0x23: {  	_ =	sdelay $0x3  }
0x24: {  	s12 =	sand.u32 $0x70, s13;
	s29 =	sshrl.u32 s14, $0x2  }
0x25: {  	s12 =	sor.u32 s12, s29;
	[tilespmem:v1+s2+$0x0] =	vst.idx.add.f32.msk vm0, v2  }
0x26: {  	v1 =	vld [tilespmem:s12+$0x2800];
	_ =	sdelay $0x4  }
0x27: {  	(xrf1) =	vunique.msk.u32 $0xffff, v1;
	_ =	sdelay $0xd  }
0x28: {  	_, v2, vm0 =	vpop (xrf1);
	_ =	sdelay $0x3  }
0x29: {  	v2 =	vcvt.s32.f32 v2;
	_ =	sdelay $0x1  }
0x2a: {  	s30 =	simm.s32 $0x0;
	[tilespmem:v1+s2+$0x0] =	vst.idx.add.f32.msk vm0, v2  }
0x2b: {  	[tilespmem:s7], [sflag:$0x1] =	stream.linear.gather [hbm4b:s6+s30], $0x1400, $0x38;
	[tilespmem:$0x3C00] =	vst v63  }
0x2c: {  	s31 =	sand.u32 $0x7E00, s30;
	_ =	swait.ge [sflag:s8], $0x1400  }
0x2d: {  	s12 =	sand.u32 $0x70, s30;
	s13 =	sshrl.u32 s31, $0x2;
	[sflag:s8] =	ssyncset.done $0x0  }
0x2e: {  	s12 =	sor.u32 s12, s13;
	[sflag:s8] =	ssyncadd.s32 $0xFFFFEC00  }
0x2f: {  	v1 =	vld [tilespmem:s12+$0x2800];
	_ =	sdelay $0x4  }
0x30: {  	(xrf1) =	vunique.msk.u32 $0xffff, v1;
	_ =	sdelay $0xd  }
0x31: {  	_, v2, vm0 =	vpop (xrf1);
	_ =	sdelay $0x2  }
0x32: {  	s12 =	simm.s32 $0x40  }
0x33: {  	s14 =	simm.s32 $0x10;
	s13 =	simm.s32 $0x20;
	s15 =	sand.u32 $0x7E00, s12;
	v2 =	vcvt.s32.f32 v2  }
.LBB2_6:
0x34: {  	p0 =	sne.s32 s13, $0x13F0;
	s14 =	sand.u32 $0x70, s14;
	s15 =	sshrl.u32 s15, $0x2  }
0x35: {  	s15 =	sor.u32 s14, s15;
	[tilespmem:v1+s2+$0x0] =	vst.idx.add.f32.msk vm0, v2;
	s14 =	smov.u32 s13  }
0x36: {  	v1 =	vld [tilespmem:s15+$0x2800];
	_ =	sdelay $0x4  }
0x37: {  	(xrf1) =	vunique.msk.u32 $0xffff, v1;
	_ =	sdelay $0xd  }
.Ltmp2:
0x38: {  	_, v2, vm0 =	vpop (xrf1);
	(pc) =	sbr.rel @p0 .LBB2_6-.Ltmp2, $3  }
0x39: {  	_ =	sdelay $0x1  }
0x3a: {  	s12 =	sadd.s32 $0x40, s12  }
0x3b: {  	s13 =	sadd.s32 $0x10, s13;
	s15 =	sand.u32 $0x7E00, s12;
	v2 =	vcvt.s32.f32 v2  }
0x3c: {  	_ =	sdelay $0x3  }
0x3d: {  	s12 =	sand.u32 $0x70, s14;
	s13 =	sshrl.u32 s15, $0x2  }
0x3e: {  	s12 =	sor.u32 s12, s13;
	[tilespmem:v1+s2+$0x0] =	vst.idx.add.f32.msk vm0, v2  }
0x3f: {  	v1 =	vld [tilespmem:s12+$0x2800];
	_ =	sdelay $0x4  }
0x40: {  	(xrf1) =	vunique.msk.u32 $0xffff, v1;
	_ =	sdelay $0xd  }
0x41: {  	_, v2, vm0 =	vpop (xrf1);
	_ =	sdelay $0x3  }
0x42: {  	s11 =	sadd.s32 $0x1, s11;
	v2 =	vcvt.s32.f32 v2  }
0x43: {  	p0 =	sne.s32 s11, s4  }
.Ltmp3:
0x44: {  	[tilespmem:v1+s2+$0x0] =	vst.idx.add.f32.msk vm0, v2;
	(pc) =	sbr.rel @p0 .LBB2_1-.Ltmp3, $4  }
0x45: {  	[hbm4b:s3+s9] =	stream.strided.scatter [tilespmem:s2], [sflag:$0x1], $0x2800, s10, s9, $0x38;
	[tilespmem:$0x3C00] =	vst v63  }
0x46: {  	_ =	swait.ge [sflag:s8], $0x2800  }
0x47: {  	[sflag:s8] =	ssyncset.done $0x0  }
0x48: {  	[sflag:s8] =	ssyncadd.s32 $0xFFFFD800  }
0x49: {  	_ =	sfence.sel $0x180000  }
0x4a: {  	[bflag:$0x0] =	sbarrier.arrive $0xFFFF  }
0x4b: {  	p0 =	sne.s32 s0, $0x0;
	_ =	strace $0x90000047  }
0x4c: {  	s0 =	sadd.s32 @!p0 $0x100000, s1;
	[bflag:$0x2] =	sbarrier.arrive $0xFFFF  }
0x4d: {  	[sflag:s0] =	ssyncadd.tile.s32 @!p0 $0x1;
	_ =	shalt  }
.Lfunc_end2:
_tile_overlayer_lowered:
.L_overlay_start_2:
0x4e: {  	(tag) =	ssettag $0x2  }
0x4f: {  	s0 =	rddreg [dreg:$0x0];
	s2 =	stileid.u32  }
0x50: {  	s1 =	rddreg [dreg:$0x1];
	p0 =	sne.s32 s2, $0x0  }
0x51: {  	s3 =	rddreg [dreg:$0x2];
	[bflag:$0x3] =	sbarrier.arrive $0xFFFF;
	s2 =	simm.s32 @!p0 $0x1C01  }
0x52: {  	[timem:s3], [sflag:s2] =	dma.local @!p0 [hbm:s0], s1  }
0x53: {  	s0 =	simm.s32 @!p0 $0x1  }
0x54: {  	_ =	swait.ge @!p0 [sflag:s0], s1  }
0x55: {  	s1 =	ssub.s32 @!p0 $0x0, s1;
	[sflag:s0] =	ssyncset.done @!p0 $0x0  }
0x56: {  	[sflag:s0] =	ssyncadd.s32 @!p0 s1  }
0x57: {  	[bflag:$0x3] =	sbarrier.arrive $0xFFFF  }
0x58: {  	_ =	shalt  }

// kernel: kernel.13.cloned.1.call-start
scs
__scs_entry_jumppad:
0x0: {  	(pc) =	sbr.rel $0x88, $3  }
0x1: {  	(tag) =	ssettag $0x0;
	lr =	simm.s32 $0x1  }
0x2: {  	[smem:$0x3F91] =	sst lr;
	_ =	strace $0xD0000000  }
0x3: {  	_ = 	snop  }
0x4: {  	_ = 	snop  }
0x5: {  	_ = 	snop  }
0x6: {  	_ = 	snop  }
0x7: {  	_ = 	snop  }
__scs_overlays_trampoline_lowered:
0x8: {  	[smem:$0x3FA0] =	sst s0  }
0x9: {  	[smem:$0x3FA1] =	sst s1  }
0xa: {  	[smem:$0x3FA2] =	sst s2  }
0xb: {  	[smem:$0x3FA3] =	sst s3  }
0xc: {  	[smem:$0x3FA4] =	sst s4  }
0xd: {  	[smem:$0x3FA5] =	sst s5  }
0xe: {  	[smem:$0x3FA6] =	sst s6  }
0xf: {  	[smem:$0x3FA7] =	sst s7  }
0x10: {  	[smem:$0x3FA8] =	sst s8  }
0x11: {  	[smem:$0x3FA9] =	sst s9;
	s0 =	simm.s32 @!p0 $0x0  }
0x12: {  	s1 =	sld [smem:$0x3F8F];
	s0 =	simm.s32 @p0 $0x1  }
0x13: {  	[smem:$0x3FAA] =	sst s0;
	s0 =	simm.s32 @!p1 $0x0  }
0x14: {  	s2 =	sld [smem:$0x3F8E];
	s0 =	simm.s32 @p1 $0x1  }
0x15: {  	[smem:$0x3FAB] =	sst s0;
	s0 =	simm.s32 @!p2 $0x0  }
0x16: {  	s3 =	sld [smem:$0x3FDB];
	s0 =	simm.s32 @p2 $0x1  }
0x17: {  	s4 =	simm.s32 $0x1BF5;
	[smem:$0x3FAD] =	sst s0  }
0x18: {  	s0 =	sld [smem:$0x3F90];
	_ =	swait.ge [sflag:s4], $0x0  }
0x19: {  	s7 =	sld [smem:$0x3F91]  }
0x1a: {  	s8 =	sadd.s32 $0xFFFFE003, lr  }
0x1b: {  	s9 =	sadd.s32 $0xFFFFFEF7, lr;
	s5 =	simm.s32 $0xFFFFFFFF;
	p2 =	slt.u32 s8, $0xFFFFF086  }
0x1c: {  	p1 =	slt.u32 s9, $0xF7A;
	s5 =	simm.s32 @!p2 $0x0  }
0x1d: {  	s5 =	simm.s32 @p1 $0x1;
	p0 =	seq.s32 s7, s2  }
0x1e: {  	s7 =	smul.u32 @!p0 $0xF7A, s2;
	p2 =	seq.s32 @!p0 s5, $0x0  }
0x1f: {  	s9 =	smul.u32 $0xF7A, s1;
	s8 =	simm.s32 @!p0 $0x1BF5;
	p2 =	por !p2, p0  }
0x20: {  	[sflag:s8] =	ssyncset.s32 @!p0 $0xFFFFF086;
	s6 =	sadd.s32 @!p0 s3, s7;
	s7 =	simm.s32 @!p0 $0x108  }
0x21: {  	s3 =	sadd.s32 s3, s9;
	s6 =	sadd.s32 @!p0 $0x88, s6;
	s7 =	simm.s32 @p2 $0x1082  }
0x22: {  	[simem:s7], [sflag:s8] =	dma.local @!p0 [hbm:s6], $0xF7A  }
0x23: {  	s9 =	sor.u32 $0xD0000000, s2;
	s6 =	simm.s32 $0x108;
	_ =	swait.ge @!p0 [sflag:s8], $0x0  }
0x24: {  	s3 =	sadd.s32 $0x88, s3;
	s6 =	simm.s32 @!p1 $0x1082;
	[sflag:s4] =	ssyncset.s32 $0xFFFFF086  }
0x25: {  	[simem:s6], [sflag:s4] =	dma.local [hbm:s3], $0xF7A  }
0x26: {  	[smem:$0x3F91] =	sst s1;
	(tag) =	ssettag s2;
	_ =	strace s9  }
0x27: {  	s1 =	sld [smem:$0x3FA1]  }
0x28: {  	s2 =	sld [smem:$0x3FA2]  }
0x29: {  	s4 =	sld [smem:$0x3FA4]  }
0x2a: {  	p0 =	seq.s32 s5, $0x0;
	s5 =	sld [smem:$0x3FA5]  }
0x2b: {  	s6 =	sld [smem:$0x3FA6]  }
0x2c: {  	s7 =	sld [smem:$0x3FA7]  }
0x2d: {  	s3 =	simm.s32 $0x108;
	s8 =	sld [smem:$0x3FA8]  }
0x2e: {  	s3 =	simm.s32 @!p0 $0x1082;
	s9 =	sld [smem:$0x3FA9]  }
0x2f: {  	lr =	sadd.s32 s0, s3;
	s0 =	sld [smem:$0x3FA0]  }
0x30: {  	s3 =	sld [smem:$0x3FA3]  }
0x31: {  	[smem:$0x3FAC] =	sst s10  }
0x32: {  	s10 =	sld [smem:$0x3FAA];
	_ =	sdelay $0x3  }
0x33: {  	p0 =	seq.s32 s10, $0x1;
	s10 =	sld [smem:$0x3FAC];
	_ =	sdelay $0x3  }
0x34: {  	[smem:$0x3FAC] =	sst s10  }
0x35: {  	s10 =	sld [smem:$0x3FAB];
	_ =	sdelay $0x3  }
0x36: {  	p1 =	seq.s32 s10, $0x1;
	s10 =	sld [smem:$0x3FAC];
	_ =	sdelay $0x3  }
0x37: {  	[smem:$0x3FAC] =	sst s10  }
0x38: {  	s10 =	sld [smem:$0x3FAD]  }
0x39: {  	_ = 	snop;
	(pc) =	sbr.ind lr, $3  }
0x3a: {  	_ = 	snop  }
0x3b: {  	_ = 	snop  }
0x3c: {  	p2 =	seq.s32 s10, $0x1;
	s10 =	sld [smem:$0x3FAC]  }
0x3d: {  	_ =	shalt  }
0x3e: {  	_ =	shalt  }
0x3f: {  	_ =	shalt  }
0x40: {  	_ =	shalt  }
0x41: {  	_ =	shalt  }
0x42: {  	_ =	shalt  }
0x43: {  	_ =	shalt  }
0x44: {  	_ =	shalt  }
0x45: {  	_ =	shalt  }
0x46: {  	_ =	shalt  }
0x47: {  	_ =	shalt  }
0x48: {  	_ =	shalt  }
0x49: {  	_ =	shalt  }
0x4a: {  	_ =	shalt  }
0x4b: {  	_ =	shalt  }
0x4c: {  	_ =	shalt  }
0x4d: {  	_ =	shalt  }
0x4e: {  	_ =	shalt  }
0x4f: {  	_ =	shalt  }
0x50: {  	_ =	shalt  }
0x51: {  	_ =	shalt  }
0x52: {  	_ =	shalt  }
0x53: {  	_ =	shalt  }
0x54: {  	_ =	shalt  }
0x55: {  	_ =	shalt  }
0x56: {  	_ =	shalt  }
0x57: {  	_ =	shalt  }
0x58: {  	_ =	shalt  }
0x59: {  	_ =	shalt  }
0x5a: {  	_ =	shalt  }
0x5b: {  	_ =	shalt  }
0x5c: {  	_ =	shalt  }
0x5d: {  	_ =	shalt  }
0x5e: {  	_ =	shalt  }
0x5f: {  	_ =	shalt  }
0x60: {  	_ =	shalt  }
0x61: {  	_ =	shalt  }
0x62: {  	_ =	shalt  }
0x63: {  	_ =	shalt  }
0x64: {  	_ =	shalt  }
0x65: {  	_ =	shalt  }
0x66: {  	_ =	shalt  }
0x67: {  	_ =	shalt  }
0x68: {  	_ =	shalt  }
0x69: {  	_ =	shalt  }
0x6a: {  	_ =	shalt  }
0x6b: {  	_ =	shalt  }
0x6c: {  	_ =	shalt  }
0x6d: {  	_ =	shalt  }
0x6e: {  	_ =	shalt  }
0x6f: {  	_ =	shalt  }
0x70: {  	_ =	shalt  }
0x71: {  	_ =	shalt  }
0x72: {  	_ =	shalt  }
0x73: {  	_ =	shalt  }
0x74: {  	_ =	shalt  }
0x75: {  	_ =	shalt  }
0x76: {  	_ =	shalt  }
0x77: {  	_ =	shalt  }
0x78: {  	_ =	shalt  }
0x79: {  	_ =	shalt  }
0x7a: {  	_ =	shalt  }
0x7b: {  	_ =	shalt  }
0x7c: {  	_ =	shalt  }
0x7d: {  	_ =	shalt  }
0x7e: {  	_ =	shalt  }
0x7f: {  	_ =	shalt  }
0x80: {  	_ =	shalt  }
0x81: {  	_ =	shalt  }
0x82: {  	_ =	shalt  }
0x83: {  	_ =	shalt  }
0x84: {  	_ =	shalt  }
0x85: {  	_ =	shalt  }
0x86: {  	_ =	shalt  }
0x87: {  	_ =	shalt  }
.Lfunc_end0:
.L_simem_size_0:
called_computation.1_lowered:
.L_overlay_start_0:
0x88: {  	s2 =	sld [smem:$0x3FD9]  }
0x89: {  	s3 =	sld [smem:$0x3FFE];
	_ =	sdelay $0x1  }
0x8a: {  	s1 =	srdreg.scid  }
0x8b: {  	s0 =	sand.u32 $0x1, s1  }
0x8c: {  	s17 =	sshll.u32 s0, $0xA;
	s2 =	sadd.s32 s3, s2  }
0x8d: {  	s2 =	sadd.s32 s2, s17  }
0x8e: {  	[smem:$0x3FB8] =	sst s2  }
0x8f: {  	_ = 	snop  }
0x90: {  	s2 =	sld [smem:$0x3FD0];
	(tm) =	ssettm $0x1  }
0x91: {  	s18 =	sld [smem:$0x3FFB];
	_ =	sdelay $0x3  }
0x92: {  	_ =	strace s18  }
0x93: {  	s3 =	sld [smem:$0x3FFC];
	_ =	sdelay $0x3  }
0x94: {  	_ =	strace s3  }
0x95: {  	s3 =	sld [smem:$0x3FFD];
	_ =	sdelay $0x3  }
0x96: {  	_ =	strace s3  }
0x97: {  	_ =	strace $0x8FFFFFFF  }
0x98: {  	s19 =	sld [smem:$0x3FDB];
	_ =	sdelay $0x1  }
0x99: {  	s4 =	simm.s32 $_scs_section_size  }
0x9a: {  	s5 =	simm.s32 $_size__tile_overlayer_lowered;
	s6 =	simm.s32 $_tile_overlayer_lowered  }
0x9b: {  	s22 =	simm.s32 $0x1BFF;
	s21 =	sshll.u32 s6, $0x1;
	s3 =	sadd.s32 s4, s19  }
0x9c: {  	s7 =	simm.s32 $0x0;
	s20 =	sshll.u32 s5, $0x1;
	s5 =	sadd.s32 s21, s3  }
0x9d: {  	[timem:s7], [sflag:s22] =	dma.local [hbm:s5], s20  }
0x9e: {  	_ =	swait.ge [sflag:s22], s20  }
0x9f: {  	s4 =	ssub.s32 $0x0, s20;
	[sflag:s22] =	ssyncset.done $0x0  }
0xa0: {  	[sflag:s22] =	ssyncadd.s32 s4;
	_ =	sdelay $0x1  }
0xa1: {  	s23 =	simm.s32 $0x1B8B  }
0xa2: {  	_ =	swait.ge [sflag:s23], $0x1  }
0xa3: {  	[sflag:s23] =	ssyncset.done $0x0  }
0xa4: {  	s25 =	simm.s32 $0x1B8E;
	s24 =	sld [smem:$0x3FFE];
	[sflag:s23] =	ssyncadd.s32 $0xFFFFFFFF  }
0xa5: {  	s26 =	simm.s32 $execute0_lowered;
	[smem:$0x3FD2] =	sst s25  }
0xa6: {  	s5 =	sshll.u32 s26, $0x1;
	_ =	strace $0x80000049;
	[dreg:$0x1] =	wrdreg $0xFFFFFFFF  }
0xa7: {  	s28 =	simm.s32 $_size_execute0_lowered;
	s3 =	sadd.s32 s3, s5;
	[dreg:$0x0] =	wrdreg $0x0  }
0xa8: {  	s5 =	sshll.u32 s28, $0x1;
	[dreg:$0x2] =	wrdreg s3  }
0xa9: {  	[dreg:$0x3] =	wrdreg s5  }
0xaa: {  	[dreg:$0x4] =	wrdreg $0xC0  }
0xab: {  	_ =	task [dreg:s7], $0x5FFFF  }
0xac: {  	[dreg:$0x1] =	wrdreg $0xFFFFFFFF  }
0xad: {  	[dreg:$0x0] =	wrdreg $0x60  }
0xae: {  	[dreg:$0x2] =	wrdreg s24  }
0xaf: {  	[dreg:$0x3] =	wrdreg s2  }
0xb0: {  	[dreg:$0x4] =	wrdreg $0x0  }
0xb1: {  	[dreg:$0x5] =	wrdreg $0x9  }
0xb2: {  	_ =	task.clear_ibuf [dreg:s7], $0x6FFFF;
	_ =	strace $0x90000049  }
0xb3: {  	s29 =	simm.s32 $0x9;
	_ =	strace $0x8000004B  }
0xb4: {  	_ =	swait.ge [sflag:s29], $0x1  }
0xb5: {  	[sflag:s29] =	ssyncadd.s32 $0xFFFFFFFF  }
0xb6: {  	_ =	strace $0x9000004B  }
0xb7: {  	_ =	sfence  }
0xb8: {  	s30 =	sld [smem:$0x0];
	_ =	sdelay $0x2  }
0xb9: {  	s31 =	sshll.u32 s1, $0xD;
	s1 =	sshrl.u32 s1, $0x2  }
0xba: {  	s3 =	sand.u32 $0x4000, s31;
	s1 =	sadd.s32 s1, s30  }
0xbb: {  	s0 =	sor.u32 s3, s0;
	s1 =	sshll.u32 s1, $0x11  }
0xbc: {  	s0 =	sor.u32 s1, s0  }
0xbd: {  	s0 =	sadd.s32 $0x8F2B, s0  }
0xbe: {  	[sflag:s0] =	ssyncadd.remote.s32 $0x1  }
0xbf: {  	_ =	sfence.sel $0xFFFF  }
0xc0: {  	[dreg:$0x0] =	wrdreg $0xFFFFFFFF;
	(pc) =	sbr.abs _section_cstart, $3  }
0xc1: {  	[dreg:$0x1] =	wrdreg $0xFFFFFFFF  }
0xc2: {  	_ =	task.clear_ibuf [dreg:s7], $0x2FFFF;
	_ =	strace $0x9FFFFFFF  }
0xc3: {  	(tm) =	ssettm $0x7FFFFFFF  }
tec
execute0_lowered:
.L_overlay_start_1:
0x0: {  	(tag) =	ssettag $0x1  }
0x1: {  	s6 =	rddreg [dreg:$0x0]  }
0x2: {  	s1 =	rddreg [dreg:$0x1]  }
0x3: {  	s2 =	rddreg [dreg:$0x2];
	s3 =	srdreg.scid;
	s4 =	simm.s32 $0x0  }
0x4: {  	s18 =	simm.s32 $0x15400;
	s19 =	simm.s32 $0x16800;
	s20 =	simm.s32 $0x1A800  }
0x5: {  	s21 =	simm.s32 $0x1;
	s9 =	sand.u32 $0x1, s3;
	s3 =	stileid.u32  }
0x6: {  	[smem:$0x7FF] =	sst s4;
	s5 =	sadd.s32 $0x22400, s6;
	s7 =	smul.u32 $0x140000, s9  }
0x7: {  	s11 =	sadd.s32 $0x18400, s6;
	s12 =	sadd.s32 $0x4400, s6;
	s8 =	smul.u32 $0x14000, s3  }
0x8: {  	_ =	strace $0x8000004A;
	s22 =	ssub.s32 $0x2, s9;
	s10 =	smul.u32 $0x50000, s3  }
0x9: {  	s25 =	sshll.u32 s3, $0x6;
	s26 =	smul.u32 $0x5000, s3;
	s14 =	sshll.u32 s9, $0x8  }
0xa: {  	s15 =	smul.u32 $0x2800, s9;
	s9 =	sshllo.u32 s9, $0x1;
	s23 =	sshrl.u32 s22, $0x1  }
0xb: {  	s16 =	sshll.u32 s9, $0x7;
	s17 =	smul.u32 $0x1400, s9;
	s7 =	sadd.s32 s8, s7  }
0xc: {  	s8 =	ssub.s32 s22, s23;
	s24 =	sshrl.u32 s10, $0x2;
	s14 =	sor.u32 s26, s14  }
0xd: {  	s28 =	sadd.s32 s26, s15;
	s29 =	sor.u32 s26, s16;
	s16 =	simm.s32 $0x200  }
0xe: {  	s22 =	simm.s32 $0x2;
	s23 =	simm.s32 $0x15380;
	s7 =	sshrl.u32 s7, $0x3  }
0xf: {  	s13 =	sadd.s32 s24, s2;
	s8 =	smax.u32 s8, $0x1;
	s14 =	sshrl.u32 s14, $0x3  }
0x10: {  	s15 =	sshrl.u32 s29, $0x3;
	s30 =	sadd.s32 s26, s17;
	s17 =	simm.s32 $0x14000  }
0x11: {  	s24 =	simm.s32 $0x16700;
	s26 =	simm.s32 $0x0;
	s7 =	sadd.s32 s7, s6  }
0x12: {  	s6 =	sor.u32 $0x1C03, s25;
	s9 =	sadd.s32 s11, s14;
	s14 =	sshrl.u32 s28, $0x3  }
0x13: {  	s11 =	sadd.s32 s11, s15;
	s31 =	sshrl.u32 s30, $0x3;
	s13 =	sshrl.u32 s13, $0x3  }
0x14: {  	s15 =	simm.s32 $0x80;
	s25 =	simm.s32 $0x16780;
	s7 =	sadd.s32 $0x49600, s7  }
0x15: {  	s10 =	sadd.s32 s12, s14;
	s12 =	sadd.s32 s12, s31;
	s14 =	simm.s32 $0x3  }
.LBB2_1:
0x16: {  	[spmem:s13], [sflag:s6] =	dma.local [hbm:s1], $0x2800  }
0x17: {  	_ =	swait.ge [sflag:s14], $0x2800  }
0x18: {  	[sflag:s14] =	ssyncset.done $0x0  }
0x19: {  	[sflag:s14] =	ssyncadd.s32 $0xFFFFD800  }
0x1a: {  	[bflag:$0x0] =	sbarrier.arrive $0xFFFF  }
0x1b: {  	[tilespmem:s17], [sflag:$0x3] =	stream.strided.gather [hbm4b:s9+s15], $0x1400, s16, s15, $0x38;
	[tilespmem:$0x1E800] =	vst v63  }
0x1c: {  	_ =	swait.ge [sflag:s14], $0x1400  }
0x1d: {  	[sflag:s14] =	ssyncset.done $0x0  }
0x1e: {  	[sflag:s14] =	ssyncadd.s32 $0xFFFFEC00  }
0x1f: {  	[tilespmem:s18], [sflag:$0x3] =	stream.linear.gather [hbm4b:s10+s4], $0x1400, $0x38;
	[tilespmem:$0x1E800] =	vst v63  }
0x20: {  	_ =	swait.ge [sflag:s14], $0x1400  }
0x21: {  	[sflag:s14] =	ssyncset.done $0x0  }
0x22: {  	[sflag:s14] =	ssyncadd.s32 $0xFFFFEC00  }
0x23: {  	[tilespmem:s19], [sflag:$0x1] =	stream.indirect.gather [hbm4b:s5+s15], $0x80, s17, s15, $0xb8;
	[tilespmem:$0x1E800] =	vst v63  }
0x24: {  	s28 =	simm.s32 $0x14080  }
0x25: {  	[tilespmem:s20], [sflag:$0x2] =	stream.indirect.gather [hbm4b:s5+s15], $0x80, s28, s15, $0xb8;
	[tilespmem:$0x1E800] =	vst v63  }
0x26: {  	_ =	swait.ge [sflag:s21], $0x4000  }
0x27: {  	[sflag:s21] =	ssyncset.done $0x0  }
0x28: {  	s28 =	simm.s32 $0x15400;
	[sflag:s21] =	ssyncadd.s32 $0xFFFFC000  }
0x29: {  	[spmem:s2] =	stream.indirect.scatter.add.f32 [tilespmem:s19], [sflag:$0x3], $0x80, s28, s15, $0xb8;
	[tilespmem:$0x1E800] =	vst v63  }
0x2a: {  	_ =	swait.ge [sflag:s14], $0x4000  }
0x2b: {  	[sflag:s14] =	ssyncset.done $0x0  }
0x2c: {  	s28 =	simm.s32 $0x14100;
	[sflag:s14] =	ssyncadd.s32 $0xFFFFC000  }
0x2d: {  	[tilespmem:s19], [sflag:$0x1] =	stream.indirect.gather [hbm4b:s5+s15], $0x80, s28, s15, $0xb8;
	[tilespmem:$0x1E800] =	vst v63  }
0x2e: {  	_ =	swait.ge [sflag:s22], $0x4000  }
0x2f: {  	[sflag:s22] =	ssyncset.done $0x0  }
0x30: {  	s28 =	simm.s32 $0x15480;
	[sflag:s22] =	ssyncadd.s32 $0xFFFFC000  }
0x31: {  	[spmem:s2] =	stream.indirect.scatter.add.f32 [tilespmem:s20], [sflag:$0x3], $0x80, s28, s15, $0xb8;
	[tilespmem:$0x1E800] =	vst v63  }
0x32: {  	_ =	swait.ge [sflag:s14], $0x4000  }
0x33: {  	s29 =	simm.s32 $0x800;
	s28 =	simm.s32 $0x100;
	[sflag:s14] =	ssyncset.done $0x0  }
.LBB2_2:
0x34: {  	s30 =	sadd.s32 $0x14080, s28  }
0x35: {  	[sflag:s14] =	ssyncadd.s32 $0xFFFFC000;
	s31 =	smov.u32 s29;
	s0 =	sadd.s32 $0x400, s29  }
0x36: {  	[tilespmem:s20], [sflag:$0x2] =	stream.indirect.gather [hbm4b:s5+s15], $0x80, s30, s15, $0xb8;
	[tilespmem:$0x1E800] =	vst v63  }
0x37: {  	p0 =	sne.s32 s29, $0x4800;
	_ =	swait.ge [sflag:s21], $0x4000  }
0x38: {  	[sflag:s21] =	ssyncset.done $0x0  }
0x39: {  	s29 =	sadd.s32 $0x15400, s28;
	[sflag:s21] =	ssyncadd.s32 $0xFFFFC000  }
0x3a: {  	[spmem:s2] =	stream.indirect.scatter.add.f32 [tilespmem:s19], [sflag:$0x3], $0x80, s29, s15, $0xb8;
	[tilespmem:$0x1E800] =	vst v63  }
0x3b: {  	_ =	swait.ge [sflag:s14], $0x4000  }
0x3c: {  	[sflag:s14] =	ssyncset.done $0x0  }
0x3d: {  	s29 =	sadd.s32 $0x14100, s28;
	[sflag:s14] =	ssyncadd.s32 $0xFFFFC000  }
0x3e: {  	[tilespmem:s19], [sflag:$0x1] =	stream.indirect.gather [hbm4b:s5+s15], $0x80, s29, s15, $0xb8;
	[tilespmem:$0x1E800] =	vst v63  }
0x3f: {  	_ =	swait.ge [sflag:s22], $0x4000  }
.Ltmp0:
0x40: {  	[sflag:s22] =	ssyncset.done $0x0;
	(pc) =	sbr.rel @p0 .LBB2_2-.Ltmp0, $4  }
0x41: {  	s28 =	sadd.s32 $0x15480, s28;
	[sflag:s22] =	ssyncadd.s32 $0xFFFFC000  }
0x42: {  	[spmem:s2] =	stream.indirect.scatter.add.f32 [tilespmem:s20], [sflag:$0x3], $0x80, s28, s15, $0xb8;
	[tilespmem:$0x1E800] =	vst v63  }
0x43: {  	_ =	swait.ge [sflag:s14], $0x4000  }
0x44: {  	s29 =	smov.u32 s0;
	s28 =	sshra.s32 s31, $0x2;
	[sflag:s14] =	ssyncset.done $0x0  }
0x45: {  	s0 =	sadd.s32 $0x14080, s28;
	[sflag:s14] =	ssyncadd.s32 $0xFFFFC000  }
0x46: {  	[tilespmem:s20], [sflag:$0x2] =	stream.indirect.gather [hbm4b:s5+s15], $0x80, s0, s15, $0xb8;
	[tilespmem:$0x1E800] =	vst v63  }
0x47: {  	_ =	swait.ge [sflag:s21], $0x4000  }
0x48: {  	[sflag:s21] =	ssyncset.done $0x0  }
0x49: {  	s30 =	sadd.s32 $0x15400, s28;
	[sflag:s21] =	ssyncadd.s32 $0xFFFFC000  }
0x4a: {  	[spmem:s2] =	stream.indirect.scatter.add.f32 [tilespmem:s19], [sflag:$0x3], $0x80, s30, s15, $0xb8;
	[tilespmem:$0x1E800] =	vst v63  }
0x4b: {  	_ =	swait.ge [sflag:s14], $0x4000  }
0x4c: {  	[sflag:s14] =	ssyncset.done $0x0  }
0x4d: {  	s31 =	sadd.s32 $0x14100, s28;
	[sflag:s14] =	ssyncadd.s32 $0xFFFFC000  }
0x4e: {  	[tilespmem:s19], [sflag:$0x1] =	stream.indirect.gather [hbm4b:s5+s15], $0x80, s31, s15, $0xb8;
	[tilespmem:$0x1E800] =	vst v63  }
0x4f: {  	_ =	swait.ge [sflag:s22], $0x4000  }
0x50: {  	[sflag:s22] =	ssyncset.done $0x0  }
0x51: {  	s30 =	sadd.s32 $0x15480, s28;
	[sflag:s22] =	ssyncadd.s32 $0xFFFFC000  }
0x52: {  	[spmem:s2] =	stream.indirect.scatter.add.f32 [tilespmem:s20], [sflag:$0x3], $0x80, s30, s15, $0xb8;
	[tilespmem:$0x1E800] =	vst v63  }
0x53: {  	_ =	swait.ge [sflag:s14], $0x4000  }
0x54: {  	[sflag:s14] =	ssyncset.done $0x0  }
0x55: {  	[sflag:s14] =	ssyncadd.s32 $0xFFFFC000  }
0x56: {  	[tilespmem:s20], [sflag:$0x2] =	stream.indirect.gather [hbm4b:s5+s15], $0x80, s23, s15, $0xb8;
	[tilespmem:$0x1E800] =	vst v63  }
0x57: {  	_ =	swait.ge [sflag:s21], $0x4000  }
0x58: {  	[sflag:s21] =	ssyncset.done $0x0  }
0x59: {  	[sflag:s21] =	ssyncadd.s32 $0xFFFFC000  }
0x5a: {  	[spmem:s2] =	stream.indirect.scatter.add.f32 [tilespmem:s19], [sflag:$0x3], $0x80, s24, s15, $0xb8;
	[tilespmem:$0x1E800] =	vst v63  }
0x5b: {  	_ =	swait.ge [sflag:s14], $0x4000  }
0x5c: {  	[sflag:s14] =	ssyncset.done $0x0  }
0x5d: {  	[sflag:s14] =	ssyncadd.s32 $0xFFFFC000  }
0x5e: {  	_ =	swait.ge [sflag:s22], $0x4000  }
0x5f: {  	[sflag:s22] =	ssyncset.done $0x0  }
0x60: {  	[sflag:s22] =	ssyncadd.s32 $0xFFFFC000  }
0x61: {  	[spmem:s2] =	stream.indirect.scatter.add.f32 [tilespmem:s20], [sflag:$0x3], $0x80, s25, s15, $0xb8;
	[tilespmem:$0x1E800] =	vst v63  }
0x62: {  	_ =	swait.ge [sflag:s14], $0x4000  }
0x63: {  	[sflag:s14] =	ssyncset.done $0x0  }
0x64: {  	[sflag:s14] =	ssyncadd.s32 $0xFFFFC000  }
0x65: {  	[tilespmem:s17], [sflag:$0x3] =	stream.strided.gather [hbm4b:s11+s15], $0x1400, s16, s15, $0x38;
	[tilespmem:$0x1E800] =	vst v63  }
0x66: {  	_ =	swait.ge [sflag:s14], $0x1400  }
0x67: {  	[sflag:s14] =	ssyncset.done $0x0  }
0x68: {  	s31 =	simm.s32 $0x0;
	[sflag:s14] =	ssyncadd.s32 $0xFFFFEC00  }
0x69: {  	[tilespmem:s18], [sflag:$0x3] =	stream.linear.gather [hbm4b:s12+s31], $0x1400, $0x38;
	[tilespmem:$0x1E800] =	vst v63  }
0x6a: {  	_ =	swait.ge [sflag:s14], $0x1400  }
0x6b: {  	[sflag:s14] =	ssyncset.done $0x0  }
0x6c: {  	[sflag:s14] =	ssyncadd.s32 $0xFFFFEC00  }
0x6d: {  	[tilespmem:s19], [sflag:$0x1] =	stream.indirect.gather [hbm4b:s5+s15], $0x80, s17, s15, $0xb8;
	[tilespmem:$0x1E800] =	vst v63  }
0x6e: {  	s30 =	simm.s32 $0x14080  }
0x6f: {  	[tilespmem:s20], [sflag:$0x2] =	stream.indirect.gather [hbm4b:s5+s15], $0x80, s30, s15, $0xb8;
	[tilespmem:$0x1E800] =	vst v63  }
0x70: {  	_ =	swait.ge [sflag:s21], $0x4000  }
0x71: {  	[sflag:s21] =	ssyncset.done $0x0  }
0x72: {  	s31 =	simm.s32 $0x15400;
	[sflag:s21] =	ssyncadd.s32 $0xFFFFC000  }
0x73: {  	[spmem:s2] =	stream.indirect.scatter.add.f32 [tilespmem:s19], [sflag:$0x3], $0x80, s31, s15, $0xb8;
	[tilespmem:$0x1E800] =	vst v63  }
0x74: {  	_ =	swait.ge [sflag:s14], $0x4000  }
0x75: {  	[sflag:s14] =	ssyncset.done $0x0  }
0x76: {  	s30 =	simm.s32 $0x14100;
	[sflag:s14] =	ssyncadd.s32 $0xFFFFC000  }
0x77: {  	[tilespmem:s19], [sflag:$0x1] =	stream.indirect.gather [hbm4b:s5+s15], $0x80, s30, s15, $0xb8;
	[tilespmem:$0x1E800] =	vst v63  }
0x78: {  	_ =	swait.ge [sflag:s22], $0x4000  }
0x79: {  	[sflag:s22] =	ssyncset.done $0x0  }
0x7a: {  	s31 =	simm.s32 $0x15480;
	[sflag:s22] =	ssyncadd.s32 $0xFFFFC000  }
0x7b: {  	[spmem:s2] =	stream.indirect.scatter.add.f32 [tilespmem:s20], [sflag:$0x3], $0x80, s31, s15, $0xb8;
	[tilespmem:$0x1E800] =	vst v63  }
0x7c: {  	_ =	swait.ge [sflag:s14], $0x4000  }
0x7d: {  	s29 =	simm.s32 $0x800;
	s28 =	simm.s32 $0x100;
	[sflag:s14] =	ssyncset.done $0x0  }
.LBB2_4:
0x7e: {  	s0 =	sadd.s32 $0x14080, s28  }
0x7f: {  	[sflag:s14] =	ssyncadd.s32 $0xFFFFC000;
	s30 =	smov.u32 s29;
	s31 =	sadd.s32 $0x400, s29  }
0x80: {  	[tilespmem:s20], [sflag:$0x2] =	stream.indirect.gather [hbm4b:s5+s15], $0x80, s0, s15, $0xb8;
	[tilespmem:$0x1E800] =	vst v63  }
0x81: {  	p0 =	sne.s32 s29, $0x4800;
	_ =	swait.ge [sflag:s21], $0x4000  }
0x82: {  	[sflag:s21] =	ssyncset.done $0x0  }
0x83: {  	s0 =	sadd.s32 $0x15400, s28;
	[sflag:s21] =	ssyncadd.s32 $0xFFFFC000  }
0x84: {  	[spmem:s2] =	stream.indirect.scatter.add.f32 [tilespmem:s19], [sflag:$0x3], $0x80, s0, s15, $0xb8;
	[tilespmem:$0x1E800] =	vst v63  }
0x85: {  	_ =	swait.ge [sflag:s14], $0x4000  }
0x86: {  	[sflag:s14] =	ssyncset.done $0x0  }
0x87: {  	s0 =	sadd.s32 $0x14100, s28;
	[sflag:s14] =	ssyncadd.s32 $0xFFFFC000  }
0x88: {  	[tilespmem:s19], [sflag:$0x1] =	stream.indirect.gather [hbm4b:s5+s15], $0x80, s0, s15, $0xb8;
	[tilespmem:$0x1E800] =	vst v63  }
0x89: {  	_ =	swait.ge [sflag:s22], $0x4000  }
.Ltmp1:
0x8a: {  	[sflag:s22] =	ssyncset.done $0x0;
	(pc) =	sbr.rel @p0 .LBB2_4-.Ltmp1, $4  }
0x8b: {  	s0 =	sadd.s32 $0x15480, s28;
	[sflag:s22] =	ssyncadd.s32 $0xFFFFC000  }
0x8c: {  	[spmem:s2] =	stream.indirect.scatter.add.f32 [tilespmem:s20], [sflag:$0x3], $0x80, s0, s15, $0xb8;
	[tilespmem:$0x1E800] =	vst v63  }
0x8d: {  	_ =	swait.ge [sflag:s14], $0x4000  }
0x8e: {  	s29 =	smov.u32 s31;
	s28 =	sshra.s32 s30, $0x2;
	[sflag:s14] =	ssyncset.done $0x0  }
0x8f: {  	s0 =	sadd.s32 $0x14080, s28;
	[sflag:s14] =	ssyncadd.s32 $0xFFFFC000  }
0x90: {  	[tilespmem:s20], [sflag:$0x2] =	stream.indirect.gather [hbm4b:s5+s15], $0x80, s0, s15, $0xb8;
	[tilespmem:$0x1E800] =	vst v63  }
0x91: {  	_ =	swait.ge [sflag:s21], $0x4000  }
0x92: {  	[sflag:s21] =	ssyncset.done $0x0  }
0x93: {  	s29 =	sadd.s32 $0x15400, s28;
	[sflag:s21] =	ssyncadd.s32 $0xFFFFC000  }
0x94: {  	[spmem:s2] =	stream.indirect.scatter.add.f32 [tilespmem:s19], [sflag:$0x3], $0x80, s29, s15, $0xb8;
	[tilespmem:$0x1E800] =	vst v63  }
0x95: {  	_ =	swait.ge [sflag:s14], $0x4000  }
0x96: {  	[sflag:s14] =	ssyncset.done $0x0  }
0x97: {  	s30 =	sadd.s32 $0x14100, s28;
	[sflag:s14] =	ssyncadd.s32 $0xFFFFC000  }
0x98: {  	[tilespmem:s19], [sflag:$0x1] =	stream.indirect.gather [hbm4b:s5+s15], $0x80, s30, s15, $0xb8;
	[tilespmem:$0x1E800] =	vst v63  }
0x99: {  	_ =	swait.ge [sflag:s22], $0x4000  }
0x9a: {  	[sflag:s22] =	ssyncset.done $0x0  }
0x9b: {  	s31 =	sadd.s32 $0x15480, s28;
	[sflag:s22] =	ssyncadd.s32 $0xFFFFC000  }
0x9c: {  	[spmem:s2] =	stream.indirect.scatter.add.f32 [tilespmem:s20], [sflag:$0x3], $0x80, s31, s15, $0xb8;
	[tilespmem:$0x1E800] =	vst v63  }
0x9d: {  	_ =	swait.ge [sflag:s14], $0x4000  }
0x9e: {  	[sflag:s14] =	ssyncset.done $0x0  }
0x9f: {  	[sflag:s14] =	ssyncadd.s32 $0xFFFFC000  }
0xa0: {  	[tilespmem:s20], [sflag:$0x2] =	stream.indirect.gather [hbm4b:s5+s15], $0x80, s23, s15, $0xb8;
	[tilespmem:$0x1E800] =	vst v63  }
0xa1: {  	_ =	swait.ge [sflag:s21], $0x4000  }
0xa2: {  	[sflag:s21] =	ssyncset.done $0x0  }
0xa3: {  	[sflag:s21] =	ssyncadd.s32 $0xFFFFC000  }
0xa4: {  	[spmem:s2] =	stream.indirect.scatter.add.f32 [tilespmem:s19], [sflag:$0x3], $0x80, s24, s15, $0xb8;
	[tilespmem:$0x1E800] =	vst v63  }
0xa5: {  	_ =	swait.ge [sflag:s14], $0x4000  }
0xa6: {  	[sflag:s14] =	ssyncset.done $0x0  }
0xa7: {  	[sflag:s14] =	ssyncadd.s32 $0xFFFFC000  }
0xa8: {  	_ =	swait.ge [sflag:s22], $0x4000  }
0xa9: {  	[sflag:s22] =	ssyncset.done $0x0  }
0xaa: {  	[sflag:s22] =	ssyncadd.s32 $0xFFFFC000  }
0xab: {  	[spmem:s2] =	stream.indirect.scatter.add.f32 [tilespmem:s20], [sflag:$0x3], $0x80, s25, s15, $0xb8;
	[tilespmem:$0x1E800] =	vst v63  }
0xac: {  	_ =	swait.ge [sflag:s14], $0x4000  }
0xad: {  	s26 =	sadd.s32 $0x1, s26;
	[sflag:s14] =	ssyncset.done $0x0  }
0xae: {  	p0 =	sne.s32 s26, s8;
	[sflag:s14] =	ssyncadd.s32 $0xFFFFC000  }
.Ltmp2:
0xaf: {  	[bflag:$0x0] =	sbarrier.arrive $0xFFFF;
	(pc) =	sbr.rel @p0 .LBB2_1-.Ltmp2, $4  }
0xb0: {  	[hbm:s7], [sflag:s6] =	dma.local [spmem:s13], $0x2800  }
0xb1: {  	_ =	swait.ge [sflag:s14], $0x2800  }
0xb2: {  	[sflag:s14] =	ssyncset.done $0x0  }
0xb3: {  	[sflag:s14] =	ssyncadd.s32 $0xFFFFD800  }
0xb4: {  	_ =	sfence.sel $0x180000  }
0xb5: {  	[bflag:$0x0] =	sbarrier.arrive $0xFFFF  }
0xb6: {  	_ =	strace $0x9000004A  }
0xb7: {  	[bflag:$0x2] =	sbarrier.arrive $0xFFFF  }
0xb8: {  	p0 =	sne.s32 s3, $0x0;
	s0 =	rddreg [dreg:$0x3]  }
0xb9: {  	s0 =	sadd.s32 @!p0 $0x100000, s0  }
0xba: {  	[sflag:s0] =	ssyncadd.tile.s32 @!p0 $0x1;
	_ =	shalt  }
.Lfunc_end2:
_tile_overlayer_lowered:
.L_overlay_start_2:
0xbb: {  	(tag) =	ssettag $0x2  }
0xbc: {  	s0 =	rddreg [dreg:$0x0];
	s2 =	stileid.u32  }
0xbd: {  	s1 =	rddreg [dreg:$0x1];
	p0 =	sne.s32 s2, $0x0  }
0xbe: {  	s3 =	rddreg [dreg:$0x2];
	[bflag:$0x3] =	sbarrier.arrive $0xFFFF;
	s2 =	simm.s32 @!p0 $0x1C03  }
0xbf: {  	[timem:s3], [sflag:s2] =	dma.local @!p0 [hbm:s0], s1  }
0xc0: {  	s0 =	simm.s32 @!p0 $0x3  }
0xc1: {  	_ =	swait.ge @!p0 [sflag:s0], s1  }
0xc2: {  	s1 =	ssub.s32 @!p0 $0x0, s1;
	[sflag:s0] =	ssyncset.done @!p0 $0x0  }
0xc3: {  	[sflag:s0] =	ssyncadd.s32 @!p0 s1  }
0xc4: {  	[bflag:$0x3] =	sbarrier.arrive $0xFFFF  }
0xc5: {  	_ =	shalt  }

// kernel: kernel.16.cloned.1.call-start
scs
__scs_entry_jumppad:
0x0: {  	(pc) =	sbr.rel $0x88, $3  }
0x1: {  	(tag) =	ssettag $0x0;
	lr =	simm.s32 $0x1  }
0x2: {  	[smem:$0x3F91] =	sst lr;
	_ =	strace $0xD0000000  }
0x3: {  	_ = 	snop  }
0x4: {  	_ = 	snop  }
0x5: {  	_ = 	snop  }
0x6: {  	_ = 	snop  }
0x7: {  	_ = 	snop  }
__scs_overlays_trampoline_lowered:
0x8: {  	[smem:$0x3FA0] =	sst s0  }
0x9: {  	[smem:$0x3FA1] =	sst s1  }
0xa: {  	[smem:$0x3FA2] =	sst s2  }
0xb: {  	[smem:$0x3FA3] =	sst s3  }
0xc: {  	[smem:$0x3FA4] =	sst s4  }
0xd: {  	[smem:$0x3FA5] =	sst s5  }
0xe: {  	[smem:$0x3FA6] =	sst s6  }
0xf: {  	[smem:$0x3FA7] =	sst s7  }
0x10: {  	[smem:$0x3FA8] =	sst s8  }
0x11: {  	[smem:$0x3FA9] =	sst s9;
	s0 =	simm.s32 @!p0 $0x0  }
0x12: {  	s1 =	sld [smem:$0x3F8F];
	s0 =	simm.s32 @p0 $0x1  }
0x13: {  	[smem:$0x3FAA] =	sst s0;
	s0 =	simm.s32 @!p1 $0x0  }
0x14: {  	s2 =	sld [smem:$0x3F8E];
	s0 =	simm.s32 @p1 $0x1  }
0x15: {  	[smem:$0x3FAB] =	sst s0;
	s0 =	simm.s32 @!p2 $0x0  }
0x16: {  	s3 =	sld [smem:$0x3FDB];
	s0 =	simm.s32 @p2 $0x1  }
0x17: {  	s4 =	simm.s32 $0x1BF5;
	[smem:$0x3FAD] =	sst s0  }
0x18: {  	s0 =	sld [smem:$0x3F90];
	_ =	swait.ge [sflag:s4], $0x0  }
0x19: {  	s7 =	sld [smem:$0x3F91]  }
0x1a: {  	s8 =	sadd.s32 $0xFFFFE003, lr  }
0x1b: {  	s9 =	sadd.s32 $0xFFFFFEF7, lr;
	s5 =	simm.s32 $0xFFFFFFFF;
	p2 =	slt.u32 s8, $0xFFFFF086  }
0x1c: {  	p1 =	slt.u32 s9, $0xF7A;
	s5 =	simm.s32 @!p2 $0x0  }
0x1d: {  	s5 =	simm.s32 @p1 $0x1;
	p0 =	seq.s32 s7, s2  }
0x1e: {  	s7 =	smul.u32 @!p0 $0xF7A, s2;
	p2 =	seq.s32 @!p0 s5, $0x0  }
0x1f: {  	s9 =	smul.u32 $0xF7A, s1;
	s8 =	simm.s32 @!p0 $0x1BF5;
	p2 =	por !p2, p0  }
0x20: {  	[sflag:s8] =	ssyncset.s32 @!p0 $0xFFFFF086;
	s6 =	sadd.s32 @!p0 s3, s7;
	s7 =	simm.s32 @!p0 $0x108  }
0x21: {  	s3 =	sadd.s32 s3, s9;
	s6 =	sadd.s32 @!p0 $0x88, s6;
	s7 =	simm.s32 @p2 $0x1082  }
0x22: {  	[simem:s7], [sflag:s8] =	dma.local @!p0 [hbm:s6], $0xF7A  }
0x23: {  	s9 =	sor.u32 $0xD0000000, s2;
	s6 =	simm.s32 $0x108;
	_ =	swait.ge @!p0 [sflag:s8], $0x0  }
0x24: {  	s3 =	sadd.s32 $0x88, s3;
	s6 =	simm.s32 @!p1 $0x1082;
	[sflag:s4] =	ssyncset.s32 $0xFFFFF086  }
0x25: {  	[simem:s6], [sflag:s4] =	dma.local [hbm:s3], $0xF7A  }
0x26: {  	[smem:$0x3F91] =	sst s1;
	(tag) =	ssettag s2;
	_ =	strace s9  }
0x27: {  	s1 =	sld [smem:$0x3FA1]  }
0x28: {  	s2 =	sld [smem:$0x3FA2]  }
0x29: {  	s4 =	sld [smem:$0x3FA4]  }
0x2a: {  	p0 =	seq.s32 s5, $0x0;
	s5 =	sld [smem:$0x3FA5]  }
0x2b: {  	s6 =	sld [smem:$0x3FA6]  }
0x2c: {  	s7 =	sld [smem:$0x3FA7]  }
0x2d: {  	s3 =	simm.s32 $0x108;
	s8 =	sld [smem:$0x3FA8]  }
0x2e: {  	s3 =	simm.s32 @!p0 $0x1082;
	s9 =	sld [smem:$0x3FA9]  }
0x2f: {  	lr =	sadd.s32 s0, s3;
	s0 =	sld [smem:$0x3FA0]  }
0x30: {  	s3 =	sld [smem:$0x3FA3]  }
0x31: {  	[smem:$0x3FAC] =	sst s10  }
0x32: {  	s10 =	sld [smem:$0x3FAA];
	_ =	sdelay $0x3  }
0x33: {  	p0 =	seq.s32 s10, $0x1;
	s10 =	sld [smem:$0x3FAC];
	_ =	sdelay $0x3  }
0x34: {  	[smem:$0x3FAC] =	sst s10  }
0x35: {  	s10 =	sld [smem:$0x3FAB];
	_ =	sdelay $0x3  }
0x36: {  	p1 =	seq.s32 s10, $0x1;
	s10 =	sld [smem:$0x3FAC];
	_ =	sdelay $0x3  }
0x37: {  	[smem:$0x3FAC] =	sst s10  }
0x38: {  	s10 =	sld [smem:$0x3FAD]  }
0x39: {  	_ = 	snop;
	(pc) =	sbr.ind lr, $3  }
0x3a: {  	_ = 	snop  }
0x3b: {  	_ = 	snop  }
0x3c: {  	p2 =	seq.s32 s10, $0x1;
	s10 =	sld [smem:$0x3FAC]  }
0x3d: {  	_ =	shalt  }
0x3e: {  	_ =	shalt  }
0x3f: {  	_ =	shalt  }
0x40: {  	_ =	shalt  }
0x41: {  	_ =	shalt  }
0x42: {  	_ =	shalt  }
0x43: {  	_ =	shalt  }
0x44: {  	_ =	shalt  }
0x45: {  	_ =	shalt  }
0x46: {  	_ =	shalt  }
0x47: {  	_ =	shalt  }
0x48: {  	_ =	shalt  }
0x49: {  	_ =	shalt  }
0x4a: {  	_ =	shalt  }
0x4b: {  	_ =	shalt  }
0x4c: {  	_ =	shalt  }
0x4d: {  	_ =	shalt  }
0x4e: {  	_ =	shalt  }
0x4f: {  	_ =	shalt  }
0x50: {  	_ =	shalt  }
0x51: {  	_ =	shalt  }
0x52: {  	_ =	shalt  }
0x53: {  	_ =	shalt  }
0x54: {  	_ =	shalt  }
0x55: {  	_ =	shalt  }
0x56: {  	_ =	shalt  }
0x57: {  	_ =	shalt  }
0x58: {  	_ =	shalt  }
0x59: {  	_ =	shalt  }
0x5a: {  	_ =	shalt  }
0x5b: {  	_ =	shalt  }
0x5c: {  	_ =	shalt  }
0x5d: {  	_ =	shalt  }
0x5e: {  	_ =	shalt  }
0x5f: {  	_ =	shalt  }
0x60: {  	_ =	shalt  }
0x61: {  	_ =	shalt  }
0x62: {  	_ =	shalt  }
0x63: {  	_ =	shalt  }
0x64: {  	_ =	shalt  }
0x65: {  	_ =	shalt  }
0x66: {  	_ =	shalt  }
0x67: {  	_ =	shalt  }
0x68: {  	_ =	shalt  }
0x69: {  	_ =	shalt  }
0x6a: {  	_ =	shalt  }
0x6b: {  	_ =	shalt  }
0x6c: {  	_ =	shalt  }
0x6d: {  	_ =	shalt  }
0x6e: {  	_ =	shalt  }
0x6f: {  	_ =	shalt  }
0x70: {  	_ =	shalt  }
0x71: {  	_ =	shalt  }
0x72: {  	_ =	shalt  }
0x73: {  	_ =	shalt  }
0x74: {  	_ =	shalt  }
0x75: {  	_ =	shalt  }
0x76: {  	_ =	shalt  }
0x77: {  	_ =	shalt  }
0x78: {  	_ =	shalt  }
0x79: {  	_ =	shalt  }
0x7a: {  	_ =	shalt  }
0x7b: {  	_ =	shalt  }
0x7c: {  	_ =	shalt  }
0x7d: {  	_ =	shalt  }
0x7e: {  	_ =	shalt  }
0x7f: {  	_ =	shalt  }
0x80: {  	_ =	shalt  }
0x81: {  	_ =	shalt  }
0x82: {  	_ =	shalt  }
0x83: {  	_ =	shalt  }
0x84: {  	_ =	shalt  }
0x85: {  	_ =	shalt  }
0x86: {  	_ =	shalt  }
0x87: {  	_ =	shalt  }
.Lfunc_end0:
.L_simem_size_0:
called_computation.2_lowered:
.L_overlay_start_0:
0x88: {  	s2 =	sld [smem:$0x3FD9]  }
0x89: {  	s3 =	sld [smem:$0x3FFE];
	_ =	sdelay $0x1  }
0x8a: {  	s1 =	srdreg.scid  }
0x8b: {  	s0 =	sand.u32 $0x1, s1  }
0x8c: {  	s17 =	sshll.u32 s0, $0xA;
	s2 =	sadd.s32 s3, s2  }
0x8d: {  	s2 =	sadd.s32 s2, s17  }
0x8e: {  	[smem:$0x3FB8] =	sst s2  }
0x8f: {  	_ = 	snop  }
0x90: {  	s2 =	sld [smem:$0x3FD0];
	(tm) =	ssettm $0x1  }
0x91: {  	s18 =	sld [smem:$0x3FFB];
	_ =	sdelay $0x3  }
0x92: {  	_ =	strace s18  }
0x93: {  	s3 =	sld [smem:$0x3FFC];
	_ =	sdelay $0x3  }
0x94: {  	_ =	strace s3  }
0x95: {  	s3 =	sld [smem:$0x3FFD];
	_ =	sdelay $0x3  }
0x96: {  	_ =	strace s3  }
0x97: {  	_ =	strace $0x8FFFFFFF  }
0x98: {  	s19 =	sld [smem:$0x3FDB];
	_ =	sdelay $0x1  }
0x99: {  	s4 =	simm.s32 $_scs_section_size  }
0x9a: {  	s5 =	simm.s32 $_size__tile_overlayer_lowered;
	s6 =	simm.s32 $_tile_overlayer_lowered  }
0x9b: {  	s22 =	simm.s32 $0x1BFF;
	s21 =	sshll.u32 s6, $0x1;
	s3 =	sadd.s32 s4, s19  }
0x9c: {  	s7 =	simm.s32 $0x0;
	s20 =	sshll.u32 s5, $0x1;
	s5 =	sadd.s32 s21, s3  }
0x9d: {  	[timem:s7], [sflag:s22] =	dma.local [hbm:s5], s20  }
0x9e: {  	_ =	swait.ge [sflag:s22], s20  }
0x9f: {  	s4 =	ssub.s32 $0x0, s20;
	[sflag:s22] =	ssyncset.done $0x0  }
0xa0: {  	[sflag:s22] =	ssyncadd.s32 s4;
	_ =	sdelay $0x1  }
0xa1: {  	s23 =	simm.s32 $0x1B8B  }
0xa2: {  	_ =	swait.ge [sflag:s23], $0x1  }
0xa3: {  	[sflag:s23] =	ssyncset.done $0x0  }
0xa4: {  	s25 =	simm.s32 $0x1B8E;
	s24 =	sld [smem:$0x3FFE];
	[sflag:s23] =	ssyncadd.s32 $0xFFFFFFFF  }
0xa5: {  	s26 =	simm.s32 $execute0_lowered;
	[smem:$0x3FD2] =	sst s25  }
0xa6: {  	s5 =	sshll.u32 s26, $0x1;
	_ =	strace $0x8000004C;
	[dreg:$0x1] =	wrdreg $0xFFFFFFFF  }
0xa7: {  	s28 =	simm.s32 $_size_execute0_lowered;
	s3 =	sadd.s32 s3, s5;
	[dreg:$0x0] =	wrdreg $0x0  }
0xa8: {  	s5 =	sshll.u32 s28, $0x1;
	[dreg:$0x2] =	wrdreg s3  }
0xa9: {  	[dreg:$0x3] =	wrdreg s5  }
0xaa: {  	[dreg:$0x4] =	wrdreg $0xC0  }
0xab: {  	_ =	task [dreg:s7], $0x5FFFF  }
0xac: {  	[dreg:$0x1] =	wrdreg $0xFFFFFFFF  }
0xad: {  	[dreg:$0x0] =	wrdreg $0x60  }
0xae: {  	[dreg:$0x2] =	wrdreg s24  }
0xaf: {  	[dreg:$0x3] =	wrdreg s2  }
0xb0: {  	[dreg:$0x4] =	wrdreg $0x0  }
0xb1: {  	[dreg:$0x5] =	wrdreg $0x9  }
0xb2: {  	_ =	task.clear_ibuf [dreg:s7], $0x6FFFF;
	_ =	strace $0x9000004C  }
0xb3: {  	s29 =	simm.s32 $0x9;
	_ =	strace $0x8000004E  }
0xb4: {  	_ =	swait.ge [sflag:s29], $0x1  }
0xb5: {  	[sflag:s29] =	ssyncadd.s32 $0xFFFFFFFF  }
0xb6: {  	_ =	strace $0x9000004E  }
0xb7: {  	_ =	sfence  }
0xb8: {  	s30 =	sld [smem:$0x0];
	_ =	sdelay $0x2  }
0xb9: {  	s31 =	sshll.u32 s1, $0xD;
	s1 =	sshrl.u32 s1, $0x2  }
0xba: {  	s3 =	sand.u32 $0x4000, s31;
	s1 =	sadd.s32 s1, s30  }
0xbb: {  	s0 =	sor.u32 s3, s0;
	s1 =	sshll.u32 s1, $0x11  }
0xbc: {  	s0 =	sor.u32 s1, s0  }
0xbd: {  	s0 =	sadd.s32 $0x8F2B, s0  }
0xbe: {  	[sflag:s0] =	ssyncadd.remote.s32 $0x1  }
0xbf: {  	_ =	sfence.sel $0xFFFF  }
0xc0: {  	[dreg:$0x0] =	wrdreg $0xFFFFFFFF;
	(pc) =	sbr.abs _section_cstart, $3  }
0xc1: {  	[dreg:$0x1] =	wrdreg $0xFFFFFFFF  }
0xc2: {  	_ =	task.clear_ibuf [dreg:s7], $0x2FFFF;
	_ =	strace $0x9FFFFFFF  }
0xc3: {  	(tm) =	ssettm $0x7FFFFFFF  }
tec
execute0_lowered:
.L_overlay_start_1:
0x0: {  	(tag) =	ssettag $0x1  }
0x1: {  	s6 =	rddreg [dreg:$0x0]  }
0x2: {  	s1 =	rddreg [dreg:$0x1]  }
0x3: {  	s2 =	rddreg [dreg:$0x2];
	s3 =	srdreg.scid;
	s4 =	simm.s32 $0x0  }
0x4: {  	s18 =	simm.s32 $0x15400;
	s19 =	simm.s32 $0x16800;
	s20 =	simm.s32 $0x1A800  }
0x5: {  	s21 =	simm.s32 $0x1;
	s9 =	sand.u32 $0x1, s3;
	s3 =	stileid.u32  }
0x6: {  	[smem:$0x7FF] =	sst s4;
	s5 =	sadd.s32 $0x22400, s6;
	s7 =	smul.u32 $0x140000, s9  }
0x7: {  	s11 =	sadd.s32 $0x18400, s6;
	s12 =	sadd.s32 $0x4400, s6;
	s8 =	smul.u32 $0x14000, s3  }
0x8: {  	_ =	strace $0x8000004D;
	s22 =	ssub.s32 $0x2, s9;
	s10 =	smul.u32 $0x50000, s3  }
0x9: {  	s25 =	sshll.u32 s3, $0x6;
	s26 =	smul.u32 $0x5000, s3;
	s14 =	sshll.u32 s9, $0x8  }
0xa: {  	s15 =	smul.u32 $0x2800, s9;
	s9 =	sshllo.u32 s9, $0x1;
	s23 =	sshrl.u32 s22, $0x1  }
0xb: {  	s16 =	sshll.u32 s9, $0x7;
	s17 =	smul.u32 $0x1400, s9;
	s7 =	sadd.s32 s8, s7  }
0xc: {  	s8 =	ssub.s32 s22, s23;
	s24 =	sshrl.u32 s10, $0x2;
	s14 =	sor.u32 s26, s14  }
0xd: {  	s28 =	sadd.s32 s26, s15;
	s29 =	sor.u32 s26, s16;
	s16 =	simm.s32 $0x200  }
0xe: {  	s22 =	simm.s32 $0x2;
	s23 =	simm.s32 $0x15380;
	s7 =	sshrl.u32 s7, $0x3  }
0xf: {  	s13 =	sadd.s32 s24, s2;
	s8 =	smax.u32 s8, $0x1;
	s14 =	sshrl.u32 s14, $0x3  }
0x10: {  	s15 =	sshrl.u32 s29, $0x3;
	s30 =	sadd.s32 s26, s17;
	s17 =	simm.s32 $0x14000  }
0x11: {  	s24 =	simm.s32 $0x16700;
	s26 =	simm.s32 $0x0;
	s7 =	sadd.s32 s7, s6  }
0x12: {  	s6 =	sor.u32 $0x1C03, s25;
	s9 =	sadd.s32 s11, s14;
	s14 =	sshrl.u32 s28, $0x3  }
0x13: {  	s11 =	sadd.s32 s11, s15;
	s31 =	sshrl.u32 s30, $0x3;
	s13 =	sshrl.u32 s13, $0x3  }
0x14: {  	s15 =	simm.s32 $0x80;
	s25 =	simm.s32 $0x16780;
	s7 =	sadd.s32 $0x49600, s7  }
0x15: {  	s10 =	sadd.s32 s12, s14;
	s12 =	sadd.s32 s12, s31;
	s14 =	simm.s32 $0x3  }
.LBB2_1:
0x16: {  	[spmem:s13], [sflag:s6] =	dma.local [hbm:s1], $0x2800  }
0x17: {  	_ =	swait.ge [sflag:s14], $0x2800  }
0x18: {  	[sflag:s14] =	ssyncset.done $0x0  }
0x19: {  	[sflag:s14] =	ssyncadd.s32 $0xFFFFD800  }
0x1a: {  	[bflag:$0x0] =	sbarrier.arrive $0xFFFF  }
0x1b: {  	[tilespmem:s17], [sflag:$0x3] =	stream.strided.gather [hbm4b:s9+s15], $0x1400, s16, s15, $0x38;
	[tilespmem:$0x1E800] =	vst v63  }
0x1c: {  	_ =	swait.ge [sflag:s14], $0x1400  }
0x1d: {  	[sflag:s14] =	ssyncset.done $0x0  }
0x1e: {  	[sflag:s14] =	ssyncadd.s32 $0xFFFFEC00  }
0x1f: {  	[tilespmem:s18], [sflag:$0x3] =	stream.linear.gather [hbm4b:s10+s4], $0x1400, $0x38;
	[tilespmem:$0x1E800] =	vst v63  }
0x20: {  	_ =	swait.ge [sflag:s14], $0x1400  }
0x21: {  	[sflag:s14] =	ssyncset.done $0x0  }
0x22: {  	[sflag:s14] =	ssyncadd.s32 $0xFFFFEC00  }
0x23: {  	[tilespmem:s19], [sflag:$0x1] =	stream.indirect.gather [hbm4b:s5+s15], $0x80, s17, s15, $0xb8;
	[tilespmem:$0x1E800] =	vst v63  }
0x24: {  	s28 =	simm.s32 $0x14080  }
0x25: {  	[tilespmem:s20], [sflag:$0x2] =	stream.indirect.gather [hbm4b:s5+s15], $0x80, s28, s15, $0xb8;
	[tilespmem:$0x1E800] =	vst v63  }
0x26: {  	_ =	swait.ge [sflag:s21], $0x4000  }
0x27: {  	[sflag:s21] =	ssyncset.done $0x0  }
0x28: {  	s28 =	simm.s32 $0x15400;
	[sflag:s21] =	ssyncadd.s32 $0xFFFFC000  }
0x29: {  	[spmem:s2] =	stream.indirect.scatter.add.f32 [tilespmem:s19], [sflag:$0x3], $0x80, s28, s15, $0xb8;
	[tilespmem:$0x1E800] =	vst v63  }
0x2a: {  	_ =	swait.ge [sflag:s14], $0x4000  }
0x2b: {  	[sflag:s14] =	ssyncset.done $0x0  }
0x2c: {  	s28 =	simm.s32 $0x14100;
	[sflag:s14] =	ssyncadd.s32 $0xFFFFC000  }
0x2d: {  	[tilespmem:s19], [sflag:$0x1] =	stream.indirect.gather [hbm4b:s5+s15], $0x80, s28, s15, $0xb8;
	[tilespmem:$0x1E800] =	vst v63  }
0x2e: {  	_ =	swait.ge [sflag:s22], $0x4000  }
0x2f: {  	[sflag:s22] =	ssyncset.done $0x0  }
0x30: {  	s28 =	simm.s32 $0x15480;
	[sflag:s22] =	ssyncadd.s32 $0xFFFFC000  }
0x31: {  	[spmem:s2] =	stream.indirect.scatter.add.f32 [tilespmem:s20], [sflag:$0x3], $0x80, s28, s15, $0xb8;
	[tilespmem:$0x1E800] =	vst v63  }
0x32: {  	_ =	swait.ge [sflag:s14], $0x4000  }
0x33: {  	s29 =	simm.s32 $0x800;
	s28 =	simm.s32 $0x100;
	[sflag:s14] =	ssyncset.done $0x0  }
.LBB2_2:
0x34: {  	s30 =	sadd.s32 $0x14080, s28  }
0x35: {  	[sflag:s14] =	ssyncadd.s32 $0xFFFFC000;
	s31 =	smov.u32 s29;
	s0 =	sadd.s32 $0x400, s29  }
0x36: {  	[tilespmem:s20], [sflag:$0x2] =	stream.indirect.gather [hbm4b:s5+s15], $0x80, s30, s15, $0xb8;
	[tilespmem:$0x1E800] =	vst v63  }
0x37: {  	p0 =	sne.s32 s29, $0x4800;
	_ =	swait.ge [sflag:s21], $0x4000  }
0x38: {  	[sflag:s21] =	ssyncset.done $0x0  }
0x39: {  	s29 =	sadd.s32 $0x15400, s28;
	[sflag:s21] =	ssyncadd.s32 $0xFFFFC000  }
0x3a: {  	[spmem:s2] =	stream.indirect.scatter.add.f32 [tilespmem:s19], [sflag:$0x3], $0x80, s29, s15, $0xb8;
	[tilespmem:$0x1E800] =	vst v63  }
0x3b: {  	_ =	swait.ge [sflag:s14], $0x4000  }
0x3c: {  	[sflag:s14] =	ssyncset.done $0x0  }
0x3d: {  	s29 =	sadd.s32 $0x14100, s28;
	[sflag:s14] =	ssyncadd.s32 $0xFFFFC000  }
0x3e: {  	[tilespmem:s19], [sflag:$0x1] =	stream.indirect.gather [hbm4b:s5+s15], $0x80, s29, s15, $0xb8;
	[tilespmem:$0x1E800] =	vst v63  }
0x3f: {  	_ =	swait.ge [sflag:s22], $0x4000  }
.Ltmp0:
0x40: {  	[sflag:s22] =	ssyncset.done $0x0;
	(pc) =	sbr.rel @p0 .LBB2_2-.Ltmp0, $4  }
0x41: {  	s28 =	sadd.s32 $0x15480, s28;
	[sflag:s22] =	ssyncadd.s32 $0xFFFFC000  }
0x42: {  	[spmem:s2] =	stream.indirect.scatter.add.f32 [tilespmem:s20], [sflag:$0x3], $0x80, s28, s15, $0xb8;
	[tilespmem:$0x1E800] =	vst v63  }
0x43: {  	_ =	swait.ge [sflag:s14], $0x4000  }
0x44: {  	s29 =	smov.u32 s0;
	s28 =	sshra.s32 s31, $0x2;
	[sflag:s14] =	ssyncset.done $0x0  }
0x45: {  	s0 =	sadd.s32 $0x14080, s28;
	[sflag:s14] =	ssyncadd.s32 $0xFFFFC000  }
0x46: {  	[tilespmem:s20], [sflag:$0x2] =	stream.indirect.gather [hbm4b:s5+s15], $0x80, s0, s15, $0xb8;
	[tilespmem:$0x1E800] =	vst v63  }
0x47: {  	_ =	swait.ge [sflag:s21], $0x4000  }
0x48: {  	[sflag:s21] =	ssyncset.done $0x0  }
0x49: {  	s30 =	sadd.s32 $0x15400, s28;
	[sflag:s21] =	ssyncadd.s32 $0xFFFFC000  }
0x4a: {  	[spmem:s2] =	stream.indirect.scatter.add.f32 [tilespmem:s19], [sflag:$0x3], $0x80, s30, s15, $0xb8;
	[tilespmem:$0x1E800] =	vst v63  }
0x4b: {  	_ =	swait.ge [sflag:s14], $0x4000  }
0x4c: {  	[sflag:s14] =	ssyncset.done $0x0  }
0x4d: {  	s31 =	sadd.s32 $0x14100, s28;
	[sflag:s14] =	ssyncadd.s32 $0xFFFFC000  }
0x4e: {  	[tilespmem:s19], [sflag:$0x1] =	stream.indirect.gather [hbm4b:s5+s15], $0x80, s31, s15, $0xb8;
	[tilespmem:$0x1E800] =	vst v63  }
0x4f: {  	_ =	swait.ge [sflag:s22], $0x4000  }
0x50: {  	[sflag:s22] =	ssyncset.done $0x0  }
0x51: {  	s30 =	sadd.s32 $0x15480, s28;
	[sflag:s22] =	ssyncadd.s32 $0xFFFFC000  }
0x52: {  	[spmem:s2] =	stream.indirect.scatter.add.f32 [tilespmem:s20], [sflag:$0x3], $0x80, s30, s15, $0xb8;
	[tilespmem:$0x1E800] =	vst v63  }
0x53: {  	_ =	swait.ge [sflag:s14], $0x4000  }
0x54: {  	[sflag:s14] =	ssyncset.done $0x0  }
0x55: {  	[sflag:s14] =	ssyncadd.s32 $0xFFFFC000  }
0x56: {  	[tilespmem:s20], [sflag:$0x2] =	stream.indirect.gather [hbm4b:s5+s15], $0x80, s23, s15, $0xb8;
	[tilespmem:$0x1E800] =	vst v63  }
0x57: {  	_ =	swait.ge [sflag:s21], $0x4000  }
0x58: {  	[sflag:s21] =	ssyncset.done $0x0  }
0x59: {  	[sflag:s21] =	ssyncadd.s32 $0xFFFFC000  }
0x5a: {  	[spmem:s2] =	stream.indirect.scatter.add.f32 [tilespmem:s19], [sflag:$0x3], $0x80, s24, s15, $0xb8;
	[tilespmem:$0x1E800] =	vst v63  }
0x5b: {  	_ =	swait.ge [sflag:s14], $0x4000  }
0x5c: {  	[sflag:s14] =	ssyncset.done $0x0  }
0x5d: {  	[sflag:s14] =	ssyncadd.s32 $0xFFFFC000  }
0x5e: {  	_ =	swait.ge [sflag:s22], $0x4000  }
0x5f: {  	[sflag:s22] =	ssyncset.done $0x0  }
0x60: {  	[sflag:s22] =	ssyncadd.s32 $0xFFFFC000  }
0x61: {  	[spmem:s2] =	stream.indirect.scatter.add.f32 [tilespmem:s20], [sflag:$0x3], $0x80, s25, s15, $0xb8;
	[tilespmem:$0x1E800] =	vst v63  }
0x62: {  	_ =	swait.ge [sflag:s14], $0x4000  }
0x63: {  	[sflag:s14] =	ssyncset.done $0x0  }
0x64: {  	[sflag:s14] =	ssyncadd.s32 $0xFFFFC000  }
0x65: {  	[tilespmem:s17], [sflag:$0x3] =	stream.strided.gather [hbm4b:s11+s15], $0x1400, s16, s15, $0x38;
	[tilespmem:$0x1E800] =	vst v63  }
0x66: {  	_ =	swait.ge [sflag:s14], $0x1400  }
0x67: {  	[sflag:s14] =	ssyncset.done $0x0  }
0x68: {  	s31 =	simm.s32 $0x0;
	[sflag:s14] =	ssyncadd.s32 $0xFFFFEC00  }
0x69: {  	[tilespmem:s18], [sflag:$0x3] =	stream.linear.gather [hbm4b:s12+s31], $0x1400, $0x38;
	[tilespmem:$0x1E800] =	vst v63  }
0x6a: {  	_ =	swait.ge [sflag:s14], $0x1400  }
0x6b: {  	[sflag:s14] =	ssyncset.done $0x0  }
0x6c: {  	[sflag:s14] =	ssyncadd.s32 $0xFFFFEC00  }
0x6d: {  	[tilespmem:s19], [sflag:$0x1] =	stream.indirect.gather [hbm4b:s5+s15], $0x80, s17, s15, $0xb8;
	[tilespmem:$0x1E800] =	vst v63  }
0x6e: {  	s30 =	simm.s32 $0x14080  }
0x6f: {  	[tilespmem:s20], [sflag:$0x2] =	stream.indirect.gather [hbm4b:s5+s15], $0x80, s30, s15, $0xb8;
	[tilespmem:$0x1E800] =	vst v63  }
0x70: {  	_ =	swait.ge [sflag:s21], $0x4000  }
0x71: {  	[sflag:s21] =	ssyncset.done $0x0  }
0x72: {  	s31 =	simm.s32 $0x15400;
	[sflag:s21] =	ssyncadd.s32 $0xFFFFC000  }
0x73: {  	[spmem:s2] =	stream.indirect.scatter.add.f32 [tilespmem:s19], [sflag:$0x3], $0x80, s31, s15, $0xb8;
	[tilespmem:$0x1E800] =	vst v63  }
0x74: {  	_ =	swait.ge [sflag:s14], $0x4000  }
0x75: {  	[sflag:s14] =	ssyncset.done $0x0  }
0x76: {  	s30 =	simm.s32 $0x14100;
	[sflag:s14] =	ssyncadd.s32 $0xFFFFC000  }
0x77: {  	[tilespmem:s19], [sflag:$0x1] =	stream.indirect.gather [hbm4b:s5+s15], $0x80, s30, s15, $0xb8;
	[tilespmem:$0x1E800] =	vst v63  }
0x78: {  	_ =	swait.ge [sflag:s22], $0x4000  }
0x79: {  	[sflag:s22] =	ssyncset.done $0x0  }
0x7a: {  	s31 =	simm.s32 $0x15480;
	[sflag:s22] =	ssyncadd.s32 $0xFFFFC000  }
0x7b: {  	[spmem:s2] =	stream.indirect.scatter.add.f32 [tilespmem:s20], [sflag:$0x3], $0x80, s31, s15, $0xb8;
	[tilespmem:$0x1E800] =	vst v63  }
0x7c: {  	_ =	swait.ge [sflag:s14], $0x4000  }
0x7d: {  	s29 =	simm.s32 $0x800;
	s28 =	simm.s32 $0x100;
	[sflag:s14] =	ssyncset.done $0x0  }
.LBB2_4:
0x7e: {  	s0 =	sadd.s32 $0x14080, s28  }
0x7f: {  	[sflag:s14] =	ssyncadd.s32 $0xFFFFC000;
	s30 =	smov.u32 s29;
	s31 =	sadd.s32 $0x400, s29  }
0x80: {  	[tilespmem:s20], [sflag:$0x2] =	stream.indirect.gather [hbm4b:s5+s15], $0x80, s0, s15, $0xb8;
	[tilespmem:$0x1E800] =	vst v63  }
0x81: {  	p0 =	sne.s32 s29, $0x4800;
	_ =	swait.ge [sflag:s21], $0x4000  }
0x82: {  	[sflag:s21] =	ssyncset.done $0x0  }
0x83: {  	s0 =	sadd.s32 $0x15400, s28;
	[sflag:s21] =	ssyncadd.s32 $0xFFFFC000  }
0x84: {  	[spmem:s2] =	stream.indirect.scatter.add.f32 [tilespmem:s19], [sflag:$0x3], $0x80, s0, s15, $0xb8;
	[tilespmem:$0x1E800] =	vst v63  }
0x85: {  	_ =	swait.ge [sflag:s14], $0x4000  }
0x86: {  	[sflag:s14] =	ssyncset.done $0x0  }
0x87: {  	s0 =	sadd.s32 $0x14100, s28;
	[sflag:s14] =	ssyncadd.s32 $0xFFFFC000  }
0x88: {  	[tilespmem:s19], [sflag:$0x1] =	stream.indirect.gather [hbm4b:s5+s15], $0x80, s0, s15, $0xb8;
	[tilespmem:$0x1E800] =	vst v63  }
0x89: {  	_ =	swait.ge [sflag:s22], $0x4000  }
.Ltmp1:
0x8a: {  	[sflag:s22] =	ssyncset.done $0x0;
	(pc) =	sbr.rel @p0 .LBB2_4-.Ltmp1, $4  }
0x8b: {  	s0 =	sadd.s32 $0x15480, s28;
	[sflag:s22] =	ssyncadd.s32 $0xFFFFC000  }
0x8c: {  	[spmem:s2] =	stream.indirect.scatter.add.f32 [tilespmem:s20], [sflag:$0x3], $0x80, s0, s15, $0xb8;
	[tilespmem:$0x1E800] =	vst v63  }
0x8d: {  	_ =	swait.ge [sflag:s14], $0x4000  }
0x8e: {  	s29 =	smov.u32 s31;
	s28 =	sshra.s32 s30, $0x2;
	[sflag:s14] =	ssyncset.done $0x0  }
0x8f: {  	s0 =	sadd.s32 $0x14080, s28;
	[sflag:s14] =	ssyncadd.s32 $0xFFFFC000  }
0x90: {  	[tilespmem:s20], [sflag:$0x2] =	stream.indirect.gather [hbm4b:s5+s15], $0x80, s0, s15, $0xb8;
	[tilespmem:$0x1E800] =	vst v63  }
0x91: {  	_ =	swait.ge [sflag:s21], $0x4000  }
0x92: {  	[sflag:s21] =	ssyncset.done $0x0  }
0x93: {  	s29 =	sadd.s32 $0x15400, s28;
	[sflag:s21] =	ssyncadd.s32 $0xFFFFC000  }
0x94: {  	[spmem:s2] =	stream.indirect.scatter.add.f32 [tilespmem:s19], [sflag:$0x3], $0x80, s29, s15, $0xb8;
	[tilespmem:$0x1E800] =	vst v63  }
0x95: {  	_ =	swait.ge [sflag:s14], $0x4000  }
0x96: {  	[sflag:s14] =	ssyncset.done $0x0  }
0x97: {  	s30 =	sadd.s32 $0x14100, s28;
	[sflag:s14] =	ssyncadd.s32 $0xFFFFC000  }
0x98: {  	[tilespmem:s19], [sflag:$0x1] =	stream.indirect.gather [hbm4b:s5+s15], $0x80, s30, s15, $0xb8;
	[tilespmem:$0x1E800] =	vst v63  }
0x99: {  	_ =	swait.ge [sflag:s22], $0x4000  }
0x9a: {  	[sflag:s22] =	ssyncset.done $0x0  }
0x9b: {  	s31 =	sadd.s32 $0x15480, s28;
	[sflag:s22] =	ssyncadd.s32 $0xFFFFC000  }
0x9c: {  	[spmem:s2] =	stream.indirect.scatter.add.f32 [tilespmem:s20], [sflag:$0x3], $0x80, s31, s15, $0xb8;
	[tilespmem:$0x1E800] =	vst v63  }
0x9d: {  	_ =	swait.ge [sflag:s14], $0x4000  }
0x9e: {  	[sflag:s14] =	ssyncset.done $0x0  }
0x9f: {  	[sflag:s14] =	ssyncadd.s32 $0xFFFFC000  }
0xa0: {  	[tilespmem:s20], [sflag:$0x2] =	stream.indirect.gather [hbm4b:s5+s15], $0x80, s23, s15, $0xb8;
	[tilespmem:$0x1E800] =	vst v63  }
0xa1: {  	_ =	swait.ge [sflag:s21], $0x4000  }
0xa2: {  	[sflag:s21] =	ssyncset.done $0x0  }
0xa3: {  	[sflag:s21] =	ssyncadd.s32 $0xFFFFC000  }
0xa4: {  	[spmem:s2] =	stream.indirect.scatter.add.f32 [tilespmem:s19], [sflag:$0x3], $0x80, s24, s15, $0xb8;
	[tilespmem:$0x1E800] =	vst v63  }
0xa5: {  	_ =	swait.ge [sflag:s14], $0x4000  }
0xa6: {  	[sflag:s14] =	ssyncset.done $0x0  }
0xa7: {  	[sflag:s14] =	ssyncadd.s32 $0xFFFFC000  }
0xa8: {  	_ =	swait.ge [sflag:s22], $0x4000  }
0xa9: {  	[sflag:s22] =	ssyncset.done $0x0  }
0xaa: {  	[sflag:s22] =	ssyncadd.s32 $0xFFFFC000  }
0xab: {  	[spmem:s2] =	stream.indirect.scatter.add.f32 [tilespmem:s20], [sflag:$0x3], $0x80, s25, s15, $0xb8;
	[tilespmem:$0x1E800] =	vst v63  }
0xac: {  	_ =	swait.ge [sflag:s14], $0x4000  }
0xad: {  	s26 =	sadd.s32 $0x1, s26;
	[sflag:s14] =	ssyncset.done $0x0  }
0xae: {  	p0 =	sne.s32 s26, s8;
	[sflag:s14] =	ssyncadd.s32 $0xFFFFC000  }
.Ltmp2:
0xaf: {  	[bflag:$0x0] =	sbarrier.arrive $0xFFFF;
	(pc) =	sbr.rel @p0 .LBB2_1-.Ltmp2, $4  }
0xb0: {  	[hbm:s7], [sflag:s6] =	dma.local [spmem:s13], $0x2800  }
0xb1: {  	_ =	swait.ge [sflag:s14], $0x2800  }
0xb2: {  	[sflag:s14] =	ssyncset.done $0x0  }
0xb3: {  	[sflag:s14] =	ssyncadd.s32 $0xFFFFD800  }
0xb4: {  	_ =	sfence.sel $0x180000  }
0xb5: {  	[bflag:$0x0] =	sbarrier.arrive $0xFFFF  }
0xb6: {  	_ =	strace $0x9000004D  }
0xb7: {  	[bflag:$0x2] =	sbarrier.arrive $0xFFFF  }
0xb8: {  	p0 =	sne.s32 s3, $0x0;
	s0 =	rddreg [dreg:$0x3]  }
0xb9: {  	s0 =	sadd.s32 @!p0 $0x100000, s0  }
0xba: {  	[sflag:s0] =	ssyncadd.tile.s32 @!p0 $0x1;
	_ =	shalt  }
.Lfunc_end2:
_tile_overlayer_lowered:
.L_overlay_start_2:
0xbb: {  	(tag) =	ssettag $0x2  }
0xbc: {  	s0 =	rddreg [dreg:$0x0];
	s2 =	stileid.u32  }
0xbd: {  	s1 =	rddreg [dreg:$0x1];
	p0 =	sne.s32 s2, $0x0  }
0xbe: {  	s3 =	rddreg [dreg:$0x2];
	[bflag:$0x3] =	sbarrier.arrive $0xFFFF;
	s2 =	simm.s32 @!p0 $0x1C03  }
0xbf: {  	[timem:s3], [sflag:s2] =	dma.local @!p0 [hbm:s0], s1  }
0xc0: {  	s0 =	simm.s32 @!p0 $0x3  }
0xc1: {  	_ =	swait.ge @!p0 [sflag:s0], s1  }
0xc2: {  	s1 =	ssub.s32 @!p0 $0x0, s1;
	[sflag:s0] =	ssyncset.done @!p0 $0x0  }
0xc3: {  	[sflag:s0] =	ssyncadd.s32 @!p0 s1  }
0xc4: {  	[bflag:$0x3] =	sbarrier.arrive $0xFFFF  }
0xc5: {  	_ =	shalt  }

// kernel: kernel.19.cloned.1.call-start
scs
__scs_entry_jumppad:
0x0: {  	(pc) =	sbr.rel $0x88, $3  }
0x1: {  	(tag) =	ssettag $0x0;
	lr =	simm.s32 $0x1  }
0x2: {  	[smem:$0x3F91] =	sst lr;
	_ =	strace $0xD0000000  }
0x3: {  	_ = 	snop  }
0x4: {  	_ = 	snop  }
0x5: {  	_ = 	snop  }
0x6: {  	_ = 	snop  }
0x7: {  	_ = 	snop  }
__scs_overlays_trampoline_lowered:
0x8: {  	[smem:$0x3FA0] =	sst s0  }
0x9: {  	[smem:$0x3FA1] =	sst s1  }
0xa: {  	[smem:$0x3FA2] =	sst s2  }
0xb: {  	[smem:$0x3FA3] =	sst s3  }
0xc: {  	[smem:$0x3FA4] =	sst s4  }
0xd: {  	[smem:$0x3FA5] =	sst s5  }
0xe: {  	[smem:$0x3FA6] =	sst s6  }
0xf: {  	[smem:$0x3FA7] =	sst s7  }
0x10: {  	[smem:$0x3FA8] =	sst s8  }
0x11: {  	[smem:$0x3FA9] =	sst s9;
	s0 =	simm.s32 @!p0 $0x0  }
0x12: {  	s1 =	sld [smem:$0x3F8F];
	s0 =	simm.s32 @p0 $0x1  }
0x13: {  	[smem:$0x3FAA] =	sst s0;
	s0 =	simm.s32 @!p1 $0x0  }
0x14: {  	s2 =	sld [smem:$0x3F8E];
	s0 =	simm.s32 @p1 $0x1  }
0x15: {  	[smem:$0x3FAB] =	sst s0;
	s0 =	simm.s32 @!p2 $0x0  }
0x16: {  	s3 =	sld [smem:$0x3FDB];
	s0 =	simm.s32 @p2 $0x1  }
0x17: {  	s4 =	simm.s32 $0x1BF5;
	[smem:$0x3FAD] =	sst s0  }
0x18: {  	s0 =	sld [smem:$0x3F90];
	_ =	swait.ge [sflag:s4], $0x0  }
0x19: {  	s7 =	sld [smem:$0x3F91]  }
0x1a: {  	s8 =	sadd.s32 $0xFFFFE003, lr  }
0x1b: {  	s9 =	sadd.s32 $0xFFFFFEF7, lr;
	s5 =	simm.s32 $0xFFFFFFFF;
	p2 =	slt.u32 s8, $0xFFFFF086  }
0x1c: {  	p1 =	slt.u32 s9, $0xF7A;
	s5 =	simm.s32 @!p2 $0x0  }
0x1d: {  	s5 =	simm.s32 @p1 $0x1;
	p0 =	seq.s32 s7, s2  }
0x1e: {  	s7 =	smul.u32 @!p0 $0xF7A, s2;
	p2 =	seq.s32 @!p0 s5, $0x0  }
0x1f: {  	s9 =	smul.u32 $0xF7A, s1;
	s8 =	simm.s32 @!p0 $0x1BF5;
	p2 =	por !p2, p0  }
0x20: {  	[sflag:s8] =	ssyncset.s32 @!p0 $0xFFFFF086;
	s6 =	sadd.s32 @!p0 s3, s7;
	s7 =	simm.s32 @!p0 $0x108  }
0x21: {  	s3 =	sadd.s32 s3, s9;
	s6 =	sadd.s32 @!p0 $0x88, s6;
	s7 =	simm.s32 @p2 $0x1082  }
0x22: {  	[simem:s7], [sflag:s8] =	dma.local @!p0 [hbm:s6], $0xF7A  }
0x23: {  	s9 =	sor.u32 $0xD0000000, s2;
	s6 =	simm.s32 $0x108;
	_ =	swait.ge @!p0 [sflag:s8], $0x0  }
0x24: {  	s3 =	sadd.s32 $0x88, s3;
	s6 =	simm.s32 @!p1 $0x1082;
	[sflag:s4] =	ssyncset.s32 $0xFFFFF086  }
0x25: {  	[simem:s6], [sflag:s4] =	dma.local [hbm:s3], $0xF7A  }
0x26: {  	[smem:$0x3F91] =	sst s1;
	(tag) =	ssettag s2;
	_ =	strace s9  }
0x27: {  	s1 =	sld [smem:$0x3FA1]  }
0x28: {  	s2 =	sld [smem:$0x3FA2]  }
0x29: {  	s4 =	sld [smem:$0x3FA4]  }
0x2a: {  	p0 =	seq.s32 s5, $0x0;
	s5 =	sld [smem:$0x3FA5]  }
0x2b: {  	s6 =	sld [smem:$0x3FA6]  }
0x2c: {  	s7 =	sld [smem:$0x3FA7]  }
0x2d: {  	s3 =	simm.s32 $0x108;
	s8 =	sld [smem:$0x3FA8]  }
0x2e: {  	s3 =	simm.s32 @!p0 $0x1082;
	s9 =	sld [smem:$0x3FA9]  }
0x2f: {  	lr =	sadd.s32 s0, s3;
	s0 =	sld [smem:$0x3FA0]  }
0x30: {  	s3 =	sld [smem:$0x3FA3]  }
0x31: {  	[smem:$0x3FAC] =	sst s10  }
0x32: {  	s10 =	sld [smem:$0x3FAA];
	_ =	sdelay $0x3  }
0x33: {  	p0 =	seq.s32 s10, $0x1;
	s10 =	sld [smem:$0x3FAC];
	_ =	sdelay $0x3  }
0x34: {  	[smem:$0x3FAC] =	sst s10  }
0x35: {  	s10 =	sld [smem:$0x3FAB];
	_ =	sdelay $0x3  }
0x36: {  	p1 =	seq.s32 s10, $0x1;
	s10 =	sld [smem:$0x3FAC];
	_ =	sdelay $0x3  }
0x37: {  	[smem:$0x3FAC] =	sst s10  }
0x38: {  	s10 =	sld [smem:$0x3FAD]  }
0x39: {  	_ = 	snop;
	(pc) =	sbr.ind lr, $3  }
0x3a: {  	_ = 	snop  }
0x3b: {  	_ = 	snop  }
0x3c: {  	p2 =	seq.s32 s10, $0x1;
	s10 =	sld [smem:$0x3FAC]  }
0x3d: {  	_ =	shalt  }
0x3e: {  	_ =	shalt  }
0x3f: {  	_ =	shalt  }
0x40: {  	_ =	shalt  }
0x41: {  	_ =	shalt  }
0x42: {  	_ =	shalt  }
0x43: {  	_ =	shalt  }
0x44: {  	_ =	shalt  }
0x45: {  	_ =	shalt  }
0x46: {  	_ =	shalt  }
0x47: {  	_ =	shalt  }
0x48: {  	_ =	shalt  }
0x49: {  	_ =	shalt  }
0x4a: {  	_ =	shalt  }
0x4b: {  	_ =	shalt  }
0x4c: {  	_ =	shalt  }
0x4d: {  	_ =	shalt  }
0x4e: {  	_ =	shalt  }
0x4f: {  	_ =	shalt  }
0x50: {  	_ =	shalt  }
0x51: {  	_ =	shalt  }
0x52: {  	_ =	shalt  }
0x53: {  	_ =	shalt  }
0x54: {  	_ =	shalt  }
0x55: {  	_ =	shalt  }
0x56: {  	_ =	shalt  }
0x57: {  	_ =	shalt  }
0x58: {  	_ =	shalt  }
0x59: {  	_ =	shalt  }
0x5a: {  	_ =	shalt  }
0x5b: {  	_ =	shalt  }
0x5c: {  	_ =	shalt  }
0x5d: {  	_ =	shalt  }
0x5e: {  	_ =	shalt  }
0x5f: {  	_ =	shalt  }
0x60: {  	_ =	shalt  }
0x61: {  	_ =	shalt  }
0x62: {  	_ =	shalt  }
0x63: {  	_ =	shalt  }
0x64: {  	_ =	shalt  }
0x65: {  	_ =	shalt  }
0x66: {  	_ =	shalt  }
0x67: {  	_ =	shalt  }
0x68: {  	_ =	shalt  }
0x69: {  	_ =	shalt  }
0x6a: {  	_ =	shalt  }
0x6b: {  	_ =	shalt  }
0x6c: {  	_ =	shalt  }
0x6d: {  	_ =	shalt  }
0x6e: {  	_ =	shalt  }
0x6f: {  	_ =	shalt  }
0x70: {  	_ =	shalt  }
0x71: {  	_ =	shalt  }
0x72: {  	_ =	shalt  }
0x73: {  	_ =	shalt  }
0x74: {  	_ =	shalt  }
0x75: {  	_ =	shalt  }
0x76: {  	_ =	shalt  }
0x77: {  	_ =	shalt  }
0x78: {  	_ =	shalt  }
0x79: {  	_ =	shalt  }
0x7a: {  	_ =	shalt  }
0x7b: {  	_ =	shalt  }
0x7c: {  	_ =	shalt  }
0x7d: {  	_ =	shalt  }
0x7e: {  	_ =	shalt  }
0x7f: {  	_ =	shalt  }
0x80: {  	_ =	shalt  }
0x81: {  	_ =	shalt  }
0x82: {  	_ =	shalt  }
0x83: {  	_ =	shalt  }
0x84: {  	_ =	shalt  }
0x85: {  	_ =	shalt  }
0x86: {  	_ =	shalt  }
0x87: {  	_ =	shalt  }
.Lfunc_end0:
.L_simem_size_0:
called_computation.3_lowered:
.L_overlay_start_0:
0x88: {  	s2 =	sld [smem:$0x3FD9]  }
0x89: {  	s3 =	sld [smem:$0x3FFE];
	_ =	sdelay $0x1  }
0x8a: {  	s1 =	srdreg.scid  }
0x8b: {  	s0 =	sand.u32 $0x1, s1  }
0x8c: {  	s17 =	sshll.u32 s0, $0xA;
	s2 =	sadd.s32 s3, s2  }
0x8d: {  	s2 =	sadd.s32 s2, s17  }
0x8e: {  	[smem:$0x3FB8] =	sst s2  }
0x8f: {  	_ = 	snop  }
0x90: {  	s2 =	sld [smem:$0x3FD0];
	(tm) =	ssettm $0x1  }
0x91: {  	s18 =	sld [smem:$0x3FFB];
	_ =	sdelay $0x3  }
0x92: {  	_ =	strace s18  }
0x93: {  	s3 =	sld [smem:$0x3FFC];
	_ =	sdelay $0x3  }
0x94: {  	_ =	strace s3  }
0x95: {  	s3 =	sld [smem:$0x3FFD];
	_ =	sdelay $0x3  }
0x96: {  	_ =	strace s3  }
0x97: {  	_ =	strace $0x8FFFFFFF  }
0x98: {  	s19 =	sld [smem:$0x3FDB];
	_ =	sdelay $0x1  }
0x99: {  	s4 =	simm.s32 $_scs_section_size  }
0x9a: {  	s5 =	simm.s32 $_size__tile_overlayer_lowered;
	s6 =	simm.s32 $_tile_overlayer_lowered  }
0x9b: {  	s22 =	simm.s32 $0x1BFF;
	s21 =	sshll.u32 s6, $0x1;
	s3 =	sadd.s32 s4, s19  }
0x9c: {  	s7 =	simm.s32 $0x0;
	s20 =	sshll.u32 s5, $0x1;
	s5 =	sadd.s32 s21, s3  }
0x9d: {  	[timem:s7], [sflag:s22] =	dma.local [hbm:s5], s20  }
0x9e: {  	_ =	swait.ge [sflag:s22], s20  }
0x9f: {  	s4 =	ssub.s32 $0x0, s20;
	[sflag:s22] =	ssyncset.done $0x0  }
0xa0: {  	[sflag:s22] =	ssyncadd.s32 s4;
	_ =	sdelay $0x1  }
0xa1: {  	s23 =	simm.s32 $0x1B8B  }
0xa2: {  	_ =	swait.ge [sflag:s23], $0x1  }
0xa3: {  	[sflag:s23] =	ssyncset.done $0x0  }
0xa4: {  	s25 =	simm.s32 $0x1B8E;
	s24 =	sld [smem:$0x3FFE];
	[sflag:s23] =	ssyncadd.s32 $0xFFFFFFFF  }
0xa5: {  	s26 =	simm.s32 $execute0_lowered;
	[smem:$0x3FD2] =	sst s25  }
0xa6: {  	s5 =	sshll.u32 s26, $0x1;
	_ =	strace $0x8000004F;
	[dreg:$0x1] =	wrdreg $0xFFFFFFFF  }
0xa7: {  	s28 =	simm.s32 $_size_execute0_lowered;
	s3 =	sadd.s32 s3, s5;
	[dreg:$0x0] =	wrdreg $0x0  }
0xa8: {  	s5 =	sshll.u32 s28, $0x1;
	[dreg:$0x2] =	wrdreg s3  }
0xa9: {  	[dreg:$0x3] =	wrdreg s5  }
0xaa: {  	[dreg:$0x4] =	wrdreg $0xC0  }
0xab: {  	_ =	task [dreg:s7], $0x5FFFF  }
0xac: {  	[dreg:$0x1] =	wrdreg $0xFFFFFFFF  }
0xad: {  	[dreg:$0x0] =	wrdreg $0x60  }
0xae: {  	[dreg:$0x2] =	wrdreg s24  }
0xaf: {  	[dreg:$0x3] =	wrdreg s2  }
0xb0: {  	[dreg:$0x4] =	wrdreg $0x0  }
0xb1: {  	[dreg:$0x5] =	wrdreg $0x9  }
0xb2: {  	_ =	task.clear_ibuf [dreg:s7], $0x6FFFF;
	_ =	strace $0x9000004F  }
0xb3: {  	s29 =	simm.s32 $0x9;
	_ =	strace $0x80000051  }
0xb4: {  	_ =	swait.ge [sflag:s29], $0x1  }
0xb5: {  	[sflag:s29] =	ssyncadd.s32 $0xFFFFFFFF  }
0xb6: {  	_ =	strace $0x90000051  }
0xb7: {  	_ =	sfence  }
0xb8: {  	s30 =	sld [smem:$0x0];
	_ =	sdelay $0x2  }
0xb9: {  	s31 =	sshll.u32 s1, $0xD;
	s1 =	sshrl.u32 s1, $0x2  }
0xba: {  	s3 =	sand.u32 $0x4000, s31;
	s1 =	sadd.s32 s1, s30  }
0xbb: {  	s0 =	sor.u32 s3, s0;
	s1 =	sshll.u32 s1, $0x11  }
0xbc: {  	s0 =	sor.u32 s1, s0  }
0xbd: {  	s0 =	sadd.s32 $0x8F2B, s0  }
0xbe: {  	[sflag:s0] =	ssyncadd.remote.s32 $0x1  }
0xbf: {  	_ =	sfence.sel $0xFFFF  }
0xc0: {  	[dreg:$0x0] =	wrdreg $0xFFFFFFFF;
	(pc) =	sbr.abs _section_cstart, $3  }
0xc1: {  	[dreg:$0x1] =	wrdreg $0xFFFFFFFF  }
0xc2: {  	_ =	task.clear_ibuf [dreg:s7], $0x2FFFF;
	_ =	strace $0x9FFFFFFF  }
0xc3: {  	(tm) =	ssettm $0x7FFFFFFF  }
tec
execute0_lowered:
.L_overlay_start_1:
0x0: {  	(tag) =	ssettag $0x1  }
0x1: {  	s6 =	rddreg [dreg:$0x0]  }
0x2: {  	s1 =	rddreg [dreg:$0x1]  }
0x3: {  	s2 =	rddreg [dreg:$0x2];
	s3 =	srdreg.scid;
	s4 =	simm.s32 $0x0  }
0x4: {  	s18 =	simm.s32 $0x15400;
	s19 =	simm.s32 $0x16800;
	s20 =	simm.s32 $0x1A800  }
0x5: {  	s21 =	simm.s32 $0x1;
	s9 =	sand.u32 $0x1, s3;
	s3 =	stileid.u32  }
0x6: {  	[smem:$0x7FF] =	sst s4;
	s5 =	sadd.s32 $0x22400, s6;
	s7 =	smul.u32 $0x140000, s9  }
0x7: {  	s11 =	sadd.s32 $0x18400, s6;
	s12 =	sadd.s32 $0x4400, s6;
	s8 =	smul.u32 $0x14000, s3  }
0x8: {  	_ =	strace $0x80000050;
	s22 =	ssub.s32 $0x2, s9;
	s10 =	smul.u32 $0x50000, s3  }
0x9: {  	s25 =	sshll.u32 s3, $0x6;
	s26 =	smul.u32 $0x5000, s3;
	s14 =	sshll.u32 s9, $0x8  }
0xa: {  	s15 =	smul.u32 $0x2800, s9;
	s9 =	sshllo.u32 s9, $0x1;
	s23 =	sshrl.u32 s22, $0x1  }
0xb: {  	s16 =	sshll.u32 s9, $0x7;
	s17 =	smul.u32 $0x1400, s9;
	s7 =	sadd.s32 s8, s7  }
0xc: {  	s8 =	ssub.s32 s22, s23;
	s24 =	sshrl.u32 s10, $0x2;
	s14 =	sor.u32 s26, s14  }
0xd: {  	s28 =	sadd.s32 s26, s15;
	s29 =	sor.u32 s26, s16;
	s16 =	simm.s32 $0x200  }
0xe: {  	s22 =	simm.s32 $0x2;
	s23 =	simm.s32 $0x15380;
	s7 =	sshrl.u32 s7, $0x3  }
0xf: {  	s13 =	sadd.s32 s24, s2;
	s8 =	smax.u32 s8, $0x1;
	s14 =	sshrl.u32 s14, $0x3  }
0x10: {  	s15 =	sshrl.u32 s29, $0x3;
	s30 =	sadd.s32 s26, s17;
	s17 =	simm.s32 $0x14000  }
0x11: {  	s24 =	simm.s32 $0x16700;
	s26 =	simm.s32 $0x0;
	s7 =	sadd.s32 s7, s6  }
0x12: {  	s6 =	sor.u32 $0x1C03, s25;
	s9 =	sadd.s32 s11, s14;
	s14 =	sshrl.u32 s28, $0x3  }
0x13: {  	s11 =	sadd.s32 s11, s15;
	s31 =	sshrl.u32 s30, $0x3;
	s13 =	sshrl.u32 s13, $0x3  }
0x14: {  	s15 =	simm.s32 $0x80;
	s25 =	simm.s32 $0x16780;
	s7 =	sadd.s32 $0x49600, s7  }
0x15: {  	s10 =	sadd.s32 s12, s14;
	s12 =	sadd.s32 s12, s31;
	s14 =	simm.s32 $0x3  }
.LBB2_1:
0x16: {  	[spmem:s13], [sflag:s6] =	dma.local [hbm:s1], $0x2800  }
0x17: {  	_ =	swait.ge [sflag:s14], $0x2800  }
0x18: {  	[sflag:s14] =	ssyncset.done $0x0  }
0x19: {  	[sflag:s14] =	ssyncadd.s32 $0xFFFFD800  }
0x1a: {  	[bflag:$0x0] =	sbarrier.arrive $0xFFFF  }
0x1b: {  	[tilespmem:s17], [sflag:$0x3] =	stream.strided.gather [hbm4b:s9+s15], $0x1400, s16, s15, $0x38;
	[tilespmem:$0x1E800] =	vst v63  }
0x1c: {  	_ =	swait.ge [sflag:s14], $0x1400  }
0x1d: {  	[sflag:s14] =	ssyncset.done $0x0  }
0x1e: {  	[sflag:s14] =	ssyncadd.s32 $0xFFFFEC00  }
0x1f: {  	[tilespmem:s18], [sflag:$0x3] =	stream.linear.gather [hbm4b:s10+s4], $0x1400, $0x38;
	[tilespmem:$0x1E800] =	vst v63  }
0x20: {  	_ =	swait.ge [sflag:s14], $0x1400  }
0x21: {  	[sflag:s14] =	ssyncset.done $0x0  }
0x22: {  	[sflag:s14] =	ssyncadd.s32 $0xFFFFEC00  }
0x23: {  	[tilespmem:s19], [sflag:$0x1] =	stream.indirect.gather [hbm4b:s5+s15], $0x80, s17, s15, $0xb8;
	[tilespmem:$0x1E800] =	vst v63  }
0x24: {  	s28 =	simm.s32 $0x14080  }
0x25: {  	[tilespmem:s20], [sflag:$0x2] =	stream.indirect.gather [hbm4b:s5+s15], $0x80, s28, s15, $0xb8;
	[tilespmem:$0x1E800] =	vst v63  }
0x26: {  	_ =	swait.ge [sflag:s21], $0x4000  }
0x27: {  	[sflag:s21] =	ssyncset.done $0x0  }
0x28: {  	s28 =	simm.s32 $0x15400;
	[sflag:s21] =	ssyncadd.s32 $0xFFFFC000  }
0x29: {  	[spmem:s2] =	stream.indirect.scatter.add.f32 [tilespmem:s19], [sflag:$0x3], $0x80, s28, s15, $0xb8;
	[tilespmem:$0x1E800] =	vst v63  }
0x2a: {  	_ =	swait.ge [sflag:s14], $0x4000  }
0x2b: {  	[sflag:s14] =	ssyncset.done $0x0  }
0x2c: {  	s28 =	simm.s32 $0x14100;
	[sflag:s14] =	ssyncadd.s32 $0xFFFFC000  }
0x2d: {  	[tilespmem:s19], [sflag:$0x1] =	stream.indirect.gather [hbm4b:s5+s15], $0x80, s28, s15, $0xb8;
	[tilespmem:$0x1E800] =	vst v63  }
0x2e: {  	_ =	swait.ge [sflag:s22], $0x4000  }
0x2f: {  	[sflag:s22] =	ssyncset.done $0x0  }
0x30: {  	s28 =	simm.s32 $0x15480;
	[sflag:s22] =	ssyncadd.s32 $0xFFFFC000  }
0x31: {  	[spmem:s2] =	stream.indirect.scatter.add.f32 [tilespmem:s20], [sflag:$0x3], $0x80, s28, s15, $0xb8;
	[tilespmem:$0x1E800] =	vst v63  }
0x32: {  	_ =	swait.ge [sflag:s14], $0x4000  }
0x33: {  	s29 =	simm.s32 $0x800;
	s28 =	simm.s32 $0x100;
	[sflag:s14] =	ssyncset.done $0x0  }
.LBB2_2:
0x34: {  	s30 =	sadd.s32 $0x14080, s28  }
0x35: {  	[sflag:s14] =	ssyncadd.s32 $0xFFFFC000;
	s31 =	smov.u32 s29;
	s0 =	sadd.s32 $0x400, s29  }
0x36: {  	[tilespmem:s20], [sflag:$0x2] =	stream.indirect.gather [hbm4b:s5+s15], $0x80, s30, s15, $0xb8;
	[tilespmem:$0x1E800] =	vst v63  }
0x37: {  	p0 =	sne.s32 s29, $0x4800;
	_ =	swait.ge [sflag:s21], $0x4000  }
0x38: {  	[sflag:s21] =	ssyncset.done $0x0  }
0x39: {  	s29 =	sadd.s32 $0x15400, s28;
	[sflag:s21] =	ssyncadd.s32 $0xFFFFC000  }
0x3a: {  	[spmem:s2] =	stream.indirect.scatter.add.f32 [tilespmem:s19], [sflag:$0x3], $0x80, s29, s15, $0xb8;
	[tilespmem:$0x1E800] =	vst v63  }
0x3b: {  	_ =	swait.ge [sflag:s14], $0x4000  }
0x3c: {  	[sflag:s14] =	ssyncset.done $0x0  }
0x3d: {  	s29 =	sadd.s32 $0x14100, s28;
	[sflag:s14] =	ssyncadd.s32 $0xFFFFC000  }
0x3e: {  	[tilespmem:s19], [sflag:$0x1] =	stream.indirect.gather [hbm4b:s5+s15], $0x80, s29, s15, $0xb8;
	[tilespmem:$0x1E800] =	vst v63  }
0x3f: {  	_ =	swait.ge [sflag:s22], $0x4000  }
.Ltmp0:
0x40: {  	[sflag:s22] =	ssyncset.done $0x0;
	(pc) =	sbr.rel @p0 .LBB2_2-.Ltmp0, $4  }
0x41: {  	s28 =	sadd.s32 $0x15480, s28;
	[sflag:s22] =	ssyncadd.s32 $0xFFFFC000  }
0x42: {  	[spmem:s2] =	stream.indirect.scatter.add.f32 [tilespmem:s20], [sflag:$0x3], $0x80, s28, s15, $0xb8;
	[tilespmem:$0x1E800] =	vst v63  }
0x43: {  	_ =	swait.ge [sflag:s14], $0x4000  }
0x44: {  	s29 =	smov.u32 s0;
	s28 =	sshra.s32 s31, $0x2;
	[sflag:s14] =	ssyncset.done $0x0  }
0x45: {  	s0 =	sadd.s32 $0x14080, s28;
	[sflag:s14] =	ssyncadd.s32 $0xFFFFC000  }
0x46: {  	[tilespmem:s20], [sflag:$0x2] =	stream.indirect.gather [hbm4b:s5+s15], $0x80, s0, s15, $0xb8;
	[tilespmem:$0x1E800] =	vst v63  }
0x47: {  	_ =	swait.ge [sflag:s21], $0x4000  }
0x48: {  	[sflag:s21] =	ssyncset.done $0x0  }
0x49: {  	s30 =	sadd.s32 $0x15400, s28;
	[sflag:s21] =	ssyncadd.s32 $0xFFFFC000  }
0x4a: {  	[spmem:s2] =	stream.indirect.scatter.add.f32 [tilespmem:s19], [sflag:$0x3], $0x80, s30, s15, $0xb8;
	[tilespmem:$0x1E800] =	vst v63  }
0x4b: {  	_ =	swait.ge [sflag:s14], $0x4000  }
0x4c: {  	[sflag:s14] =	ssyncset.done $0x0  }
0x4d: {  	s31 =	sadd.s32 $0x14100, s28;
	[sflag:s14] =	ssyncadd.s32 $0xFFFFC000  }
0x4e: {  	[tilespmem:s19], [sflag:$0x1] =	stream.indirect.gather [hbm4b:s5+s15], $0x80, s31, s15, $0xb8;
	[tilespmem:$0x1E800] =	vst v63  }
0x4f: {  	_ =	swait.ge [sflag:s22], $0x4000  }
0x50: {  	[sflag:s22] =	ssyncset.done $0x0  }
0x51: {  	s30 =	sadd.s32 $0x15480, s28;
	[sflag:s22] =	ssyncadd.s32 $0xFFFFC000  }
0x52: {  	[spmem:s2] =	stream.indirect.scatter.add.f32 [tilespmem:s20], [sflag:$0x3], $0x80, s30, s15, $0xb8;
	[tilespmem:$0x1E800] =	vst v63  }
0x53: {  	_ =	swait.ge [sflag:s14], $0x4000  }
0x54: {  	[sflag:s14] =	ssyncset.done $0x0  }
0x55: {  	[sflag:s14] =	ssyncadd.s32 $0xFFFFC000  }
0x56: {  	[tilespmem:s20], [sflag:$0x2] =	stream.indirect.gather [hbm4b:s5+s15], $0x80, s23, s15, $0xb8;
	[tilespmem:$0x1E800] =	vst v63  }
0x57: {  	_ =	swait.ge [sflag:s21], $0x4000  }
0x58: {  	[sflag:s21] =	ssyncset.done $0x0  }
0x59: {  	[sflag:s21] =	ssyncadd.s32 $0xFFFFC000  }
0x5a: {  	[spmem:s2] =	stream.indirect.scatter.add.f32 [tilespmem:s19], [sflag:$0x3], $0x80, s24, s15, $0xb8;
	[tilespmem:$0x1E800] =	vst v63  }
0x5b: {  	_ =	swait.ge [sflag:s14], $0x4000  }
0x5c: {  	[sflag:s14] =	ssyncset.done $0x0  }
0x5d: {  	[sflag:s14] =	ssyncadd.s32 $0xFFFFC000  }
0x5e: {  	_ =	swait.ge [sflag:s22], $0x4000  }
0x5f: {  	[sflag:s22] =	ssyncset.done $0x0  }
0x60: {  	[sflag:s22] =	ssyncadd.s32 $0xFFFFC000  }
0x61: {  	[spmem:s2] =	stream.indirect.scatter.add.f32 [tilespmem:s20], [sflag:$0x3], $0x80, s25, s15, $0xb8;
	[tilespmem:$0x1E800] =	vst v63  }
0x62: {  	_ =	swait.ge [sflag:s14], $0x4000  }
0x63: {  	[sflag:s14] =	ssyncset.done $0x0  }
0x64: {  	[sflag:s14] =	ssyncadd.s32 $0xFFFFC000  }
0x65: {  	[tilespmem:s17], [sflag:$0x3] =	stream.strided.gather [hbm4b:s11+s15], $0x1400, s16, s15, $0x38;
	[tilespmem:$0x1E800] =	vst v63  }
0x66: {  	_ =	swait.ge [sflag:s14], $0x1400  }
0x67: {  	[sflag:s14] =	ssyncset.done $0x0  }
0x68: {  	s31 =	simm.s32 $0x0;
	[sflag:s14] =	ssyncadd.s32 $0xFFFFEC00  }
0x69: {  	[tilespmem:s18], [sflag:$0x3] =	stream.linear.gather [hbm4b:s12+s31], $0x1400, $0x38;
	[tilespmem:$0x1E800] =	vst v63  }
0x6a: {  	_ =	swait.ge [sflag:s14], $0x1400  }
0x6b: {  	[sflag:s14] =	ssyncset.done $0x0  }
0x6c: {  	[sflag:s14] =	ssyncadd.s32 $0xFFFFEC00  }
0x6d: {  	[tilespmem:s19], [sflag:$0x1] =	stream.indirect.gather [hbm4b:s5+s15], $0x80, s17, s15, $0xb8;
	[tilespmem:$0x1E800] =	vst v63  }
0x6e: {  	s30 =	simm.s32 $0x14080  }
0x6f: {  	[tilespmem:s20], [sflag:$0x2] =	stream.indirect.gather [hbm4b:s5+s15], $0x80, s30, s15, $0xb8;
	[tilespmem:$0x1E800] =	vst v63  }
0x70: {  	_ =	swait.ge [sflag:s21], $0x4000  }
0x71: {  	[sflag:s21] =	ssyncset.done $0x0  }
0x72: {  	s31 =	simm.s32 $0x15400;
	[sflag:s21] =	ssyncadd.s32 $0xFFFFC000  }
0x73: {  	[spmem:s2] =	stream.indirect.scatter.add.f32 [tilespmem:s19], [sflag:$0x3], $0x80, s31, s15, $0xb8;
	[tilespmem:$0x1E800] =	vst v63  }
0x74: {  	_ =	swait.ge [sflag:s14], $0x4000  }
0x75: {  	[sflag:s14] =	ssyncset.done $0x0  }
0x76: {  	s30 =	simm.s32 $0x14100;
	[sflag:s14] =	ssyncadd.s32 $0xFFFFC000  }
0x77: {  	[tilespmem:s19], [sflag:$0x1] =	stream.indirect.gather [hbm4b:s5+s15], $0x80, s30, s15, $0xb8;
	[tilespmem:$0x1E800] =	vst v63  }
0x78: {  	_ =	swait.ge [sflag:s22], $0x4000  }
0x79: {  	[sflag:s22] =	ssyncset.done $0x0  }
0x7a: {  	s31 =	simm.s32 $0x15480;
	[sflag:s22] =	ssyncadd.s32 $0xFFFFC000  }
0x7b: {  	[spmem:s2] =	stream.indirect.scatter.add.f32 [tilespmem:s20], [sflag:$0x3], $0x80, s31, s15, $0xb8;
	[tilespmem:$0x1E800] =	vst v63  }
0x7c: {  	_ =	swait.ge [sflag:s14], $0x4000  }
0x7d: {  	s29 =	simm.s32 $0x800;
	s28 =	simm.s32 $0x100;
	[sflag:s14] =	ssyncset.done $0x0  }
.LBB2_4:
0x7e: {  	s0 =	sadd.s32 $0x14080, s28  }
0x7f: {  	[sflag:s14] =	ssyncadd.s32 $0xFFFFC000;
	s30 =	smov.u32 s29;
	s31 =	sadd.s32 $0x400, s29  }
0x80: {  	[tilespmem:s20], [sflag:$0x2] =	stream.indirect.gather [hbm4b:s5+s15], $0x80, s0, s15, $0xb8;
	[tilespmem:$0x1E800] =	vst v63  }
0x81: {  	p0 =	sne.s32 s29, $0x4800;
	_ =	swait.ge [sflag:s21], $0x4000  }
0x82: {  	[sflag:s21] =	ssyncset.done $0x0  }
0x83: {  	s0 =	sadd.s32 $0x15400, s28;
	[sflag:s21] =	ssyncadd.s32 $0xFFFFC000  }
0x84: {  	[spmem:s2] =	stream.indirect.scatter.add.f32 [tilespmem:s19], [sflag:$0x3], $0x80, s0, s15, $0xb8;
	[tilespmem:$0x1E800] =	vst v63  }
0x85: {  	_ =	swait.ge [sflag:s14], $0x4000  }
0x86: {  	[sflag:s14] =	ssyncset.done $0x0  }
0x87: {  	s0 =	sadd.s32 $0x14100, s28;
	[sflag:s14] =	ssyncadd.s32 $0xFFFFC000  }
0x88: {  	[tilespmem:s19], [sflag:$0x1] =	stream.indirect.gather [hbm4b:s5+s15], $0x80, s0, s15, $0xb8;
	[tilespmem:$0x1E800] =	vst v63  }
0x89: {  	_ =	swait.ge [sflag:s22], $0x4000  }
.Ltmp1:
0x8a: {  	[sflag:s22] =	ssyncset.done $0x0;
	(pc) =	sbr.rel @p0 .LBB2_4-.Ltmp1, $4  }
0x8b: {  	s0 =	sadd.s32 $0x15480, s28;
	[sflag:s22] =	ssyncadd.s32 $0xFFFFC000  }
0x8c: {  	[spmem:s2] =	stream.indirect.scatter.add.f32 [tilespmem:s20], [sflag:$0x3], $0x80, s0, s15, $0xb8;
	[tilespmem:$0x1E800] =	vst v63  }
0x8d: {  	_ =	swait.ge [sflag:s14], $0x4000  }
0x8e: {  	s29 =	smov.u32 s31;
	s28 =	sshra.s32 s30, $0x2;
	[sflag:s14] =	ssyncset.done $0x0  }
0x8f: {  	s0 =	sadd.s32 $0x14080, s28;
	[sflag:s14] =	ssyncadd.s32 $0xFFFFC000  }
0x90: {  	[tilespmem:s20], [sflag:$0x2] =	stream.indirect.gather [hbm4b:s5+s15], $0x80, s0, s15, $0xb8;
	[tilespmem:$0x1E800] =	vst v63  }
0x91: {  	_ =	swait.ge [sflag:s21], $0x4000  }
0x92: {  	[sflag:s21] =	ssyncset.done $0x0  }
0x93: {  	s29 =	sadd.s32 $0x15400, s28;
	[sflag:s21] =	ssyncadd.s32 $0xFFFFC000  }
0x94: {  	[spmem:s2] =	stream.indirect.scatter.add.f32 [tilespmem:s19], [sflag:$0x3], $0x80, s29, s15, $0xb8;
	[tilespmem:$0x1E800] =	vst v63  }
0x95: {  	_ =	swait.ge [sflag:s14], $0x4000  }
0x96: {  	[sflag:s14] =	ssyncset.done $0x0  }
0x97: {  	s30 =	sadd.s32 $0x14100, s28;
	[sflag:s14] =	ssyncadd.s32 $0xFFFFC000  }
0x98: {  	[tilespmem:s19], [sflag:$0x1] =	stream.indirect.gather [hbm4b:s5+s15], $0x80, s30, s15, $0xb8;
	[tilespmem:$0x1E800] =	vst v63  }
0x99: {  	_ =	swait.ge [sflag:s22], $0x4000  }
0x9a: {  	[sflag:s22] =	ssyncset.done $0x0  }
0x9b: {  	s31 =	sadd.s32 $0x15480, s28;
	[sflag:s22] =	ssyncadd.s32 $0xFFFFC000  }
0x9c: {  	[spmem:s2] =	stream.indirect.scatter.add.f32 [tilespmem:s20], [sflag:$0x3], $0x80, s31, s15, $0xb8;
	[tilespmem:$0x1E800] =	vst v63  }
0x9d: {  	_ =	swait.ge [sflag:s14], $0x4000  }
0x9e: {  	[sflag:s14] =	ssyncset.done $0x0  }
0x9f: {  	[sflag:s14] =	ssyncadd.s32 $0xFFFFC000  }
0xa0: {  	[tilespmem:s20], [sflag:$0x2] =	stream.indirect.gather [hbm4b:s5+s15], $0x80, s23, s15, $0xb8;
	[tilespmem:$0x1E800] =	vst v63  }
0xa1: {  	_ =	swait.ge [sflag:s21], $0x4000  }
0xa2: {  	[sflag:s21] =	ssyncset.done $0x0  }
0xa3: {  	[sflag:s21] =	ssyncadd.s32 $0xFFFFC000  }
0xa4: {  	[spmem:s2] =	stream.indirect.scatter.add.f32 [tilespmem:s19], [sflag:$0x3], $0x80, s24, s15, $0xb8;
	[tilespmem:$0x1E800] =	vst v63  }
0xa5: {  	_ =	swait.ge [sflag:s14], $0x4000  }
0xa6: {  	[sflag:s14] =	ssyncset.done $0x0  }
0xa7: {  	[sflag:s14] =	ssyncadd.s32 $0xFFFFC000  }
0xa8: {  	_ =	swait.ge [sflag:s22], $0x4000  }
0xa9: {  	[sflag:s22] =	ssyncset.done $0x0  }
0xaa: {  	[sflag:s22] =	ssyncadd.s32 $0xFFFFC000  }
0xab: {  	[spmem:s2] =	stream.indirect.scatter.add.f32 [tilespmem:s20], [sflag:$0x3], $0x80, s25, s15, $0xb8;
	[tilespmem:$0x1E800] =	vst v63  }
0xac: {  	_ =	swait.ge [sflag:s14], $0x4000  }
0xad: {  	s26 =	sadd.s32 $0x1, s26;
	[sflag:s14] =	ssyncset.done $0x0  }
0xae: {  	p0 =	sne.s32 s26, s8;
	[sflag:s14] =	ssyncadd.s32 $0xFFFFC000  }
.Ltmp2:
0xaf: {  	[bflag:$0x0] =	sbarrier.arrive $0xFFFF;
	(pc) =	sbr.rel @p0 .LBB2_1-.Ltmp2, $4  }
0xb0: {  	[hbm:s7], [sflag:s6] =	dma.local [spmem:s13], $0x2800  }
0xb1: {  	_ =	swait.ge [sflag:s14], $0x2800  }
0xb2: {  	[sflag:s14] =	ssyncset.done $0x0  }
0xb3: {  	[sflag:s14] =	ssyncadd.s32 $0xFFFFD800  }
0xb4: {  	_ =	sfence.sel $0x180000  }
0xb5: {  	[bflag:$0x0] =	sbarrier.arrive $0xFFFF  }
0xb6: {  	_ =	strace $0x90000050  }
0xb7: {  	[bflag:$0x2] =	sbarrier.arrive $0xFFFF  }
0xb8: {  	p0 =	sne.s32 s3, $0x0;
	s0 =	rddreg [dreg:$0x3]  }
0xb9: {  	s0 =	sadd.s32 @!p0 $0x100000, s0  }
0xba: {  	[sflag:s0] =	ssyncadd.tile.s32 @!p0 $0x1;
	_ =	shalt  }
.Lfunc_end2:
_tile_overlayer_lowered:
.L_overlay_start_2:
0xbb: {  	(tag) =	ssettag $0x2  }
0xbc: {  	s0 =	rddreg [dreg:$0x0];
	s2 =	stileid.u32  }
0xbd: {  	s1 =	rddreg [dreg:$0x1];
	p0 =	sne.s32 s2, $0x0  }
0xbe: {  	s3 =	rddreg [dreg:$0x2];
	[bflag:$0x3] =	sbarrier.arrive $0xFFFF;
	s2 =	simm.s32 @!p0 $0x1C03  }
0xbf: {  	[timem:s3], [sflag:s2] =	dma.local @!p0 [hbm:s0], s1  }
0xc0: {  	s0 =	simm.s32 @!p0 $0x3  }
0xc1: {  	_ =	swait.ge @!p0 [sflag:s0], s1  }
0xc2: {  	s1 =	ssub.s32 @!p0 $0x0, s1;
	[sflag:s0] =	ssyncset.done @!p0 $0x0  }
0xc3: {  	[sflag:s0] =	ssyncadd.s32 @!p0 s1  }
0xc4: {  	[bflag:$0x3] =	sbarrier.arrive $0xFFFF  }
0xc5: {  	_ =	shalt  }

</sc_bundles>
